<compile_context>
chip_gen: v7x
topology: tpu7x:2x2x1
jax: 0.10.2.dev20260603
libtpu: 0.0.44.dev20260713+nightly
codegen_flags: <defaults>
</compile_context>

<pallas_src>
import functools

import jax
import jax.numpy as jnp
from jax import lax
from jax.experimental import pallas as pl
from jax.experimental.pallas import tpu as pltpu
from jax.experimental.pallas import tpu_sc as plsc

_N = 10000
_E = 320000
_IN = 128
_HID = 256
_LAT = 64
_G = 64
_NC, _NS = 2, 16
_NW = _NC * _NS
_EPW = _E // _NW
_CH = 128
_NCHUNK = _EPW // _CH
_TAIL = _EPW - _NCHUNK * _CH
_NP = 10240
_DRPT = _NP // _NS
_DW = 8
_BLK = 1000
_NB = _N // _BLK
_EPS = 1e-5


def _sc_mesh():
    return plsc.VectorSubcoreMesh(
        core_axis_name="c", subcore_axis_name="s",
        num_cores=_NC, num_subcores=_NS)


def _sc_degree_body(dst_hbm, zeros_hbm, ones_hbm, out_hbm,
                    acc, di2, ones_v, dit, ones_t, sem0, sem1):
    c = lax.axis_index("c")
    s = lax.axis_index("s")
    wid = s * _NC + c
    base = wid * _EPW
    pltpu.sync_copy(zeros_hbm, acc.at[pl.ds(s * _DRPT, _DRPT)])
    pltpu.sync_copy(ones_hbm, ones_v)
    pltpu.sync_copy(ones_hbm.at[pl.ds(0, _TAIL)], ones_t)
    plsc.subcore_barrier()
    pltpu.async_copy(dst_hbm.at[pl.ds(base, _CH)], di2.at[0], sem0)

    def half(i, b, semb, nb, semn):
        @pl.when(i + 1 < _NCHUNK)
        def _():
            off = base + (i + 1) * _CH
            pltpu.async_copy(dst_hbm.at[pl.ds(off, _CH)], di2.at[nb], semn)
        pltpu.make_async_copy(dst_hbm.at[pl.ds(base, _CH)], di2.at[b], semb).wait()
        pltpu.sync_copy(ones_v, acc.at[di2.at[b]], add=True)

    def body(j, carry):
        i = j * 2
        half(i, 0, sem0, 1, sem1)
        half(i + 1, 1, sem1, 0, sem0)
        return carry

    lax.fori_loop(0, _NCHUNK // 2, body, 0)
    off = base + _NCHUNK * _CH
    pltpu.sync_copy(dst_hbm.at[pl.ds(off, _TAIL)], dit)
    pltpu.sync_copy(ones_t, acc.at[dit], add=True)
    plsc.subcore_barrier()
    pltpu.sync_copy(acc.at[pl.ds(s * _DRPT, _DRPT)],
                    out_hbm.at[pl.ds(c * _NP + s * _DRPT, _DRPT)])


@functools.cache
def _build_sc_degree():
    return pl.kernel(
        _sc_degree_body,
        out_type=jax.ShapeDtypeStruct((_NC * _NP, _DW), jnp.float32),
        mesh=_sc_mesh(),
        compiler_params=pltpu.CompilerParams(use_tc_tiling_on_sc=False),
        scratch_types=[
            pltpu.VMEM_SHARED((_NP, _DW), jnp.float32),
            pltpu.VMEM((2, _CH), jnp.int32),
            pltpu.VMEM((_CH, _DW), jnp.float32),
            pltpu.VMEM((_TAIL,), jnp.int32),
            pltpu.VMEM((_TAIL, _DW), jnp.float32),
            pltpu.SemaphoreType.DMA,
            pltpu.SemaphoreType.DMA,
        ],
    )


def _sc_degree(*args):
    return _build_sc_degree()(*args)


def _make_prop_body(D, ch, nch):
    rem = _EPW - nch * ch

    def prop(src_hbm, dst_hbm, tab_hbm, zeros_hbm, out_hbm,
             acc, si2, di2, rows2, sit, dit, rows_t, sem0, sem1):
        c = lax.axis_index("c")
        s = lax.axis_index("s")
        wid = s * _NC + c
        base = wid * _EPW
        pltpu.sync_copy(zeros_hbm, acc.at[pl.ds(s * _DRPT, _DRPT)])
        plsc.subcore_barrier()

        pltpu.sync_copy(src_hbm.at[pl.ds(base, ch)], si2.at[0])
        pltpu.sync_copy(dst_hbm.at[pl.ds(base, ch)], di2.at[0])
        pltpu.async_copy(tab_hbm.at[si2.at[0]], rows2.at[0], sem0)

        def half(i, b, semb, nb, semn):
            @pl.when(i + 1 < nch)
            def _():
                off = base + (i + 1) * ch
                pltpu.sync_copy(src_hbm.at[pl.ds(off, ch)], si2.at[nb])
                pltpu.sync_copy(dst_hbm.at[pl.ds(off, ch)], di2.at[nb])
                pltpu.async_copy(tab_hbm.at[si2.at[nb]], rows2.at[nb], semn)
            pltpu.make_async_copy(tab_hbm.at[si2.at[b]], rows2.at[b], semb).wait()
            pltpu.sync_copy(rows2.at[b], acc.at[di2.at[b]], add=True)

        def body(j, carry):
            i = j * 2
            half(i, 0, sem0, 1, sem1)
            half(i + 1, 1, sem1, 0, sem0)
            return carry

        lax.fori_loop(0, nch // 2, body, 0)
        if nch % 2:
            half(nch - 1, 0, sem0, 1, sem1)
        off = base + nch * ch
        pltpu.sync_copy(src_hbm.at[pl.ds(off, rem)], sit)
        pltpu.sync_copy(dst_hbm.at[pl.ds(off, rem)], dit)
        pltpu.sync_copy(tab_hbm.at[sit], rows_t)
        pltpu.sync_copy(rows_t, acc.at[dit], add=True)
        plsc.subcore_barrier()
        pltpu.sync_copy(acc.at[pl.ds(s * _DRPT, _DRPT)],
                        out_hbm.at[pl.ds(c * _NP + s * _DRPT, _DRPT)])

    return prop


@functools.cache
def _build_sc_prop(D, ch, nch, tc_tiling):
    rem = _EPW - nch * ch
    return pl.kernel(
        _make_prop_body(D, ch, nch),
        out_type=jax.ShapeDtypeStruct((_NC * _NP, D), jnp.float32),
        mesh=_sc_mesh(),
        compiler_params=pltpu.CompilerParams(use_tc_tiling_on_sc=tc_tiling),
        scratch_types=[
            pltpu.VMEM_SHARED((_NP, D), jnp.float32),
            pltpu.VMEM((2, ch), jnp.int32),
            pltpu.VMEM((2, ch), jnp.int32),
            pltpu.VMEM((2, ch, D), jnp.float32),
            pltpu.VMEM((rem,), jnp.int32),
            pltpu.VMEM((rem,), jnp.int32),
            pltpu.VMEM((rem, D), jnp.float32),
            pltpu.SemaphoreType.DMA,
            pltpu.SemaphoreType.DMA,
        ],
    )


def _sc_prop128(*args):
    return _build_sc_prop(_IN, _CH, _NCHUNK, True)(*args)


def _sc_prop64(*args):
    return _build_sc_prop(_LAT, 256, _EPW // 256, False)(*args)


def _degscale_body(degp_ref, x_ref, dinv_ref, xs_ref, dcol):
    i = pl.program_id(0)

    @pl.when(i == 0)
    def _():
        d = degp_ref[0, :, 0:1] + degp_ref[1, :, 0:1]
        dv = jnp.where(d > 0, lax.rsqrt(jnp.maximum(d, 1e-12)), 0.0)
        dcol[...] = dv
        dinv_ref[...] = dv

    @pl.when(i > 0)
    def _():
        xs_ref[...] = x_ref[...] * dcol[pl.ds((i - 1) * _BLK, _BLK), :]


def _tc_degscale(degp, x):
    return pl.pallas_call(
        _degscale_body,
        grid=(_NB + 1,),
        in_specs=[
            pl.BlockSpec((2, _NP, _DW), lambda i: (0, 0, 0)),
            pl.BlockSpec((_BLK, _IN), lambda i: (jnp.maximum(i - 1, 0), 0)),
        ],
        out_specs=[
            pl.BlockSpec((_NP, 1), lambda i: (0, 0)),
            pl.BlockSpec((_BLK, _IN), lambda i: (jnp.maximum(i - 1, 0), 0)),
        ],
        out_shape=[
            jax.ShapeDtypeStruct((_NP, 1), jnp.float32),
            jax.ShapeDtypeStruct((_N, _IN), jnp.float32),
        ],
        scratch_shapes=[pltpu.VMEM((_NP, 1), jnp.float32)],
    )(degp, x)


def _encoder_body(p1_ref, dinv_ref, w1_ref, g1_ref, be1_ref, w2_ref,
                  ts_ref, pst, psum, smat, scsh):
    p = pl.program_id(0)
    i = pl.program_id(1)

    @pl.when(jnp.logical_and(p == 0, i == 0))
    def _():
        psum[...] = jnp.zeros_like(psum)
        smat[...] = jnp.zeros_like(smat)

    @pl.when(p == 0)
    def _():
        pb = (p1_ref[0] + p1_ref[1]) * dinv_ref[...]
        pst[pl.ds(i * _BLK, _BLK), :] = pb
        psum[...] += jnp.sum(pb, axis=0, keepdims=True)
        smat[...] += lax.dot_general(pb, pb, (((0,), (0,)), ((), ())),
                                     preferred_element_type=jnp.float32)

    @pl.when(jnp.logical_and(p == 1, i == 0))
    def _():
        w1 = w1_ref[...]
        pbar = psum[...] * (1.0 / _N)
        mu = lax.dot_general(pbar, w1, (((1,), (0,)), ((), ())),
                             preferred_element_type=jnp.float32)
        cov = smat[...] * (1.0 / _N) - lax.dot_general(
            pbar, pbar, (((0,), (0,)), ((), ())),
            preferred_element_type=jnp.float32)
        cw = lax.dot_general(cov, w1, (((1,), (0,)), ((), ())),
                             preferred_element_type=jnp.float32)
        var = jnp.sum(w1 * cw, axis=0, keepdims=True)
        sc = g1_ref[...] * lax.rsqrt(var + _EPS)
        scsh[0:1, :] = sc
        scsh[1:2, :] = be1_ref[...] - mu * sc

    @pl.when(p == 1)
    def _():
        pb = pst[pl.ds(i * _BLK, _BLK), :]
        h = lax.dot_general(pb, w1_ref[...], (((1,), (0,)), ((), ())),
                            preferred_element_type=jnp.float32)
        z = jnp.maximum(h * scsh[0:1, :] + scsh[1:2, :], 0.0)
        t = lax.dot_general(z, w2_ref[...], (((1,), (0,)), ((), ())),
                            preferred_element_type=jnp.float32)
        ts_ref[...] = t * dinv_ref[...]


def _tc_encoder(p1, dinv, W1, g1, be1, W2):
    return pl.pallas_call(
        _encoder_body,
        grid=(2, _NB),
        in_specs=[
            pl.BlockSpec((2, _BLK, _IN),
                         lambda p, i: (0, jnp.where(p == 0, i, 0), 0)),
            pl.BlockSpec((_BLK, 1), lambda p, i: (i, 0)),
            pl.BlockSpec((_IN, _HID), lambda p, i: (0, 0)),
            pl.BlockSpec((1, _HID), lambda p, i: (0, 0)),
            pl.BlockSpec((1, _HID), lambda p, i: (0, 0)),
            pl.BlockSpec((_HID, _LAT), lambda p, i: (0, 0)),
        ],
        out_specs=pl.BlockSpec((_BLK, _LAT), lambda p, i: (i, 0)),
        out_shape=jax.ShapeDtypeStruct((_N, _LAT), jnp.float32),
        scratch_shapes=[
            pltpu.VMEM((_N, _IN), jnp.float32),
            pltpu.VMEM((1, _IN), jnp.float32),
            pltpu.VMEM((_IN, _IN), jnp.float32),
            pltpu.VMEM((2, _HID), jnp.float32),
        ],
    )(p1, dinv, W1, g1, be1, W2)


def _decoder_body(p2_ref, dinv_ref, batch_ref, g2_ref, be2_ref,
                  wd1_ref, gd1_ref, bed1_ref, wd2_ref, bd2_ref,
                  xhat_ref, zg_ref,
                  z2st, znst, s2, q2, zsum, szmat, pool, cnt, sc2, scd):
    p = pl.program_id(0)
    i = pl.program_id(1)

    @pl.when(jnp.logical_and(p == 0, i == 0))
    def _():
        s2[...] = jnp.zeros_like(s2)
        q2[...] = jnp.zeros_like(q2)
        zsum[...] = jnp.zeros_like(zsum)
        szmat[...] = jnp.zeros_like(szmat)
        pool[...] = jnp.zeros_like(pool)
        cnt[...] = jnp.zeros_like(cnt)

    @pl.when(p == 0)
    def _():
        z2 = (p2_ref[0] + p2_ref[1]) * dinv_ref[...]
        z2st[pl.ds(i * _BLK, _BLK), :] = z2
        s2[...] += jnp.sum(z2, axis=0, keepdims=True)
        q2[...] += jnp.sum(z2 * z2, axis=0, keepdims=True)

    @pl.when(jnp.logical_and(p == 1, i == 0))
    def _():
        mu2 = s2[...] * (1.0 / _N)
        var2 = q2[...] * (1.0 / _N) - mu2 * mu2
        a = g2_ref[...] * lax.rsqrt(var2 + _EPS)
        sc2[0:1, :] = a
        sc2[1:2, :] = be2_ref[...] - mu2 * a

    @pl.when(p == 1)
    def _():
        zn = jnp.maximum(z2st[pl.ds(i * _BLK, _BLK), :] * sc2[0:1, :]
                         + sc2[1:2, :], 0.0)
        znst[pl.ds(i * _BLK, _BLK), :] = zn
        zsum[...] += jnp.sum(zn, axis=0, keepdims=True)
        szmat[...] += lax.dot_general(zn, zn, (((0,), (0,)), ((), ())),
                                      preferred_element_type=jnp.float32)
        seg = lax.broadcasted_iota(jnp.int32, (1, _G), 1)
        onehot = (batch_ref[...] == seg).astype(jnp.float32)
        pool[...] += lax.dot_general(onehot, zn, (((0,), (0,)), ((), ())),
                                     preferred_element_type=jnp.float32)
        ones = jnp.ones((_BLK, 1), jnp.float32)
        cnt[...] += lax.dot_general(onehot, ones, (((0,), (0,)), ((), ())),
                                    preferred_element_type=jnp.float32)

    @pl.when(jnp.logical_and(p == 2, i == 0))
    def _():
        wd1 = wd1_ref[...]
        zbar = zsum[...] * (1.0 / _N)
        mud = lax.dot_general(zbar, wd1, (((1,), (0,)), ((), ())),
                              preferred_element_type=jnp.float32)
        covz = szmat[...] * (1.0 / _N) - lax.dot_general(
            zbar, zbar, (((0,), (0,)), ((), ())),
            preferred_element_type=jnp.float32)
        cw = lax.dot_general(covz, wd1, (((1,), (0,)), ((), ())),
                             preferred_element_type=jnp.float32)
        vard = jnp.sum(wd1 * cw, axis=0, keepdims=True)
        a = gd1_ref[...] * lax.rsqrt(vard + _EPS)
        scd[0:1, :] = a
        scd[1:2, :] = bed1_ref[...] - mud * a
        zg_ref[...] = pool[...] / jnp.maximum(cnt[...], 1.0)

    @pl.when(p == 2)
    def _():
        zn = znst[pl.ds(i * _BLK, _BLK), :]
        d = lax.dot_general(zn, wd1_ref[...], (((1,), (0,)), ((), ())),
                            preferred_element_type=jnp.float32)
        dn = jnp.maximum(d * scd[0:1, :] + scd[1:2, :], 0.0)
        xhat_ref[...] = lax.dot_general(dn, wd2_ref[...],
                                        (((1,), (0,)), ((), ())),
                                        preferred_element_type=jnp.float32) \
            + bd2_ref[...]


def _tc_decoder(p2, dinv, batch2d, g2, be2, Wd1, gd1, bed1, Wd2, bd2):
    return pl.pallas_call(
        _decoder_body,
        grid=(3, _NB),
        in_specs=[
            pl.BlockSpec((2, _BLK, _LAT),
                         lambda p, i: (0, jnp.where(p == 0, i, 0), 0)),
            pl.BlockSpec((_BLK, 1),
                         lambda p, i: (jnp.where(p == 0, i, 0), 0)),
            pl.BlockSpec((_BLK, 1),
                         lambda p, i: (jnp.where(p == 1, i, 0), 0)),
            pl.BlockSpec((1, _LAT), lambda p, i: (0, 0)),
            pl.BlockSpec((1, _LAT), lambda p, i: (0, 0)),
            pl.BlockSpec((_LAT, _HID), lambda p, i: (0, 0)),
            pl.BlockSpec((1, _HID), lambda p, i: (0, 0)),
            pl.BlockSpec((1, _HID), lambda p, i: (0, 0)),
            pl.BlockSpec((_HID, _IN), lambda p, i: (0, 0)),
            pl.BlockSpec((1, _IN), lambda p, i: (0, 0)),
        ],
        out_specs=[
            pl.BlockSpec((_BLK, _IN), lambda p, i: (i, 0)),
            pl.BlockSpec((_G, _G), lambda p, i: (0, 0)),
        ],
        out_shape=[
            jax.ShapeDtypeStruct((_N, _IN), jnp.float32),
            jax.ShapeDtypeStruct((_G, _G), jnp.float32),
        ],
        scratch_shapes=[
            pltpu.VMEM((_N, _LAT), jnp.float32),
            pltpu.VMEM((_N, _LAT), jnp.float32),
            pltpu.VMEM((1, _LAT), jnp.float32),
            pltpu.VMEM((1, _LAT), jnp.float32),
            pltpu.VMEM((1, _LAT), jnp.float32),
            pltpu.VMEM((_LAT, _LAT), jnp.float32),
            pltpu.VMEM((_G, _G), jnp.float32),
            pltpu.VMEM((_G, 1), jnp.float32),
            pltpu.VMEM((2, _LAT), jnp.float32),
            pltpu.VMEM((2, _HID), jnp.float32),
        ],
    )(p2, dinv, batch2d, g2, be2, Wd1, gd1, bed1, Wd2, bd2)


def kernel(x, edge_index, batch, W1, b1, g1, be1, W2, b2, g2, be2,
           Wd1, bd1, gd1, bed1, Wd2, bd2):
    del b1, b2, bd1
    src = edge_index[0]
    dst = edge_index[1]

    zeros128 = jnp.zeros((_DRPT, _IN), jnp.float32)
    zeros_dw = jnp.zeros((_DRPT, _DW), jnp.float32)
    ones_dw = jnp.ones((_CH, _DW), jnp.float32)
    degp = _sc_degree(dst, zeros_dw, ones_dw).reshape(_NC, _NP, _DW)
    dinv_np, xs = _tc_degscale(degp, x)
    dinv = dinv_np[:_N]

    p1 = _sc_prop128(src, dst, xs, zeros128).reshape(_NC, _NP, _IN)[:, :_N]

    ts = _tc_encoder(p1, dinv, W1,
                     g1.reshape(1, _HID), be1.reshape(1, _HID), W2)

    zeros64 = jnp.zeros((_DRPT, _LAT), jnp.float32)
    p2 = _sc_prop64(src, dst, ts, zeros64).reshape(_NC, _NP, _LAT)[:, :_N]

    x_hat, z_graph = _tc_decoder(
        p2, dinv, batch.reshape(_N, 1),
        g2.reshape(1, _LAT), be2.reshape(1, _LAT),
        Wd1, gd1.reshape(1, _HID), bed1.reshape(1, _HID),
        Wd2, bd2.reshape(1, _IN))
    return (x_hat, z_graph)

# --- scband reference (transcript-rebuilt; emitter-appended) ---
"""Pipeline reference for scband-graph-autoencoder-88871463289213 (READ-ONLY COPY).

The authoritative reference and input builder live on the scoring server;
editing this copy changes nothing except your own understanding.
"""

import jax, jax.numpy as jnp
import numpy as np

N = 10000
E = 320000
IN_CH = 128
HID = 256
LAT = 64
NUM_GRAPHS = 64


def setup_inputs(seed: int = 0) -> dict:
    key = jax.random.key(seed)
    ks = jax.random.split(key, 20)
    x = jax.random.normal(ks[0], (N, IN_CH), dtype=jnp.float32)
    edge_index = jax.random.randint(ks[1], (2, E), 0, N, dtype=jnp.int32)
    batch = jnp.sort(jax.random.randint(ks[2], (N,), 0, NUM_GRAPHS, dtype=jnp.int32))
    s = 0.05
    return {
        "x": x,
        "edge_index": edge_index,
        "batch": batch,
        # encoder GCNConv1
        "W1": jax.random.normal(ks[3], (IN_CH, HID), dtype=jnp.float32) * s,
        "b1": jnp.zeros((HID,), dtype=jnp.float32),
        "g1": jnp.ones((HID,), dtype=jnp.float32),
        "be1": jnp.zeros((HID,), dtype=jnp.float32),
        # encoder GCNConv2
        "W2": jax.random.normal(ks[4], (HID, LAT), dtype=jnp.float32) * s,
        "b2": jnp.zeros((LAT,), dtype=jnp.float32),
        "g2": jnp.ones((LAT,), dtype=jnp.float32),
        "be2": jnp.zeros((LAT,), dtype=jnp.float32),
        # decoder fc1 + bn
        "Wd1": jax.random.normal(ks[5], (LAT, HID), dtype=jnp.float32) * s,
        "bd1": jnp.zeros((HID,), dtype=jnp.float32),
        "gd1": jnp.ones((HID,), dtype=jnp.float32),
        "bed1": jnp.zeros((HID,), dtype=jnp.float32),
        # decoder fc2
        "Wd2": jax.random.normal(ks[6], (HID, IN_CH), dtype=jnp.float32) * s,
        "bd2": jnp.zeros((IN_CH,), dtype=jnp.float32),
    }


def _bn(h, gamma, beta, eps=1e-5):
    # BatchNorm1d with batch statistics (training-mode stats, deterministic)
    mu = jnp.mean(h, axis=0)
    var = jnp.var(h, axis=0)
    return (h - mu) * jax.lax.rsqrt(var + eps) * gamma + beta


def _gcn_conv(x, src, dst, W, b):
    # PyG GCNConv with add_self_loops=False: D^{-1/2} A D^{-1/2} X W + b
    h = x @ W
    deg = jnp.zeros((N,), dtype=h.dtype).at[dst].add(1.0)
    dinv = jnp.where(deg > 0, jax.lax.rsqrt(jnp.maximum(deg, 1e-12)), 0.0)
    norm = dinv[src] * dinv[dst]
    msg = norm[:, None] * jnp.take(h, src, axis=0)
    out = jnp.zeros_like(h).at[dst].add(msg)
    return out + b


def reference(x, edge_index, batch, W1, b1, g1, be1, W2, b2, g2, be2, Wd1, bd1, gd1, bed1, Wd2, bd2):
    src = edge_index[0]
    dst = edge_index[1]
    # encoder
    h = _gcn_conv(x, src, dst, W1, b1)
    h = jax.nn.relu(_bn(h, g1, be1))
    h = _gcn_conv(h, src, dst, W2, b2)
    z_nodes = jax.nn.relu(_bn(h, g2, be2))
    # decoder (dropout = identity in eval)
    d = z_nodes @ Wd1 + bd1
    d = jax.nn.relu(_bn(d, gd1, bed1))
    x_hat = d @ Wd2 + bd2
    # global mean pool
    sums = jax.ops.segment_sum(z_nodes, batch, num_segments=NUM_GRAPHS)
    cnts = jax.ops.segment_sum(jnp.ones((N, 1), dtype=z_nodes.dtype), batch, num_segments=NUM_GRAPHS)
    z_graph = sums / jnp.maximum(cnts, 1.0)
    return (x_hat, z_graph)

if __name__ == "__main__":
    import jax
    _d = setup_inputs()
    print(jax.jit(kernel)(*tuple(_d.values())))

</pallas_src>

<mosaic_0001>
#map = affine_map<(d0, d1) -> (0)>
#map1 = affine_map<(d0, d1) -> (0, 0)>
module attributes {stable_mosaic.version = 14 : i64} {
  func.func @prop(%arg0: i32, %arg1: i32, %arg2: memref<320000xi32, #tpu.memory_space<hbm>>, %arg3: memref<320000xi32, #tpu.memory_space<hbm>>, %arg4: memref<10000x64xf32, #tpu.memory_space<hbm>>, %arg5: memref<640x64xf32, #tpu.memory_space<hbm>>, %arg6: memref<20480x64xf32, #tpu.memory_space<hbm>>, %arg7: memref<10240x64xf32, #tpu.memory_space<vmem_shared>>, %arg8: memref<2x256xi32, #tpu.memory_space<vmem>>, %arg9: memref<2x256xi32, #tpu.memory_space<vmem>>, %arg10: memref<2x256x64xf32, #tpu.memory_space<vmem>>, %arg11: memref<16xi32, #tpu.memory_space<vmem>>, %arg12: memref<16xi32, #tpu.memory_space<vmem>>, %arg13: memref<16x64xf32, #tpu.memory_space<vmem>>, %arg14: memref<!tpu.dma_semaphore, #tpu.memory_space<semaphore_mem>>, %arg15: memref<!tpu.dma_semaphore, #tpu.memory_space<semaphore_mem>>) attributes {dimension_semantics = [#tpu.dimension_semantics<core_parallel>, #tpu.dimension_semantics<subcore_parallel>], iteration_bounds = array<i64: 2, 16>, scalar_prefetch = 0 : i64, scratch_operands = 9 : i64, tpu.core_type = #tpu.core_type<sc_vector_subcore>, window_params = [{transform_indices = #map}, {transform_indices = #map}, {transform_indices = #map1}, {transform_indices = #map1}, {transform_indices = #map1}]} {
    %mul3A = arith.constant 2 : i32
    %mul3A_0 = arith.muli %arg1, %mul3A : i32
    %add3A = arith.addi %mul3A_0, %arg0 : i32
    %mul3A_1 = arith.constant 10000 : i32
    %mul3A_2 = arith.muli %add3A, %mul3A_1 : i32
    %mul3A_3 = arith.constant 640 : i32
    %mul3A_4 = arith.muli %arg1, %mul3A_3 : i32
    "tpu.region"() ({
      %run_scoped3A_45 = tpu.sem_alloc : memref<!tpu.dma_semaphore, #tpu.memory_space<semaphore_mem>>
      %dma_start3A_46 = arith.constant 0 : i32
      %dma_start3A_47 = tpu.memref_slice %arg7[%mul3A_4, %dma_start3A_46] : memref<10240x64xf32, #tpu.memory_space<vmem_shared>> -> memref<640x64xf32, #tpu.memory_space<vmem_shared>>
      tpu.enqueue_dma source(%arg5 : memref<640x64xf32, #tpu.memory_space<hbm>>) target(%dma_start3A_47 : memref<640x64xf32, #tpu.memory_space<vmem_shared>>) target_semaphore(%run_scoped3A_45 : memref<!tpu.dma_semaphore, #tpu.memory_space<semaphore_mem>>)
      %dma_wait3A_48 = arith.constant 0 : i32
      %dma_wait3A_49 = tpu.memref_slice %arg7[%mul3A_4, %dma_wait3A_48] : memref<10240x64xf32, #tpu.memory_space<vmem_shared>> -> memref<640x64xf32, #tpu.memory_space<vmem_shared>>
      tpu.wait_dma2 semaphore(%run_scoped3A_45 : memref<!tpu.dma_semaphore, #tpu.memory_space<semaphore_mem>>) src(%arg5 : memref<640x64xf32, #tpu.memory_space<hbm>>) dst(%dma_wait3A_49 : memref<640x64xf32, #tpu.memory_space<vmem_shared>>)
      tpu.yield
    }) : () -> ()
    %barrier3A = arith.constant 0 : index
    tpu.barrier barrier_id(%barrier3A)
    %run_scoped3A = arith.constant 0 : i32
    "tpu.region"() ({
      %run_scoped3A_45 = tpu.sem_alloc : memref<!tpu.dma_semaphore, #tpu.memory_space<semaphore_mem>>
      %dma_start3A_46 = arith.constant 0 : i32
      %dma_start3A_47 = tpu.memref_slice %arg8[%run_scoped3A, %dma_start3A_46] : memref<2x256xi32, #tpu.memory_space<vmem>> -> memref<1x256xi32, #tpu.memory_space<vmem>>
      %dma_start3A_48 = tpu.memref_squeeze %dma_start3A_47 : memref<1x256xi32, #tpu.memory_space<vmem>> -> memref<256xi32, #tpu.memory_space<vmem>>
      %dma_start3A_49 = tpu.memref_slice %arg2[%mul3A_2] : memref<320000xi32, #tpu.memory_space<hbm>> -> memref<256xi32, #tpu.memory_space<hbm>>
      %dma_start3A_50 = arith.constant 0 : i32
      %dma_start3A_51 = tpu.memref_slice %arg8[%run_scoped3A, %dma_start3A_50] : memref<2x256xi32, #tpu.memory_space<vmem>> -> memref<1x256xi32, #tpu.memory_space<vmem>>
      %dma_start3A_52 = tpu.memref_squeeze %dma_start3A_51 : memref<1x256xi32, #tpu.memory_space<vmem>> -> memref<256xi32, #tpu.memory_space<vmem>>
      %dma_start3A_53 = tpu.memref_slice %arg2[%mul3A_2] : memref<320000xi32, #tpu.memory_space<hbm>> -> memref<256xi32, #tpu.memory_space<hbm>>
      tpu.enqueue_dma source(%dma_start3A_53 : memref<256xi32, #tpu.memory_space<hbm>>) target(%dma_start3A_52 : memref<256xi32, #tpu.memory_space<vmem>>) target_semaphore(%run_scoped3A_45 : memref<!tpu.dma_semaphore, #tpu.memory_space<semaphore_mem>>)
      %dma_wait3A_54 = arith.constant 0 : i32
      %dma_wait3A_55 = tpu.memref_slice %arg8[%run_scoped3A, %dma_wait3A_54] : memref<2x256xi32, #tpu.memory_space<vmem>> -> memref<1x256xi32, #tpu.memory_space<vmem>>
      %dma_wait3A_56 = tpu.memref_squeeze %dma_wait3A_55 : memref<1x256xi32, #tpu.memory_space<vmem>> -> memref<256xi32, #tpu.memory_space<vmem>>
      %dma_wait3A_57 = tpu.memref_slice %arg2[%mul3A_2] : memref<320000xi32, #tpu.memory_space<hbm>> -> memref<256xi32, #tpu.memory_space<hbm>>
      %dma_wait3A_58 = arith.constant 0 : i32
      %dma_wait3A_59 = tpu.memref_slice %arg8[%run_scoped3A, %dma_wait3A_58] : memref<2x256xi32, #tpu.memory_space<vmem>> -> memref<1x256xi32, #tpu.memory_space<vmem>>
      %dma_wait3A_60 = tpu.memref_squeeze %dma_wait3A_59 : memref<1x256xi32, #tpu.memory_space<vmem>> -> memref<256xi32, #tpu.memory_space<vmem>>
      %dma_wait3A_61 = tpu.memref_slice %arg2[%mul3A_2] : memref<320000xi32, #tpu.memory_space<hbm>> -> memref<256xi32, #tpu.memory_space<hbm>>
      tpu.wait_dma2 semaphore(%run_scoped3A_45 : memref<!tpu.dma_semaphore, #tpu.memory_space<semaphore_mem>>) src(%dma_wait3A_61 : memref<256xi32, #tpu.memory_space<hbm>>) dst(%dma_wait3A_60 : memref<256xi32, #tpu.memory_space<vmem>>)
      tpu.yield
    }) : () -> ()
    %run_scoped3A_5 = arith.constant 0 : i32
    "tpu.region"() ({
      %run_scoped3A_45 = tpu.sem_alloc : memref<!tpu.dma_semaphore, #tpu.memory_space<semaphore_mem>>
      %dma_start3A_46 = arith.constant 0 : i32
      %dma_start3A_47 = tpu.memref_slice %arg9[%run_scoped3A_5, %dma_start3A_46] : memref<2x256xi32, #tpu.memory_space<vmem>> -> memref<1x256xi32, #tpu.memory_space<vmem>>
      %dma_start3A_48 = tpu.memref_squeeze %dma_start3A_47 : memref<1x256xi32, #tpu.memory_space<vmem>> -> memref<256xi32, #tpu.memory_space<vmem>>
      %dma_start3A_49 = tpu.memref_slice %arg3[%mul3A_2] : memref<320000xi32, #tpu.memory_space<hbm>> -> memref<256xi32, #tpu.memory_space<hbm>>
      %dma_start3A_50 = arith.constant 0 : i32
      %dma_start3A_51 = tpu.memref_slice %arg9[%run_scoped3A_5, %dma_start3A_50] : memref<2x256xi32, #tpu.memory_space<vmem>> -> memref<1x256xi32, #tpu.memory_space<vmem>>
      %dma_start3A_52 = tpu.memref_squeeze %dma_start3A_51 : memref<1x256xi32, #tpu.memory_space<vmem>> -> memref<256xi32, #tpu.memory_space<vmem>>
      %dma_start3A_53 = tpu.memref_slice %arg3[%mul3A_2] : memref<320000xi32, #tpu.memory_space<hbm>> -> memref<256xi32, #tpu.memory_space<hbm>>
      tpu.enqueue_dma source(%dma_start3A_53 : memref<256xi32, #tpu.memory_space<hbm>>) target(%dma_start3A_52 : memref<256xi32, #tpu.memory_space<vmem>>) target_semaphore(%run_scoped3A_45 : memref<!tpu.dma_semaphore, #tpu.memory_space<semaphore_mem>>)
      %dma_wait3A_54 = arith.constant 0 : i32
      %dma_wait3A_55 = tpu.memref_slice %arg9[%run_scoped3A_5, %dma_wait3A_54] : memref<2x256xi32, #tpu.memory_space<vmem>> -> memref<1x256xi32, #tpu.memory_space<vmem>>
      %dma_wait3A_56 = tpu.memref_squeeze %dma_wait3A_55 : memref<1x256xi32, #tpu.memory_space<vmem>> -> memref<256xi32, #tpu.memory_space<vmem>>
      %dma_wait3A_57 = tpu.memref_slice %arg3[%mul3A_2] : memref<320000xi32, #tpu.memory_space<hbm>> -> memref<256xi32, #tpu.memory_space<hbm>>
      %dma_wait3A_58 = arith.constant 0 : i32
      %dma_wait3A_59 = tpu.memref_slice %arg9[%run_scoped3A_5, %dma_wait3A_58] : memref<2x256xi32, #tpu.memory_space<vmem>> -> memref<1x256xi32, #tpu.memory_space<vmem>>
      %dma_wait3A_60 = tpu.memref_squeeze %dma_wait3A_59 : memref<1x256xi32, #tpu.memory_space<vmem>> -> memref<256xi32, #tpu.memory_space<vmem>>
      %dma_wait3A_61 = tpu.memref_slice %arg3[%mul3A_2] : memref<320000xi32, #tpu.memory_space<hbm>> -> memref<256xi32, #tpu.memory_space<hbm>>
      tpu.wait_dma2 semaphore(%run_scoped3A_45 : memref<!tpu.dma_semaphore, #tpu.memory_space<semaphore_mem>>) src(%dma_wait3A_61 : memref<256xi32, #tpu.memory_space<hbm>>) dst(%dma_wait3A_60 : memref<256xi32, #tpu.memory_space<vmem>>)
      tpu.yield
    }) : () -> ()
    %dma_start3A = arith.constant 0 : i32
    %dma_start3A_6 = arith.constant 0 : i32
    %dma_start3A_7 = arith.constant 0 : i32
    %dma_start3A_8 = arith.constant 0 : i32
    %dma_start3A_9 = tpu.memref_slice %arg10[%dma_start3A_6, %dma_start3A_7, %dma_start3A_8] : memref<2x256x64xf32, #tpu.memory_space<vmem>> -> memref<1x256x64xf32, #tpu.memory_space<vmem>>
    %dma_start3A_10 = tpu.memref_squeeze %dma_start3A_9 : memref<1x256x64xf32, #tpu.memory_space<vmem>> -> memref<256x64xf32, #tpu.memory_space<vmem>>
    %dma_start3A_11 = arith.constant 0 : i32
    %dma_start3A_12 = tpu.memref_slice %arg8[%dma_start3A, %dma_start3A_11] : memref<2x256xi32, #tpu.memory_space<vmem>> -> memref<1x256xi32, #tpu.memory_space<vmem>>
    %dma_start3A_13 = tpu.memref_squeeze %dma_start3A_12 : memref<1x256xi32, #tpu.memory_space<vmem>> -> memref<256xi32, #tpu.memory_space<vmem>>
    %dma_start3A_14 = arith.constant 0 : i32
    %dma_start3A_15 = arith.constant 0 : i32
    %dma_start3A_16 = tpu.memref_slice %arg4[%dma_start3A_14, %dma_start3A_15] : memref<10000x64xf32, #tpu.memory_space<hbm>> -> memref<10000x64xf32, #tpu.memory_space<hbm>>
    tpu.enqueue_indirect_dma source(%dma_start3A_16 : memref<10000x64xf32, #tpu.memory_space<hbm>>) target(%dma_start3A_10 : memref<256x64xf32, #tpu.memory_space<vmem>>) offsets(%dma_start3A_13 : memref<256xi32, #tpu.memory_space<vmem>>) semaphore(%arg14 : memref<!tpu.dma_semaphore, #tpu.memory_space<semaphore_mem>>)
    %scan3A = arith.constant 0 : i32
    %scan3A_17 = arith.constant 0 : i32
    %scan3A_18 = arith.constant 19 : i32
    %scan3A_19 = arith.addi %scan3A_17, %scan3A_18 : i32
    %scan3A_20 = arith.constant 1 : i32
    scf.for %scan3A_45 = %scan3A_17 to %scan3A_19 step %scan3A_20  : i32 {
      %mul3A_46 = arith.constant 2 : i32
      %mul3A_47 = arith.muli %scan3A_45, %mul3A_46 : i32
      %add3A_48 = arith.constant 1 : i32
      %add3A_49 = arith.addi %mul3A_47, %add3A_48 : i32
      %lt3A = arith.constant 39 : i32
      %lt3A_50 = arith.cmpi slt, %add3A_49, %lt3A : i32
      %convert_element_type3A = arith.extui %lt3A_50 : i1 to i32
      %cond3A = arith.constant 0 : i32
      %cond3A_51 = arith.cmpi ne, %convert_element_type3A, %cond3A : i32
      scf.if %cond3A_51 {
        %add3A_89 = arith.constant 1 : i32
        %add3A_90 = arith.addi %mul3A_47, %add3A_89 : i32
        %mul3A_91 = arith.constant 256 : i32
        %mul3A_92 = arith.muli %add3A_90, %mul3A_91 : i32
        %add3A_93 = arith.addi %mul3A_2, %mul3A_92 : i32
        %run_scoped3A_94 = arith.constant 1 : i32
        "tpu.region"() ({
          %run_scoped3A_108 = tpu.sem_alloc : memref<!tpu.dma_semaphore, #tpu.memory_space<semaphore_mem>>
          %dma_start3A_109 = arith.constant 0 : i32
          %dma_start3A_110 = tpu.memref_slice %arg8[%run_scoped3A_94, %dma_start3A_109] : memref<2x256xi32, #tpu.memory_space<vmem>> -> memref<1x256xi32, #tpu.memory_space<vmem>>
          %dma_start3A_111 = tpu.memref_squeeze %dma_start3A_110 : memref<1x256xi32, #tpu.memory_space<vmem>> -> memref<256xi32, #tpu.memory_space<vmem>>
          %dma_start3A_112 = tpu.memref_slice %arg2[%add3A_93] : memref<320000xi32, #tpu.memory_space<hbm>> -> memref<256xi32, #tpu.memory_space<hbm>>
          %dma_start3A_113 = arith.constant 0 : i32
          %dma_start3A_114 = tpu.memref_slice %arg8[%run_scoped3A_94, %dma_start3A_113] : memref<2x256xi32, #tpu.memory_space<vmem>> -> memref<1x256xi32, #tpu.memory_space<vmem>>
          %dma_start3A_115 = tpu.memref_squeeze %dma_start3A_114 : memref<1x256xi32, #tpu.memory_space<vmem>> -> memref<256xi32, #tpu.memory_space<vmem>>
          %dma_start3A_116 = tpu.memref_slice %arg2[%add3A_93] : memref<320000xi32, #tpu.memory_space<hbm>> -> memref<256xi32, #tpu.memory_space<hbm>>
          tpu.enqueue_dma source(%dma_start3A_116 : memref<256xi32, #tpu.memory_space<hbm>>) target(%dma_start3A_115 : memref<256xi32, #tpu.memory_space<vmem>>) target_semaphore(%run_scoped3A_108 : memref<!tpu.dma_semaphore, #tpu.memory_space<semaphore_mem>>)
          %dma_wait3A_117 = arith.constant 0 : i32
          %dma_wait3A_118 = tpu.memref_slice %arg8[%run_scoped3A_94, %dma_wait3A_117] : memref<2x256xi32, #tpu.memory_space<vmem>> -> memref<1x256xi32, #tpu.memory_space<vmem>>
          %dma_wait3A_119 = tpu.memref_squeeze %dma_wait3A_118 : memref<1x256xi32, #tpu.memory_space<vmem>> -> memref<256xi32, #tpu.memory_space<vmem>>
          %dma_wait3A_120 = tpu.memref_slice %arg2[%add3A_93] : memref<320000xi32, #tpu.memory_space<hbm>> -> memref<256xi32, #tpu.memory_space<hbm>>
          %dma_wait3A_121 = arith.constant 0 : i32
          %dma_wait3A_122 = tpu.memref_slice %arg8[%run_scoped3A_94, %dma_wait3A_121] : memref<2x256xi32, #tpu.memory_space<vmem>> -> memref<1x256xi32, #tpu.memory_space<vmem>>
          %dma_wait3A_123 = tpu.memref_squeeze %dma_wait3A_122 : memref<1x256xi32, #tpu.memory_space<vmem>> -> memref<256xi32, #tpu.memory_space<vmem>>
          %dma_wait3A_124 = tpu.memref_slice %arg2[%add3A_93] : memref<320000xi32, #tpu.memory_space<hbm>> -> memref<256xi32, #tpu.memory_space<hbm>>
          tpu.wait_dma2 semaphore(%run_scoped3A_108 : memref<!tpu.dma_semaphore, #tpu.memory_space<semaphore_mem>>) src(%dma_wait3A_124 : memref<256xi32, #tpu.memory_space<hbm>>) dst(%dma_wait3A_123 : memref<256xi32, #tpu.memory_space<vmem>>)
          tpu.yield
        }) : () -> ()
        %run_scoped3A_95 = arith.constant 1 : i32
        "tpu.region"() ({
          %run_scoped3A_108 = tpu.sem_alloc : memref<!tpu.dma_semaphore, #tpu.memory_space<semaphore_mem>>
          %dma_start3A_109 = arith.constant 0 : i32
          %dma_start3A_110 = tpu.memref_slice %arg9[%run_scoped3A_95, %dma_start3A_109] : memref<2x256xi32, #tpu.memory_space<vmem>> -> memref<1x256xi32, #tpu.memory_space<vmem>>
          %dma_start3A_111 = tpu.memref_squeeze %dma_start3A_110 : memref<1x256xi32, #tpu.memory_space<vmem>> -> memref<256xi32, #tpu.memory_space<vmem>>
          %dma_start3A_112 = tpu.memref_slice %arg3[%add3A_93] : memref<320000xi32, #tpu.memory_space<hbm>> -> memref<256xi32, #tpu.memory_space<hbm>>
          %dma_start3A_113 = arith.constant 0 : i32
          %dma_start3A_114 = tpu.memref_slice %arg9[%run_scoped3A_95, %dma_start3A_113] : memref<2x256xi32, #tpu.memory_space<vmem>> -> memref<1x256xi32, #tpu.memory_space<vmem>>
          %dma_start3A_115 = tpu.memref_squeeze %dma_start3A_114 : memref<1x256xi32, #tpu.memory_space<vmem>> -> memref<256xi32, #tpu.memory_space<vmem>>
          %dma_start3A_116 = tpu.memref_slice %arg3[%add3A_93] : memref<320000xi32, #tpu.memory_space<hbm>> -> memref<256xi32, #tpu.memory_space<hbm>>
          tpu.enqueue_dma source(%dma_start3A_116 : memref<256xi32, #tpu.memory_space<hbm>>) target(%dma_start3A_115 : memref<256xi32, #tpu.memory_space<vmem>>) target_semaphore(%run_scoped3A_108 : memref<!tpu.dma_semaphore, #tpu.memory_space<semaphore_mem>>)
          %dma_wait3A_117 = arith.constant 0 : i32
          %dma_wait3A_118 = tpu.memref_slice %arg9[%run_scoped3A_95, %dma_wait3A_117] : memref<2x256xi32, #tpu.memory_space<vmem>> -> memref<1x256xi32, #tpu.memory_space<vmem>>
          %dma_wait3A_119 = tpu.memref_squeeze %dma_wait3A_118 : memref<1x256xi32, #tpu.memory_space<vmem>> -> memref<256xi32, #tpu.memory_space<vmem>>
          %dma_wait3A_120 = tpu.memref_slice %arg3[%add3A_93] : memref<320000xi32, #tpu.memory_space<hbm>> -> memref<256xi32, #tpu.memory_space<hbm>>
          %dma_wait3A_121 = arith.constant 0 : i32
          %dma_wait3A_122 = tpu.memref_slice %arg9[%run_scoped3A_95, %dma_wait3A_121] : memref<2x256xi32, #tpu.memory_space<vmem>> -> memref<1x256xi32, #tpu.memory_space<vmem>>
          %dma_wait3A_123 = tpu.memref_squeeze %dma_wait3A_122 : memref<1x256xi32, #tpu.memory_space<vmem>> -> memref<256xi32, #tpu.memory_space<vmem>>
          %dma_wait3A_124 = tpu.memref_slice %arg3[%add3A_93] : memref<320000xi32, #tpu.memory_space<hbm>> -> memref<256xi32, #tpu.memory_space<hbm>>
          tpu.wait_dma2 semaphore(%run_scoped3A_108 : memref<!tpu.dma_semaphore, #tpu.memory_space<semaphore_mem>>) src(%dma_wait3A_124 : memref<256xi32, #tpu.memory_space<hbm>>) dst(%dma_wait3A_123 : memref<256xi32, #tpu.memory_space<vmem>>)
          tpu.yield
        }) : () -> ()
        %dma_start3A_96 = arith.constant 1 : i32
        %dma_start3A_97 = arith.constant 1 : i32
        %dma_start3A_98 = arith.constant 0 : i32
        %dma_start3A_99 = arith.constant 0 : i32
        %dma_start3A_100 = tpu.memref_slice %arg10[%dma_start3A_97, %dma_start3A_98, %dma_start3A_99] : memref<2x256x64xf32, #tpu.memory_space<vmem>> -> memref<1x256x64xf32, #tpu.memory_space<vmem>>
        %dma_start3A_101 = tpu.memref_squeeze %dma_start3A_100 : memref<1x256x64xf32, #tpu.memory_space<vmem>> -> memref<256x64xf32, #tpu.memory_space<vmem>>
        %dma_start3A_102 = arith.constant 0 : i32
        %dma_start3A_103 = tpu.memref_slice %arg8[%dma_start3A_96, %dma_start3A_102] : memref<2x256xi32, #tpu.memory_space<vmem>> -> memref<1x256xi32, #tpu.memory_space<vmem>>
        %dma_start3A_104 = tpu.memref_squeeze %dma_start3A_103 : memref<1x256xi32, #tpu.memory_space<vmem>> -> memref<256xi32, #tpu.memory_space<vmem>>
        %dma_start3A_105 = arith.constant 0 : i32
        %dma_start3A_106 = arith.constant 0 : i32
        %dma_start3A_107 = tpu.memref_slice %arg4[%dma_start3A_105, %dma_start3A_106] : memref<10000x64xf32, #tpu.memory_space<hbm>> -> memref<10000x64xf32, #tpu.memory_space<hbm>>
        tpu.enqueue_indirect_dma source(%dma_start3A_107 : memref<10000x64xf32, #tpu.memory_space<hbm>>) target(%dma_start3A_101 : memref<256x64xf32, #tpu.memory_space<vmem>>) offsets(%dma_start3A_104 : memref<256xi32, #tpu.memory_space<vmem>>) semaphore(%arg15 : memref<!tpu.dma_semaphore, #tpu.memory_space<semaphore_mem>>)
      } else {
      }
      %dma_wait3A_52 = arith.constant 0 : i32
      %dma_wait3A_53 = arith.constant 0 : i32
      %dma_wait3A_54 = arith.constant 0 : i32
      %dma_wait3A_55 = arith.constant 0 : i32
      %dma_wait3A_56 = tpu.memref_slice %arg10[%dma_wait3A_53, %dma_wait3A_54, %dma_wait3A_55] : memref<2x256x64xf32, #tpu.memory_space<vmem>> -> memref<1x256x64xf32, #tpu.memory_space<vmem>>
      %dma_wait3A_57 = tpu.memref_squeeze %dma_wait3A_56 : memref<1x256x64xf32, #tpu.memory_space<vmem>> -> memref<256x64xf32, #tpu.memory_space<vmem>>
      %dma_wait3A_58 = arith.constant 0 : i32
      %dma_wait3A_59 = tpu.memref_slice %arg8[%dma_wait3A_52, %dma_wait3A_58] : memref<2x256xi32, #tpu.memory_space<vmem>> -> memref<1x256xi32, #tpu.memory_space<vmem>>
      %dma_wait3A_60 = tpu.memref_squeeze %dma_wait3A_59 : memref<1x256xi32, #tpu.memory_space<vmem>> -> memref<256xi32, #tpu.memory_space<vmem>>
      %dma_wait3A_61 = arith.constant 0 : i32
      %dma_wait3A_62 = arith.constant 0 : i32
      %dma_wait3A_63 = tpu.memref_slice %arg4[%dma_wait3A_61, %dma_wait3A_62] : memref<10000x64xf32, #tpu.memory_space<hbm>> -> memref<10000x64xf32, #tpu.memory_space<hbm>>
      tpu.wait_indirect_dma semaphore(%arg14 : memref<!tpu.dma_semaphore, #tpu.memory_space<semaphore_mem>>) src(%dma_wait3A_63 : memref<10000x64xf32, #tpu.memory_space<hbm>>) dst(%dma_wait3A_57 : memref<256x64xf32, #tpu.memory_space<vmem>>)
      %run_scoped3A_64 = arith.constant 0 : i32
      %run_scoped3A_65 = arith.constant 0 : i32
      "tpu.region"() ({
        %run_scoped3A_89 = tpu.sem_alloc : memref<!tpu.dma_semaphore, #tpu.memory_space<semaphore_mem>>
        %dma_start3A_90 = arith.constant 0 : i32
        %dma_start3A_91 = arith.constant 0 : i32
        %dma_start3A_92 = tpu.memref_slice %arg10[%run_scoped3A_64, %dma_start3A_90, %dma_start3A_91] : memref<2x256x64xf32, #tpu.memory_space<vmem>> -> memref<1x256x64xf32, #tpu.memory_space<vmem>>
        %dma_start3A_93 = tpu.memref_squeeze %dma_start3A_92 : memref<1x256x64xf32, #tpu.memory_space<vmem>> -> memref<256x64xf32, #tpu.memory_space<vmem>>
        %dma_start3A_94 = arith.constant 0 : i32
        %dma_start3A_95 = tpu.memref_slice %arg9[%run_scoped3A_65, %dma_start3A_94] : memref<2x256xi32, #tpu.memory_space<vmem>> -> memref<1x256xi32, #tpu.memory_space<vmem>>
        %dma_start3A_96 = tpu.memref_squeeze %dma_start3A_95 : memref<1x256xi32, #tpu.memory_space<vmem>> -> memref<256xi32, #tpu.memory_space<vmem>>
        %dma_start3A_97 = arith.constant 0 : i32
        %dma_start3A_98 = arith.constant 0 : i32
        %dma_start3A_99 = tpu.memref_slice %arg7[%dma_start3A_97, %dma_start3A_98] : memref<10240x64xf32, #tpu.memory_space<vmem_shared>> -> memref<10240x64xf32, #tpu.memory_space<vmem_shared>>
        tpu.enqueue_indirect_dma source(%dma_start3A_93 : memref<256x64xf32, #tpu.memory_space<vmem>>) target(%dma_start3A_99 : memref<10240x64xf32, #tpu.memory_space<vmem_shared>>) offsets(%dma_start3A_96 : memref<256xi32, #tpu.memory_space<vmem>>) semaphore(%run_scoped3A_89 : memref<!tpu.dma_semaphore, #tpu.memory_space<semaphore_mem>>) {add = true}
        %dma_wait3A_100 = arith.constant 0 : i32
        %dma_wait3A_101 = arith.constant 0 : i32
        %dma_wait3A_102 = tpu.memref_slice %arg10[%run_scoped3A_64, %dma_wait3A_100, %dma_wait3A_101] : memref<2x256x64xf32, #tpu.memory_space<vmem>> -> memref<1x256x64xf32, #tpu.memory_space<vmem>>
        %dma_wait3A_103 = tpu.memref_squeeze %dma_wait3A_102 : memref<1x256x64xf32, #tpu.memory_space<vmem>> -> memref<256x64xf32, #tpu.memory_space<vmem>>
        %dma_wait3A_104 = arith.constant 0 : i32
        %dma_wait3A_105 = tpu.memref_slice %arg9[%run_scoped3A_65, %dma_wait3A_104] : memref<2x256xi32, #tpu.memory_space<vmem>> -> memref<1x256xi32, #tpu.memory_space<vmem>>
        %dma_wait3A_106 = tpu.memref_squeeze %dma_wait3A_105 : memref<1x256xi32, #tpu.memory_space<vmem>> -> memref<256xi32, #tpu.memory_space<vmem>>
        %dma_wait3A_107 = arith.constant 0 : i32
        %dma_wait3A_108 = arith.constant 0 : i32
        %dma_wait3A_109 = tpu.memref_slice %arg7[%dma_wait3A_107, %dma_wait3A_108] : memref<10240x64xf32, #tpu.memory_space<vmem_shared>> -> memref<10240x64xf32, #tpu.memory_space<vmem_shared>>
        tpu.wait_indirect_dma semaphore(%run_scoped3A_89 : memref<!tpu.dma_semaphore, #tpu.memory_space<semaphore_mem>>) src(%dma_wait3A_103 : memref<256x64xf32, #tpu.memory_space<vmem>>) dst(%dma_wait3A_109 : memref<10240x64xf32, #tpu.memory_space<vmem_shared>>)
        tpu.yield
      }) : () -> ()
      %add3A_66 = arith.constant 1 : i32
      %add3A_67 = arith.addi %mul3A_47, %add3A_66 : i32
      %add3A_68 = arith.constant 1 : i32
      %add3A_69 = arith.addi %add3A_67, %add3A_68 : i32
      %lt3A_70 = arith.constant 39 : i32
      %lt3A_71 = arith.cmpi slt, %add3A_69, %lt3A_70 : i32
      %convert_element_type3A_72 = arith.extui %lt3A_71 : i1 to i32
      %cond3A_73 = arith.constant 0 : i32
      %cond3A_74 = arith.cmpi ne, %convert_element_type3A_72, %cond3A_73 : i32
      scf.if %cond3A_74 {
        %add3A_89 = arith.constant 1 : i32
        %add3A_90 = arith.addi %add3A_67, %add3A_89 : i32
        %mul3A_91 = arith.constant 256 : i32
        %mul3A_92 = arith.muli %add3A_90, %mul3A_91 : i32
        %add3A_93 = arith.addi %mul3A_2, %mul3A_92 : i32
        %run_scoped3A_94 = arith.constant 0 : i32
        "tpu.region"() ({
          %run_scoped3A_108 = tpu.sem_alloc : memref<!tpu.dma_semaphore, #tpu.memory_space<semaphore_mem>>
          %dma_start3A_109 = arith.constant 0 : i32
          %dma_start3A_110 = tpu.memref_slice %arg8[%run_scoped3A_94, %dma_start3A_109] : memref<2x256xi32, #tpu.memory_space<vmem>> -> memref<1x256xi32, #tpu.memory_space<vmem>>
          %dma_start3A_111 = tpu.memref_squeeze %dma_start3A_110 : memref<1x256xi32, #tpu.memory_space<vmem>> -> memref<256xi32, #tpu.memory_space<vmem>>
          %dma_start3A_112 = tpu.memref_slice %arg2[%add3A_93] : memref<320000xi32, #tpu.memory_space<hbm>> -> memref<256xi32, #tpu.memory_space<hbm>>
          %dma_start3A_113 = arith.constant 0 : i32
          %dma_start3A_114 = tpu.memref_slice %arg8[%run_scoped3A_94, %dma_start3A_113] : memref<2x256xi32, #tpu.memory_space<vmem>> -> memref<1x256xi32, #tpu.memory_space<vmem>>
          %dma_start3A_115 = tpu.memref_squeeze %dma_start3A_114 : memref<1x256xi32, #tpu.memory_space<vmem>> -> memref<256xi32, #tpu.memory_space<vmem>>
          %dma_start3A_116 = tpu.memref_slice %arg2[%add3A_93] : memref<320000xi32, #tpu.memory_space<hbm>> -> memref<256xi32, #tpu.memory_space<hbm>>
          tpu.enqueue_dma source(%dma_start3A_116 : memref<256xi32, #tpu.memory_space<hbm>>) target(%dma_start3A_115 : memref<256xi32, #tpu.memory_space<vmem>>) target_semaphore(%run_scoped3A_108 : memref<!tpu.dma_semaphore, #tpu.memory_space<semaphore_mem>>)
          %dma_wait3A_117 = arith.constant 0 : i32
          %dma_wait3A_118 = tpu.memref_slice %arg8[%run_scoped3A_94, %dma_wait3A_117] : memref<2x256xi32, #tpu.memory_space<vmem>> -> memref<1x256xi32, #tpu.memory_space<vmem>>
          %dma_wait3A_119 = tpu.memref_squeeze %dma_wait3A_118 : memref<1x256xi32, #tpu.memory_space<vmem>> -> memref<256xi32, #tpu.memory_space<vmem>>
          %dma_wait3A_120 = tpu.memref_slice %arg2[%add3A_93] : memref<320000xi32, #tpu.memory_space<hbm>> -> memref<256xi32, #tpu.memory_space<hbm>>
          %dma_wait3A_121 = arith.constant 0 : i32
          %dma_wait3A_122 = tpu.memref_slice %arg8[%run_scoped3A_94, %dma_wait3A_121] : memref<2x256xi32, #tpu.memory_space<vmem>> -> memref<1x256xi32, #tpu.memory_space<vmem>>
          %dma_wait3A_123 = tpu.memref_squeeze %dma_wait3A_122 : memref<1x256xi32, #tpu.memory_space<vmem>> -> memref<256xi32, #tpu.memory_space<vmem>>
          %dma_wait3A_124 = tpu.memref_slice %arg2[%add3A_93] : memref<320000xi32, #tpu.memory_space<hbm>> -> memref<256xi32, #tpu.memory_space<hbm>>
          tpu.wait_dma2 semaphore(%run_scoped3A_108 : memref<!tpu.dma_semaphore, #tpu.memory_space<semaphore_mem>>) src(%dma_wait3A_124 : memref<256xi32, #tpu.memory_space<hbm>>) dst(%dma_wait3A_123 : memref<256xi32, #tpu.memory_space<vmem>>)
          tpu.yield
        }) : () -> ()
        %run_scoped3A_95 = arith.constant 0 : i32
        "tpu.region"() ({
          %run_scoped3A_108 = tpu.sem_alloc : memref<!tpu.dma_semaphore, #tpu.memory_space<semaphore_mem>>
          %dma_start3A_109 = arith.constant 0 : i32
          %dma_start3A_110 = tpu.memref_slice %arg9[%run_scoped3A_95, %dma_start3A_109] : memref<2x256xi32, #tpu.memory_space<vmem>> -> memref<1x256xi32, #tpu.memory_space<vmem>>
          %dma_start3A_111 = tpu.memref_squeeze %dma_start3A_110 : memref<1x256xi32, #tpu.memory_space<vmem>> -> memref<256xi32, #tpu.memory_space<vmem>>
          %dma_start3A_112 = tpu.memref_slice %arg3[%add3A_93] : memref<320000xi32, #tpu.memory_space<hbm>> -> memref<256xi32, #tpu.memory_space<hbm>>
          %dma_start3A_113 = arith.constant 0 : i32
          %dma_start3A_114 = tpu.memref_slice %arg9[%run_scoped3A_95, %dma_start3A_113] : memref<2x256xi32, #tpu.memory_space<vmem>> -> memref<1x256xi32, #tpu.memory_space<vmem>>
          %dma_start3A_115 = tpu.memref_squeeze %dma_start3A_114 : memref<1x256xi32, #tpu.memory_space<vmem>> -> memref<256xi32, #tpu.memory_space<vmem>>
          %dma_start3A_116 = tpu.memref_slice %arg3[%add3A_93] : memref<320000xi32, #tpu.memory_space<hbm>> -> memref<256xi32, #tpu.memory_space<hbm>>
          tpu.enqueue_dma source(%dma_start3A_116 : memref<256xi32, #tpu.memory_space<hbm>>) target(%dma_start3A_115 : memref<256xi32, #tpu.memory_space<vmem>>) target_semaphore(%run_scoped3A_108 : memref<!tpu.dma_semaphore, #tpu.memory_space<semaphore_mem>>)
          %dma_wait3A_117 = arith.constant 0 : i32
          %dma_wait3A_118 = tpu.memref_slice %arg9[%run_scoped3A_95, %dma_wait3A_117] : memref<2x256xi32, #tpu.memory_space<vmem>> -> memref<1x256xi32, #tpu.memory_space<vmem>>
          %dma_wait3A_119 = tpu.memref_squeeze %dma_wait3A_118 : memref<1x256xi32, #tpu.memory_space<vmem>> -> memref<256xi32, #tpu.memory_space<vmem>>
          %dma_wait3A_120 = tpu.memref_slice %arg3[%add3A_93] : memref<320000xi32, #tpu.memory_space<hbm>> -> memref<256xi32, #tpu.memory_space<hbm>>
          %dma_wait3A_121 = arith.constant 0 : i32
          %dma_wait3A_122 = tpu.memref_slice %arg9[%run_scoped3A_95, %dma_wait3A_121] : memref<2x256xi32, #tpu.memory_space<vmem>> -> memref<1x256xi32, #tpu.memory_space<vmem>>
          %dma_wait3A_123 = tpu.memref_squeeze %dma_wait3A_122 : memref<1x256xi32, #tpu.memory_space<vmem>> -> memref<256xi32, #tpu.memory_space<vmem>>
          %dma_wait3A_124 = tpu.memref_slice %arg3[%add3A_93] : memref<320000xi32, #tpu.memory_space<hbm>> -> memref<256xi32, #tpu.memory_space<hbm>>
          tpu.wait_dma2 semaphore(%run_scoped3A_108 : memref<!tpu.dma_semaphore, #tpu.memory_space<semaphore_mem>>) src(%dma_wait3A_124 : memref<256xi32, #tpu.memory_space<hbm>>) dst(%dma_wait3A_123 : memref<256xi32, #tpu.memory_space<vmem>>)
          tpu.yield
        }) : () -> ()
        %dma_start3A_96 = arith.constant 0 : i32
        %dma_start3A_97 = arith.constant 0 : i32
        %dma_start3A_98 = arith.constant 0 : i32
        %dma_start3A_99 = arith.constant 0 : i32
        %dma_start3A_100 = tpu.memref_slice %arg10[%dma_start3A_97, %dma_start3A_98, %dma_start3A_99] : memref<2x256x64xf32, #tpu.memory_space<vmem>> -> memref<1x256x64xf32, #tpu.memory_space<vmem>>
        %dma_start3A_101 = tpu.memref_squeeze %dma_start3A_100 : memref<1x256x64xf32, #tpu.memory_space<vmem>> -> memref<256x64xf32, #tpu.memory_space<vmem>>
        %dma_start3A_102 = arith.constant 0 : i32
        %dma_start3A_103 = tpu.memref_slice %arg8[%dma_start3A_96, %dma_start3A_102] : memref<2x256xi32, #tpu.memory_space<vmem>> -> memref<1x256xi32, #tpu.memory_space<vmem>>
        %dma_start3A_104 = tpu.memref_squeeze %dma_start3A_103 : memref<1x256xi32, #tpu.memory_space<vmem>> -> memref<256xi32, #tpu.memory_space<vmem>>
        %dma_start3A_105 = arith.constant 0 : i32
        %dma_start3A_106 = arith.constant 0 : i32
        %dma_start3A_107 = tpu.memref_slice %arg4[%dma_start3A_105, %dma_start3A_106] : memref<10000x64xf32, #tpu.memory_space<hbm>> -> memref<10000x64xf32, #tpu.memory_space<hbm>>
        tpu.enqueue_indirect_dma source(%dma_start3A_107 : memref<10000x64xf32, #tpu.memory_space<hbm>>) target(%dma_start3A_101 : memref<256x64xf32, #tpu.memory_space<vmem>>) offsets(%dma_start3A_104 : memref<256xi32, #tpu.memory_space<vmem>>) semaphore(%arg14 : memref<!tpu.dma_semaphore, #tpu.memory_space<semaphore_mem>>)
      } else {
      }
      %dma_wait3A_75 = arith.constant 1 : i32
      %dma_wait3A_76 = arith.constant 1 : i32
      %dma_wait3A_77 = arith.constant 0 : i32
      %dma_wait3A_78 = arith.constant 0 : i32
      %dma_wait3A_79 = tpu.memref_slice %arg10[%dma_wait3A_76, %dma_wait3A_77, %dma_wait3A_78] : memref<2x256x64xf32, #tpu.memory_space<vmem>> -> memref<1x256x64xf32, #tpu.memory_space<vmem>>
      %dma_wait3A_80 = tpu.memref_squeeze %dma_wait3A_79 : memref<1x256x64xf32, #tpu.memory_space<vmem>> -> memref<256x64xf32, #tpu.memory_space<vmem>>
      %dma_wait3A_81 = arith.constant 0 : i32
      %dma_wait3A_82 = tpu.memref_slice %arg8[%dma_wait3A_75, %dma_wait3A_81] : memref<2x256xi32, #tpu.memory_space<vmem>> -> memref<1x256xi32, #tpu.memory_space<vmem>>
      %dma_wait3A_83 = tpu.memref_squeeze %dma_wait3A_82 : memref<1x256xi32, #tpu.memory_space<vmem>> -> memref<256xi32, #tpu.memory_space<vmem>>
      %dma_wait3A_84 = arith.constant 0 : i32
      %dma_wait3A_85 = arith.constant 0 : i32
      %dma_wait3A_86 = tpu.memref_slice %arg4[%dma_wait3A_84, %dma_wait3A_85] : memref<10000x64xf32, #tpu.memory_space<hbm>> -> memref<10000x64xf32, #tpu.memory_space<hbm>>
      tpu.wait_indirect_dma semaphore(%arg15 : memref<!tpu.dma_semaphore, #tpu.memory_space<semaphore_mem>>) src(%dma_wait3A_86 : memref<10000x64xf32, #tpu.memory_space<hbm>>) dst(%dma_wait3A_80 : memref<256x64xf32, #tpu.memory_space<vmem>>)
      %run_scoped3A_87 = arith.constant 1 : i32
      %run_scoped3A_88 = arith.constant 1 : i32
      "tpu.region"() ({
        %run_scoped3A_89 = tpu.sem_alloc : memref<!tpu.dma_semaphore, #tpu.memory_space<semaphore_mem>>
        %dma_start3A_90 = arith.constant 0 : i32
        %dma_start3A_91 = arith.constant 0 : i32
        %dma_start3A_92 = tpu.memref_slice %arg10[%run_scoped3A_87, %dma_start3A_90, %dma_start3A_91] : memref<2x256x64xf32, #tpu.memory_space<vmem>> -> memref<1x256x64xf32, #tpu.memory_space<vmem>>
        %dma_start3A_93 = tpu.memref_squeeze %dma_start3A_92 : memref<1x256x64xf32, #tpu.memory_space<vmem>> -> memref<256x64xf32, #tpu.memory_space<vmem>>
        %dma_start3A_94 = arith.constant 0 : i32
        %dma_start3A_95 = tpu.memref_slice %arg9[%run_scoped3A_88, %dma_start3A_94] : memref<2x256xi32, #tpu.memory_space<vmem>> -> memref<1x256xi32, #tpu.memory_space<vmem>>
        %dma_start3A_96 = tpu.memref_squeeze %dma_start3A_95 : memref<1x256xi32, #tpu.memory_space<vmem>> -> memref<256xi32, #tpu.memory_space<vmem>>
        %dma_start3A_97 = arith.constant 0 : i32
        %dma_start3A_98 = arith.constant 0 : i32
        %dma_start3A_99 = tpu.memref_slice %arg7[%dma_start3A_97, %dma_start3A_98] : memref<10240x64xf32, #tpu.memory_space<vmem_shared>> -> memref<10240x64xf32, #tpu.memory_space<vmem_shared>>
        tpu.enqueue_indirect_dma source(%dma_start3A_93 : memref<256x64xf32, #tpu.memory_space<vmem>>) target(%dma_start3A_99 : memref<10240x64xf32, #tpu.memory_space<vmem_shared>>) offsets(%dma_start3A_96 : memref<256xi32, #tpu.memory_space<vmem>>) semaphore(%run_scoped3A_89 : memref<!tpu.dma_semaphore, #tpu.memory_space<semaphore_mem>>) {add = true}
        %dma_wait3A_100 = arith.constant 0 : i32
        %dma_wait3A_101 = arith.constant 0 : i32
        %dma_wait3A_102 = tpu.memref_slice %arg10[%run_scoped3A_87, %dma_wait3A_100, %dma_wait3A_101] : memref<2x256x64xf32, #tpu.memory_space<vmem>> -> memref<1x256x64xf32, #tpu.memory_space<vmem>>
        %dma_wait3A_103 = tpu.memref_squeeze %dma_wait3A_102 : memref<1x256x64xf32, #tpu.memory_space<vmem>> -> memref<256x64xf32, #tpu.memory_space<vmem>>
        %dma_wait3A_104 = arith.constant 0 : i32
        %dma_wait3A_105 = tpu.memref_slice %arg9[%run_scoped3A_88, %dma_wait3A_104] : memref<2x256xi32, #tpu.memory_space<vmem>> -> memref<1x256xi32, #tpu.memory_space<vmem>>
        %dma_wait3A_106 = tpu.memref_squeeze %dma_wait3A_105 : memref<1x256xi32, #tpu.memory_space<vmem>> -> memref<256xi32, #tpu.memory_space<vmem>>
        %dma_wait3A_107 = arith.constant 0 : i32
        %dma_wait3A_108 = arith.constant 0 : i32
        %dma_wait3A_109 = tpu.memref_slice %arg7[%dma_wait3A_107, %dma_wait3A_108] : memref<10240x64xf32, #tpu.memory_space<vmem_shared>> -> memref<10240x64xf32, #tpu.memory_space<vmem_shared>>
        tpu.wait_indirect_dma semaphore(%run_scoped3A_89 : memref<!tpu.dma_semaphore, #tpu.memory_space<semaphore_mem>>) src(%dma_wait3A_103 : memref<256x64xf32, #tpu.memory_space<vmem>>) dst(%dma_wait3A_109 : memref<10240x64xf32, #tpu.memory_space<vmem_shared>>)
        tpu.yield
      }) : () -> ()
    }
    %scan3A_21 = arith.constant 19 : i32
    %dma_wait3A = arith.constant 0 : i32
    %dma_wait3A_22 = arith.constant 0 : i32
    %dma_wait3A_23 = arith.constant 0 : i32
    %dma_wait3A_24 = arith.constant 0 : i32
    %dma_wait3A_25 = tpu.memref_slice %arg10[%dma_wait3A_22, %dma_wait3A_23, %dma_wait3A_24] : memref<2x256x64xf32, #tpu.memory_space<vmem>> -> memref<1x256x64xf32, #tpu.memory_space<vmem>>
    %dma_wait3A_26 = tpu.memref_squeeze %dma_wait3A_25 : memref<1x256x64xf32, #tpu.memory_space<vmem>> -> memref<256x64xf32, #tpu.memory_space<vmem>>
    %dma_wait3A_27 = arith.constant 0 : i32
    %dma_wait3A_28 = tpu.memref_slice %arg8[%dma_wait3A, %dma_wait3A_27] : memref<2x256xi32, #tpu.memory_space<vmem>> -> memref<1x256xi32, #tpu.memory_space<vmem>>
    %dma_wait3A_29 = tpu.memref_squeeze %dma_wait3A_28 : memref<1x256xi32, #tpu.memory_space<vmem>> -> memref<256xi32, #tpu.memory_space<vmem>>
    %dma_wait3A_30 = arith.constant 0 : i32
    %dma_wait3A_31 = arith.constant 0 : i32
    %dma_wait3A_32 = tpu.memref_slice %arg4[%dma_wait3A_30, %dma_wait3A_31] : memref<10000x64xf32, #tpu.memory_space<hbm>> -> memref<10000x64xf32, #tpu.memory_space<hbm>>
    tpu.wait_indirect_dma semaphore(%arg14 : memref<!tpu.dma_semaphore, #tpu.memory_space<semaphore_mem>>) src(%dma_wait3A_32 : memref<10000x64xf32, #tpu.memory_space<hbm>>) dst(%dma_wait3A_26 : memref<256x64xf32, #tpu.memory_space<vmem>>)
    %run_scoped3A_33 = arith.constant 0 : i32
    %run_scoped3A_34 = arith.constant 0 : i32
    "tpu.region"() ({
      %run_scoped3A_45 = tpu.sem_alloc : memref<!tpu.dma_semaphore, #tpu.memory_space<semaphore_mem>>
      %dma_start3A_46 = arith.constant 0 : i32
      %dma_start3A_47 = arith.constant 0 : i32
      %dma_start3A_48 = tpu.memref_slice %arg10[%run_scoped3A_33, %dma_start3A_46, %dma_start3A_47] : memref<2x256x64xf32, #tpu.memory_space<vmem>> -> memref<1x256x64xf32, #tpu.memory_space<vmem>>
      %dma_start3A_49 = tpu.memref_squeeze %dma_start3A_48 : memref<1x256x64xf32, #tpu.memory_space<vmem>> -> memref<256x64xf32, #tpu.memory_space<vmem>>
      %dma_start3A_50 = arith.constant 0 : i32
      %dma_start3A_51 = tpu.memref_slice %arg9[%run_scoped3A_34, %dma_start3A_50] : memref<2x256xi32, #tpu.memory_space<vmem>> -> memref<1x256xi32, #tpu.memory_space<vmem>>
      %dma_start3A_52 = tpu.memref_squeeze %dma_start3A_51 : memref<1x256xi32, #tpu.memory_space<vmem>> -> memref<256xi32, #tpu.memory_space<vmem>>
      %dma_start3A_53 = arith.constant 0 : i32
      %dma_start3A_54 = arith.constant 0 : i32
      %dma_start3A_55 = tpu.memref_slice %arg7[%dma_start3A_53, %dma_start3A_54] : memref<10240x64xf32, #tpu.memory_space<vmem_shared>> -> memref<10240x64xf32, #tpu.memory_space<vmem_shared>>
      tpu.enqueue_indirect_dma source(%dma_start3A_49 : memref<256x64xf32, #tpu.memory_space<vmem>>) target(%dma_start3A_55 : memref<10240x64xf32, #tpu.memory_space<vmem_shared>>) offsets(%dma_start3A_52 : memref<256xi32, #tpu.memory_space<vmem>>) semaphore(%run_scoped3A_45 : memref<!tpu.dma_semaphore, #tpu.memory_space<semaphore_mem>>) {add = true}
      %dma_wait3A_56 = arith.constant 0 : i32
      %dma_wait3A_57 = arith.constant 0 : i32
      %dma_wait3A_58 = tpu.memref_slice %arg10[%run_scoped3A_33, %dma_wait3A_56, %dma_wait3A_57] : memref<2x256x64xf32, #tpu.memory_space<vmem>> -> memref<1x256x64xf32, #tpu.memory_space<vmem>>
      %dma_wait3A_59 = tpu.memref_squeeze %dma_wait3A_58 : memref<1x256x64xf32, #tpu.memory_space<vmem>> -> memref<256x64xf32, #tpu.memory_space<vmem>>
      %dma_wait3A_60 = arith.constant 0 : i32
      %dma_wait3A_61 = tpu.memref_slice %arg9[%run_scoped3A_34, %dma_wait3A_60] : memref<2x256xi32, #tpu.memory_space<vmem>> -> memref<1x256xi32, #tpu.memory_space<vmem>>
      %dma_wait3A_62 = tpu.memref_squeeze %dma_wait3A_61 : memref<1x256xi32, #tpu.memory_space<vmem>> -> memref<256xi32, #tpu.memory_space<vmem>>
      %dma_wait3A_63 = arith.constant 0 : i32
      %dma_wait3A_64 = arith.constant 0 : i32
      %dma_wait3A_65 = tpu.memref_slice %arg7[%dma_wait3A_63, %dma_wait3A_64] : memref<10240x64xf32, #tpu.memory_space<vmem_shared>> -> memref<10240x64xf32, #tpu.memory_space<vmem_shared>>
      tpu.wait_indirect_dma semaphore(%run_scoped3A_45 : memref<!tpu.dma_semaphore, #tpu.memory_space<semaphore_mem>>) src(%dma_wait3A_59 : memref<256x64xf32, #tpu.memory_space<vmem>>) dst(%dma_wait3A_65 : memref<10240x64xf32, #tpu.memory_space<vmem_shared>>)
      tpu.yield
    }) : () -> ()
    %add3A_35 = arith.constant 9984 : i32
    %add3A_36 = arith.addi %mul3A_2, %add3A_35 : i32
    "tpu.region"() ({
      %run_scoped3A_45 = tpu.sem_alloc : memref<!tpu.dma_semaphore, #tpu.memory_space<semaphore_mem>>
      %dma_start3A_46 = tpu.memref_slice %arg2[%add3A_36] : memref<320000xi32, #tpu.memory_space<hbm>> -> memref<16xi32, #tpu.memory_space<hbm>>
      %dma_start3A_47 = tpu.memref_slice %arg2[%add3A_36] : memref<320000xi32, #tpu.memory_space<hbm>> -> memref<16xi32, #tpu.memory_space<hbm>>
      tpu.enqueue_dma source(%dma_start3A_47 : memref<16xi32, #tpu.memory_space<hbm>>) target(%arg11 : memref<16xi32, #tpu.memory_space<vmem>>) target_semaphore(%run_scoped3A_45 : memref<!tpu.dma_semaphore, #tpu.memory_space<semaphore_mem>>)
      %dma_wait3A_48 = tpu.memref_slice %arg2[%add3A_36] : memref<320000xi32, #tpu.memory_space<hbm>> -> memref<16xi32, #tpu.memory_space<hbm>>
      %dma_wait3A_49 = tpu.memref_slice %arg2[%add3A_36] : memref<320000xi32, #tpu.memory_space<hbm>> -> memref<16xi32, #tpu.memory_space<hbm>>
      tpu.wait_dma2 semaphore(%run_scoped3A_45 : memref<!tpu.dma_semaphore, #tpu.memory_space<semaphore_mem>>) src(%dma_wait3A_49 : memref<16xi32, #tpu.memory_space<hbm>>) dst(%arg11 : memref<16xi32, #tpu.memory_space<vmem>>)
      tpu.yield
    }) : () -> ()
    "tpu.region"() ({
      %run_scoped3A_45 = tpu.sem_alloc : memref<!tpu.dma_semaphore, #tpu.memory_space<semaphore_mem>>
      %dma_start3A_46 = tpu.memref_slice %arg3[%add3A_36] : memref<320000xi32, #tpu.memory_space<hbm>> -> memref<16xi32, #tpu.memory_space<hbm>>
      %dma_start3A_47 = tpu.memref_slice %arg3[%add3A_36] : memref<320000xi32, #tpu.memory_space<hbm>> -> memref<16xi32, #tpu.memory_space<hbm>>
      tpu.enqueue_dma source(%dma_start3A_47 : memref<16xi32, #tpu.memory_space<hbm>>) target(%arg12 : memref<16xi32, #tpu.memory_space<vmem>>) target_semaphore(%run_scoped3A_45 : memref<!tpu.dma_semaphore, #tpu.memory_space<semaphore_mem>>)
      %dma_wait3A_48 = tpu.memref_slice %arg3[%add3A_36] : memref<320000xi32, #tpu.memory_space<hbm>> -> memref<16xi32, #tpu.memory_space<hbm>>
      %dma_wait3A_49 = tpu.memref_slice %arg3[%add3A_36] : memref<320000xi32, #tpu.memory_space<hbm>> -> memref<16xi32, #tpu.memory_space<hbm>>
      tpu.wait_dma2 semaphore(%run_scoped3A_45 : memref<!tpu.dma_semaphore, #tpu.memory_space<semaphore_mem>>) src(%dma_wait3A_49 : memref<16xi32, #tpu.memory_space<hbm>>) dst(%arg12 : memref<16xi32, #tpu.memory_space<vmem>>)
      tpu.yield
    }) : () -> ()
    "tpu.region"() ({
      %run_scoped3A_45 = tpu.sem_alloc : memref<!tpu.dma_semaphore, #tpu.memory_space<semaphore_mem>>
      %dma_start3A_46 = arith.constant 0 : i32
      %dma_start3A_47 = arith.constant 0 : i32
      %dma_start3A_48 = tpu.memref_slice %arg4[%dma_start3A_46, %dma_start3A_47] : memref<10000x64xf32, #tpu.memory_space<hbm>> -> memref<10000x64xf32, #tpu.memory_space<hbm>>
      tpu.enqueue_indirect_dma source(%dma_start3A_48 : memref<10000x64xf32, #tpu.memory_space<hbm>>) target(%arg13 : memref<16x64xf32, #tpu.memory_space<vmem>>) offsets(%arg11 : memref<16xi32, #tpu.memory_space<vmem>>) semaphore(%run_scoped3A_45 : memref<!tpu.dma_semaphore, #tpu.memory_space<semaphore_mem>>)
      %dma_wait3A_49 = arith.constant 0 : i32
      %dma_wait3A_50 = arith.constant 0 : i32
      %dma_wait3A_51 = tpu.memref_slice %arg4[%dma_wait3A_49, %dma_wait3A_50] : memref<10000x64xf32, #tpu.memory_space<hbm>> -> memref<10000x64xf32, #tpu.memory_space<hbm>>
      tpu.wait_indirect_dma semaphore(%run_scoped3A_45 : memref<!tpu.dma_semaphore, #tpu.memory_space<semaphore_mem>>) src(%dma_wait3A_51 : memref<10000x64xf32, #tpu.memory_space<hbm>>) dst(%arg13 : memref<16x64xf32, #tpu.memory_space<vmem>>)
      tpu.yield
    }) : () -> ()
    "tpu.region"() ({
      %run_scoped3A_45 = tpu.sem_alloc : memref<!tpu.dma_semaphore, #tpu.memory_space<semaphore_mem>>
      %dma_start3A_46 = arith.constant 0 : i32
      %dma_start3A_47 = arith.constant 0 : i32
      %dma_start3A_48 = tpu.memref_slice %arg7[%dma_start3A_46, %dma_start3A_47] : memref<10240x64xf32, #tpu.memory_space<vmem_shared>> -> memref<10240x64xf32, #tpu.memory_space<vmem_shared>>
      tpu.enqueue_indirect_dma source(%arg13 : memref<16x64xf32, #tpu.memory_space<vmem>>) target(%dma_start3A_48 : memref<10240x64xf32, #tpu.memory_space<vmem_shared>>) offsets(%arg12 : memref<16xi32, #tpu.memory_space<vmem>>) semaphore(%run_scoped3A_45 : memref<!tpu.dma_semaphore, #tpu.memory_space<semaphore_mem>>) {add = true}
      %dma_wait3A_49 = arith.constant 0 : i32
      %dma_wait3A_50 = arith.constant 0 : i32
      %dma_wait3A_51 = tpu.memref_slice %arg7[%dma_wait3A_49, %dma_wait3A_50] : memref<10240x64xf32, #tpu.memory_space<vmem_shared>> -> memref<10240x64xf32, #tpu.memory_space<vmem_shared>>
      tpu.wait_indirect_dma semaphore(%run_scoped3A_45 : memref<!tpu.dma_semaphore, #tpu.memory_space<semaphore_mem>>) src(%arg13 : memref<16x64xf32, #tpu.memory_space<vmem>>) dst(%dma_wait3A_51 : memref<10240x64xf32, #tpu.memory_space<vmem_shared>>)
      tpu.yield
    }) : () -> ()
    %barrier3A_37 = arith.constant 0 : index
    tpu.barrier barrier_id(%barrier3A_37)
    %mul3A_38 = arith.constant 640 : i32
    %mul3A_39 = arith.muli %arg1, %mul3A_38 : i32
    %mul3A_40 = arith.constant 10240 : i32
    %mul3A_41 = arith.muli %arg0, %mul3A_40 : i32
    %mul3A_42 = arith.constant 640 : i32
    %mul3A_43 = arith.muli %arg1, %mul3A_42 : i32
    %add3A_44 = arith.addi %mul3A_41, %mul3A_43 : i32
    "tpu.region"() ({
      %run_scoped3A_45 = tpu.sem_alloc : memref<!tpu.dma_semaphore, #tpu.memory_space<semaphore_mem>>
      %dma_start3A_46 = arith.constant 0 : i32
      %dma_start3A_47 = tpu.memref_slice %arg6[%add3A_44, %dma_start3A_46] : memref<20480x64xf32, #tpu.memory_space<hbm>> -> memref<640x64xf32, #tpu.memory_space<hbm>>
      %dma_start3A_48 = arith.constant 0 : i32
      %dma_start3A_49 = tpu.memref_slice %arg7[%mul3A_39, %dma_start3A_48] : memref<10240x64xf32, #tpu.memory_space<vmem_shared>> -> memref<640x64xf32, #tpu.memory_space<vmem_shared>>
      tpu.enqueue_dma source(%dma_start3A_49 : memref<640x64xf32, #tpu.memory_space<vmem_shared>>) target(%dma_start3A_47 : memref<640x64xf32, #tpu.memory_space<hbm>>) target_semaphore(%run_scoped3A_45 : memref<!tpu.dma_semaphore, #tpu.memory_space<semaphore_mem>>)
      %dma_wait3A_50 = arith.constant 0 : i32
      %dma_wait3A_51 = tpu.memref_slice %arg6[%add3A_44, %dma_wait3A_50] : memref<20480x64xf32, #tpu.memory_space<hbm>> -> memref<640x64xf32, #tpu.memory_space<hbm>>
      %dma_wait3A_52 = arith.constant 0 : i32
      %dma_wait3A_53 = tpu.memref_slice %arg7[%mul3A_39, %dma_wait3A_52] : memref<10240x64xf32, #tpu.memory_space<vmem_shared>> -> memref<640x64xf32, #tpu.memory_space<vmem_shared>>
      tpu.wait_dma2 semaphore(%run_scoped3A_45 : memref<!tpu.dma_semaphore, #tpu.memory_space<semaphore_mem>>) src(%dma_wait3A_53 : memref<640x64xf32, #tpu.memory_space<vmem_shared>>) dst(%dma_wait3A_51 : memref<640x64xf32, #tpu.memory_space<hbm>>)
      tpu.yield
    }) : () -> ()
    return
  }
}

#map = affine_map<(d0, d1) -> (0)>
#map1 = affine_map<(d0, d1) -> (0, 0)>
module attributes {stable_mosaic.version = 14 : i64} {
  func.func @_sc_degree_body(%arg0: i32, %arg1: i32, %arg2: memref<320000xi32, #tpu.memory_space<hbm>>, %arg3: memref<640x8xf32, #tpu.memory_space<hbm>>, %arg4: memref<128x8xf32, #tpu.memory_space<hbm>>, %arg5: memref<20480x8xf32, #tpu.memory_space<hbm>>, %arg6: memref<10240x8xf32, #tpu.memory_space<vmem_shared>>, %arg7: memref<2x128xi32, #tpu.memory_space<vmem>>, %arg8: memref<128x8xf32, #tpu.memory_space<vmem>>, %arg9: memref<16xi32, #tpu.memory_space<vmem>>, %arg10: memref<16x8xf32, #tpu.memory_space<vmem>>, %arg11: memref<!tpu.dma_semaphore, #tpu.memory_space<semaphore_mem>>, %arg12: memref<!tpu.dma_semaphore, #tpu.memory_space<semaphore_mem>>) attributes {dimension_semantics = [#tpu.dimension_semantics<core_parallel>, #tpu.dimension_semantics<subcore_parallel>], iteration_bounds = array<i64: 2, 16>, scalar_prefetch = 0 : i64, scratch_operands = 7 : i64, tpu.core_type = #tpu.core_type<sc_vector_subcore>, window_params = [{transform_indices = #map}, {transform_indices = #map1}, {transform_indices = #map1}, {transform_indices = #map1}]} {
    %mul3A = arith.constant 2 : i32
    %mul3A_0 = arith.muli %arg1, %mul3A : i32
    %add3A = arith.addi %mul3A_0, %arg0 : i32
    %mul3A_1 = arith.constant 10000 : i32
    %mul3A_2 = arith.muli %add3A, %mul3A_1 : i32
    %mul3A_3 = arith.constant 640 : i32
    %mul3A_4 = arith.muli %arg1, %mul3A_3 : i32
    "tpu.region"() ({
      %run_scoped3A = tpu.sem_alloc : memref<!tpu.dma_semaphore, #tpu.memory_space<semaphore_mem>>
      %dma_start3A_28 = arith.constant 0 : i32
      %dma_start3A_29 = tpu.memref_slice %arg6[%mul3A_4, %dma_start3A_28] : memref<10240x8xf32, #tpu.memory_space<vmem_shared>> -> memref<640x8xf32, #tpu.memory_space<vmem_shared>>
      tpu.enqueue_dma source(%arg3 : memref<640x8xf32, #tpu.memory_space<hbm>>) target(%dma_start3A_29 : memref<640x8xf32, #tpu.memory_space<vmem_shared>>) target_semaphore(%run_scoped3A : memref<!tpu.dma_semaphore, #tpu.memory_space<semaphore_mem>>)
      %dma_wait3A = arith.constant 0 : i32
      %dma_wait3A_30 = tpu.memref_slice %arg6[%mul3A_4, %dma_wait3A] : memref<10240x8xf32, #tpu.memory_space<vmem_shared>> -> memref<640x8xf32, #tpu.memory_space<vmem_shared>>
      tpu.wait_dma2 semaphore(%run_scoped3A : memref<!tpu.dma_semaphore, #tpu.memory_space<semaphore_mem>>) src(%arg3 : memref<640x8xf32, #tpu.memory_space<hbm>>) dst(%dma_wait3A_30 : memref<640x8xf32, #tpu.memory_space<vmem_shared>>)
      tpu.yield
    }) : () -> ()
    "tpu.region"() ({
      %run_scoped3A = tpu.sem_alloc : memref<!tpu.dma_semaphore, #tpu.memory_space<semaphore_mem>>
      tpu.enqueue_dma source(%arg4 : memref<128x8xf32, #tpu.memory_space<hbm>>) target(%arg8 : memref<128x8xf32, #tpu.memory_space<vmem>>) target_semaphore(%run_scoped3A : memref<!tpu.dma_semaphore, #tpu.memory_space<semaphore_mem>>)
      tpu.wait_dma2 semaphore(%run_scoped3A : memref<!tpu.dma_semaphore, #tpu.memory_space<semaphore_mem>>) src(%arg4 : memref<128x8xf32, #tpu.memory_space<hbm>>) dst(%arg8 : memref<128x8xf32, #tpu.memory_space<vmem>>)
      tpu.yield
    }) : () -> ()
    "tpu.region"() ({
      %run_scoped3A = tpu.sem_alloc : memref<!tpu.dma_semaphore, #tpu.memory_space<semaphore_mem>>
      %dma_start3A_28 = arith.constant 0 : i32
      %dma_start3A_29 = arith.constant 0 : i32
      %dma_start3A_30 = tpu.memref_slice %arg4[%dma_start3A_28, %dma_start3A_29] : memref<128x8xf32, #tpu.memory_space<hbm>> -> memref<16x8xf32, #tpu.memory_space<hbm>>
      %dma_start3A_31 = arith.constant 0 : i32
      %dma_start3A_32 = arith.constant 0 : i32
      %dma_start3A_33 = tpu.memref_slice %arg4[%dma_start3A_31, %dma_start3A_32] : memref<128x8xf32, #tpu.memory_space<hbm>> -> memref<16x8xf32, #tpu.memory_space<hbm>>
      tpu.enqueue_dma source(%dma_start3A_33 : memref<16x8xf32, #tpu.memory_space<hbm>>) target(%arg10 : memref<16x8xf32, #tpu.memory_space<vmem>>) target_semaphore(%run_scoped3A : memref<!tpu.dma_semaphore, #tpu.memory_space<semaphore_mem>>)
      %dma_wait3A = arith.constant 0 : i32
      %dma_wait3A_34 = arith.constant 0 : i32
      %dma_wait3A_35 = tpu.memref_slice %arg4[%dma_wait3A, %dma_wait3A_34] : memref<128x8xf32, #tpu.memory_space<hbm>> -> memref<16x8xf32, #tpu.memory_space<hbm>>
      %dma_wait3A_36 = arith.constant 0 : i32
      %dma_wait3A_37 = arith.constant 0 : i32
      %dma_wait3A_38 = tpu.memref_slice %arg4[%dma_wait3A_36, %dma_wait3A_37] : memref<128x8xf32, #tpu.memory_space<hbm>> -> memref<16x8xf32, #tpu.memory_space<hbm>>
      tpu.wait_dma2 semaphore(%run_scoped3A : memref<!tpu.dma_semaphore, #tpu.memory_space<semaphore_mem>>) src(%dma_wait3A_38 : memref<16x8xf32, #tpu.memory_space<hbm>>) dst(%arg10 : memref<16x8xf32, #tpu.memory_space<vmem>>)
      tpu.yield
    }) : () -> ()
    %barrier3A = arith.constant 0 : index
    tpu.barrier barrier_id(%barrier3A)
    %dma_start3A = arith.constant 0 : i32
    %dma_start3A_5 = arith.constant 0 : i32
    %dma_start3A_6 = tpu.memref_slice %arg7[%dma_start3A, %dma_start3A_5] : memref<2x128xi32, #tpu.memory_space<vmem>> -> memref<1x128xi32, #tpu.memory_space<vmem>>
    %dma_start3A_7 = tpu.memref_squeeze %dma_start3A_6 : memref<1x128xi32, #tpu.memory_space<vmem>> -> memref<128xi32, #tpu.memory_space<vmem>>
    %dma_start3A_8 = tpu.memref_slice %arg2[%mul3A_2] : memref<320000xi32, #tpu.memory_space<hbm>> -> memref<128xi32, #tpu.memory_space<hbm>>
    %dma_start3A_9 = arith.constant 0 : i32
    %dma_start3A_10 = tpu.memref_slice %arg7[%dma_start3A, %dma_start3A_9] : memref<2x128xi32, #tpu.memory_space<vmem>> -> memref<1x128xi32, #tpu.memory_space<vmem>>
    %dma_start3A_11 = tpu.memref_squeeze %dma_start3A_10 : memref<1x128xi32, #tpu.memory_space<vmem>> -> memref<128xi32, #tpu.memory_space<vmem>>
    %dma_start3A_12 = tpu.memref_slice %arg2[%mul3A_2] : memref<320000xi32, #tpu.memory_space<hbm>> -> memref<128xi32, #tpu.memory_space<hbm>>
    tpu.enqueue_dma source(%dma_start3A_12 : memref<128xi32, #tpu.memory_space<hbm>>) target(%dma_start3A_11 : memref<128xi32, #tpu.memory_space<vmem>>) target_semaphore(%arg11 : memref<!tpu.dma_semaphore, #tpu.memory_space<semaphore_mem>>)
    %scan3A = arith.constant 0 : i32
    %scan3A_13 = arith.constant 0 : i32
    %scan3A_14 = arith.constant 39 : i32
    %scan3A_15 = arith.addi %scan3A_13, %scan3A_14 : i32
    %scan3A_16 = arith.constant 1 : i32
    scf.for %scan3A_28 = %scan3A_13 to %scan3A_15 step %scan3A_16  : i32 {
      %mul3A_29 = arith.constant 2 : i32
      %mul3A_30 = arith.muli %scan3A_28, %mul3A_29 : i32
      %add3A_31 = arith.constant 1 : i32
      %add3A_32 = arith.addi %mul3A_30, %add3A_31 : i32
      %lt3A = arith.constant 78 : i32
      %lt3A_33 = arith.cmpi slt, %add3A_32, %lt3A : i32
      %convert_element_type3A = arith.extui %lt3A_33 : i1 to i32
      %cond3A = arith.constant 0 : i32
      %cond3A_34 = arith.cmpi ne, %convert_element_type3A, %cond3A : i32
      scf.if %cond3A_34 {
        %add3A_62 = arith.constant 1 : i32
        %add3A_63 = arith.addi %mul3A_30, %add3A_62 : i32
        %mul3A_64 = arith.constant 128 : i32
        %mul3A_65 = arith.muli %add3A_63, %mul3A_64 : i32
        %add3A_66 = arith.addi %mul3A_2, %mul3A_65 : i32
        %dma_start3A_67 = arith.constant 1 : i32
        %dma_start3A_68 = arith.constant 0 : i32
        %dma_start3A_69 = tpu.memref_slice %arg7[%dma_start3A_67, %dma_start3A_68] : memref<2x128xi32, #tpu.memory_space<vmem>> -> memref<1x128xi32, #tpu.memory_space<vmem>>
        %dma_start3A_70 = tpu.memref_squeeze %dma_start3A_69 : memref<1x128xi32, #tpu.memory_space<vmem>> -> memref<128xi32, #tpu.memory_space<vmem>>
        %dma_start3A_71 = tpu.memref_slice %arg2[%add3A_66] : memref<320000xi32, #tpu.memory_space<hbm>> -> memref<128xi32, #tpu.memory_space<hbm>>
        %dma_start3A_72 = arith.constant 0 : i32
        %dma_start3A_73 = tpu.memref_slice %arg7[%dma_start3A_67, %dma_start3A_72] : memref<2x128xi32, #tpu.memory_space<vmem>> -> memref<1x128xi32, #tpu.memory_space<vmem>>
        %dma_start3A_74 = tpu.memref_squeeze %dma_start3A_73 : memref<1x128xi32, #tpu.memory_space<vmem>> -> memref<128xi32, #tpu.memory_space<vmem>>
        %dma_start3A_75 = tpu.memref_slice %arg2[%add3A_66] : memref<320000xi32, #tpu.memory_space<hbm>> -> memref<128xi32, #tpu.memory_space<hbm>>
        tpu.enqueue_dma source(%dma_start3A_75 : memref<128xi32, #tpu.memory_space<hbm>>) target(%dma_start3A_74 : memref<128xi32, #tpu.memory_space<vmem>>) target_semaphore(%arg12 : memref<!tpu.dma_semaphore, #tpu.memory_space<semaphore_mem>>)
      } else {
      }
      %dma_wait3A = arith.constant 0 : i32
      %dma_wait3A_35 = arith.constant 0 : i32
      %dma_wait3A_36 = tpu.memref_slice %arg7[%dma_wait3A, %dma_wait3A_35] : memref<2x128xi32, #tpu.memory_space<vmem>> -> memref<1x128xi32, #tpu.memory_space<vmem>>
      %dma_wait3A_37 = tpu.memref_squeeze %dma_wait3A_36 : memref<1x128xi32, #tpu.memory_space<vmem>> -> memref<128xi32, #tpu.memory_space<vmem>>
      %dma_wait3A_38 = tpu.memref_slice %arg2[%mul3A_2] : memref<320000xi32, #tpu.memory_space<hbm>> -> memref<128xi32, #tpu.memory_space<hbm>>
      %dma_wait3A_39 = arith.constant 0 : i32
      %dma_wait3A_40 = tpu.memref_slice %arg7[%dma_wait3A, %dma_wait3A_39] : memref<2x128xi32, #tpu.memory_space<vmem>> -> memref<1x128xi32, #tpu.memory_space<vmem>>
      %dma_wait3A_41 = tpu.memref_squeeze %dma_wait3A_40 : memref<1x128xi32, #tpu.memory_space<vmem>> -> memref<128xi32, #tpu.memory_space<vmem>>
      %dma_wait3A_42 = tpu.memref_slice %arg2[%mul3A_2] : memref<320000xi32, #tpu.memory_space<hbm>> -> memref<128xi32, #tpu.memory_space<hbm>>
      tpu.wait_dma2 semaphore(%arg11 : memref<!tpu.dma_semaphore, #tpu.memory_space<semaphore_mem>>) src(%dma_wait3A_42 : memref<128xi32, #tpu.memory_space<hbm>>) dst(%dma_wait3A_41 : memref<128xi32, #tpu.memory_space<vmem>>)
      %run_scoped3A = arith.constant 0 : i32
      "tpu.region"() ({
        %run_scoped3A_62 = tpu.sem_alloc : memref<!tpu.dma_semaphore, #tpu.memory_space<semaphore_mem>>
        %dma_start3A_63 = arith.constant 0 : i32
        %dma_start3A_64 = tpu.memref_slice %arg7[%run_scoped3A, %dma_start3A_63] : memref<2x128xi32, #tpu.memory_space<vmem>> -> memref<1x128xi32, #tpu.memory_space<vmem>>
        %dma_start3A_65 = tpu.memref_squeeze %dma_start3A_64 : memref<1x128xi32, #tpu.memory_space<vmem>> -> memref<128xi32, #tpu.memory_space<vmem>>
        %dma_start3A_66 = arith.constant 0 : i32
        %dma_start3A_67 = arith.constant 0 : i32
        %dma_start3A_68 = tpu.memref_slice %arg6[%dma_start3A_66, %dma_start3A_67] : memref<10240x8xf32, #tpu.memory_space<vmem_shared>> -> memref<10240x8xf32, #tpu.memory_space<vmem_shared>>
        tpu.enqueue_indirect_dma source(%arg8 : memref<128x8xf32, #tpu.memory_space<vmem>>) target(%dma_start3A_68 : memref<10240x8xf32, #tpu.memory_space<vmem_shared>>) offsets(%dma_start3A_65 : memref<128xi32, #tpu.memory_space<vmem>>) semaphore(%run_scoped3A_62 : memref<!tpu.dma_semaphore, #tpu.memory_space<semaphore_mem>>) {add = true}
        %dma_wait3A_69 = arith.constant 0 : i32
        %dma_wait3A_70 = tpu.memref_slice %arg7[%run_scoped3A, %dma_wait3A_69] : memref<2x128xi32, #tpu.memory_space<vmem>> -> memref<1x128xi32, #tpu.memory_space<vmem>>
        %dma_wait3A_71 = tpu.memref_squeeze %dma_wait3A_70 : memref<1x128xi32, #tpu.memory_space<vmem>> -> memref<128xi32, #tpu.memory_space<vmem>>
        %dma_wait3A_72 = arith.constant 0 : i32
        %dma_wait3A_73 = arith.constant 0 : i32
        %dma_wait3A_74 = tpu.memref_slice %arg6[%dma_wait3A_72, %dma_wait3A_73] : memref<10240x8xf32, #tpu.memory_space<vmem_shared>> -> memref<10240x8xf32, #tpu.memory_space<vmem_shared>>
        tpu.wait_indirect_dma semaphore(%run_scoped3A_62 : memref<!tpu.dma_semaphore, #tpu.memory_space<semaphore_mem>>) src(%arg8 : memref<128x8xf32, #tpu.memory_space<vmem>>) dst(%dma_wait3A_74 : memref<10240x8xf32, #tpu.memory_space<vmem_shared>>)
        tpu.yield
      }) : () -> ()
      %add3A_43 = arith.constant 1 : i32
      %add3A_44 = arith.addi %mul3A_30, %add3A_43 : i32
      %add3A_45 = arith.constant 1 : i32
      %add3A_46 = arith.addi %add3A_44, %add3A_45 : i32
      %lt3A_47 = arith.constant 78 : i32
      %lt3A_48 = arith.cmpi slt, %add3A_46, %lt3A_47 : i32
      %convert_element_type3A_49 = arith.extui %lt3A_48 : i1 to i32
      %cond3A_50 = arith.constant 0 : i32
      %cond3A_51 = arith.cmpi ne, %convert_element_type3A_49, %cond3A_50 : i32
      scf.if %cond3A_51 {
        %add3A_62 = arith.constant 1 : i32
        %add3A_63 = arith.addi %add3A_44, %add3A_62 : i32
        %mul3A_64 = arith.constant 128 : i32
        %mul3A_65 = arith.muli %add3A_63, %mul3A_64 : i32
        %add3A_66 = arith.addi %mul3A_2, %mul3A_65 : i32
        %dma_start3A_67 = arith.constant 0 : i32
        %dma_start3A_68 = arith.constant 0 : i32
        %dma_start3A_69 = tpu.memref_slice %arg7[%dma_start3A_67, %dma_start3A_68] : memref<2x128xi32, #tpu.memory_space<vmem>> -> memref<1x128xi32, #tpu.memory_space<vmem>>
        %dma_start3A_70 = tpu.memref_squeeze %dma_start3A_69 : memref<1x128xi32, #tpu.memory_space<vmem>> -> memref<128xi32, #tpu.memory_space<vmem>>
        %dma_start3A_71 = tpu.memref_slice %arg2[%add3A_66] : memref<320000xi32, #tpu.memory_space<hbm>> -> memref<128xi32, #tpu.memory_space<hbm>>
        %dma_start3A_72 = arith.constant 0 : i32
        %dma_start3A_73 = tpu.memref_slice %arg7[%dma_start3A_67, %dma_start3A_72] : memref<2x128xi32, #tpu.memory_space<vmem>> -> memref<1x128xi32, #tpu.memory_space<vmem>>
        %dma_start3A_74 = tpu.memref_squeeze %dma_start3A_73 : memref<1x128xi32, #tpu.memory_space<vmem>> -> memref<128xi32, #tpu.memory_space<vmem>>
        %dma_start3A_75 = tpu.memref_slice %arg2[%add3A_66] : memref<320000xi32, #tpu.memory_space<hbm>> -> memref<128xi32, #tpu.memory_space<hbm>>
        tpu.enqueue_dma source(%dma_start3A_75 : memref<128xi32, #tpu.memory_space<hbm>>) target(%dma_start3A_74 : memref<128xi32, #tpu.memory_space<vmem>>) target_semaphore(%arg11 : memref<!tpu.dma_semaphore, #tpu.memory_space<semaphore_mem>>)
      } else {
      }
      %dma_wait3A_52 = arith.constant 1 : i32
      %dma_wait3A_53 = arith.constant 0 : i32
      %dma_wait3A_54 = tpu.memref_slice %arg7[%dma_wait3A_52, %dma_wait3A_53] : memref<2x128xi32, #tpu.memory_space<vmem>> -> memref<1x128xi32, #tpu.memory_space<vmem>>
      %dma_wait3A_55 = tpu.memref_squeeze %dma_wait3A_54 : memref<1x128xi32, #tpu.memory_space<vmem>> -> memref<128xi32, #tpu.memory_space<vmem>>
      %dma_wait3A_56 = tpu.memref_slice %arg2[%mul3A_2] : memref<320000xi32, #tpu.memory_space<hbm>> -> memref<128xi32, #tpu.memory_space<hbm>>
      %dma_wait3A_57 = arith.constant 0 : i32
      %dma_wait3A_58 = tpu.memref_slice %arg7[%dma_wait3A_52, %dma_wait3A_57] : memref<2x128xi32, #tpu.memory_space<vmem>> -> memref<1x128xi32, #tpu.memory_space<vmem>>
      %dma_wait3A_59 = tpu.memref_squeeze %dma_wait3A_58 : memref<1x128xi32, #tpu.memory_space<vmem>> -> memref<128xi32, #tpu.memory_space<vmem>>
      %dma_wait3A_60 = tpu.memref_slice %arg2[%mul3A_2] : memref<320000xi32, #tpu.memory_space<hbm>> -> memref<128xi32, #tpu.memory_space<hbm>>
      tpu.wait_dma2 semaphore(%arg12 : memref<!tpu.dma_semaphore, #tpu.memory_space<semaphore_mem>>) src(%dma_wait3A_60 : memref<128xi32, #tpu.memory_space<hbm>>) dst(%dma_wait3A_59 : memref<128xi32, #tpu.memory_space<vmem>>)
      %run_scoped3A_61 = arith.constant 1 : i32
      "tpu.region"() ({
        %run_scoped3A_62 = tpu.sem_alloc : memref<!tpu.dma_semaphore, #tpu.memory_space<semaphore_mem>>
        %dma_start3A_63 = arith.constant 0 : i32
        %dma_start3A_64 = tpu.memref_slice %arg7[%run_scoped3A_61, %dma_start3A_63] : memref<2x128xi32, #tpu.memory_space<vmem>> -> memref<1x128xi32, #tpu.memory_space<vmem>>
        %dma_start3A_65 = tpu.memref_squeeze %dma_start3A_64 : memref<1x128xi32, #tpu.memory_space<vmem>> -> memref<128xi32, #tpu.memory_space<vmem>>
        %dma_start3A_66 = arith.constant 0 : i32
        %dma_start3A_67 = arith.constant 0 : i32
        %dma_start3A_68 = tpu.memref_slice %arg6[%dma_start3A_66, %dma_start3A_67] : memref<10240x8xf32, #tpu.memory_space<vmem_shared>> -> memref<10240x8xf32, #tpu.memory_space<vmem_shared>>
        tpu.enqueue_indirect_dma source(%arg8 : memref<128x8xf32, #tpu.memory_space<vmem>>) target(%dma_start3A_68 : memref<10240x8xf32, #tpu.memory_space<vmem_shared>>) offsets(%dma_start3A_65 : memref<128xi32, #tpu.memory_space<vmem>>) semaphore(%run_scoped3A_62 : memref<!tpu.dma_semaphore, #tpu.memory_space<semaphore_mem>>) {add = true}
        %dma_wait3A_69 = arith.constant 0 : i32
        %dma_wait3A_70 = tpu.memref_slice %arg7[%run_scoped3A_61, %dma_wait3A_69] : memref<2x128xi32, #tpu.memory_space<vmem>> -> memref<1x128xi32, #tpu.memory_space<vmem>>
        %dma_wait3A_71 = tpu.memref_squeeze %dma_wait3A_70 : memref<1x128xi32, #tpu.memory_space<vmem>> -> memref<128xi32, #tpu.memory_space<vmem>>
        %dma_wait3A_72 = arith.constant 0 : i32
        %dma_wait3A_73 = arith.constant 0 : i32
        %dma_wait3A_74 = tpu.memref_slice %arg6[%dma_wait3A_72, %dma_wait3A_73] : memref<10240x8xf32, #tpu.memory_space<vmem_shared>> -> memref<10240x8xf32, #tpu.memory_space<vmem_shared>>
        tpu.wait_indirect_dma semaphore(%run_scoped3A_62 : memref<!tpu.dma_semaphore, #tpu.memory_space<semaphore_mem>>) src(%arg8 : memref<128x8xf32, #tpu.memory_space<vmem>>) dst(%dma_wait3A_74 : memref<10240x8xf32, #tpu.memory_space<vmem_shared>>)
        tpu.yield
      }) : () -> ()
    }
    %scan3A_17 = arith.constant 39 : i32
    %add3A_18 = arith.constant 9984 : i32
    %add3A_19 = arith.addi %mul3A_2, %add3A_18 : i32
    "tpu.region"() ({
      %run_scoped3A = tpu.sem_alloc : memref<!tpu.dma_semaphore, #tpu.memory_space<semaphore_mem>>
      %dma_start3A_28 = tpu.memref_slice %arg2[%add3A_19] : memref<320000xi32, #tpu.memory_space<hbm>> -> memref<16xi32, #tpu.memory_space<hbm>>
      %dma_start3A_29 = tpu.memref_slice %arg2[%add3A_19] : memref<320000xi32, #tpu.memory_space<hbm>> -> memref<16xi32, #tpu.memory_space<hbm>>
      tpu.enqueue_dma source(%dma_start3A_29 : memref<16xi32, #tpu.memory_space<hbm>>) target(%arg9 : memref<16xi32, #tpu.memory_space<vmem>>) target_semaphore(%run_scoped3A : memref<!tpu.dma_semaphore, #tpu.memory_space<semaphore_mem>>)
      %dma_wait3A = tpu.memref_slice %arg2[%add3A_19] : memref<320000xi32, #tpu.memory_space<hbm>> -> memref<16xi32, #tpu.memory_space<hbm>>
      %dma_wait3A_30 = tpu.memref_slice %arg2[%add3A_19] : memref<320000xi32, #tpu.memory_space<hbm>> -> memref<16xi32, #tpu.memory_space<hbm>>
      tpu.wait_dma2 semaphore(%run_scoped3A : memref<!tpu.dma_semaphore, #tpu.memory_space<semaphore_mem>>) src(%dma_wait3A_30 : memref<16xi32, #tpu.memory_space<hbm>>) dst(%arg9 : memref<16xi32, #tpu.memory_space<vmem>>)
      tpu.yield
    }) : () -> ()
    "tpu.region"() ({
      %run_scoped3A = tpu.sem_alloc : memref<!tpu.dma_semaphore, #tpu.memory_space<semaphore_mem>>
      %dma_start3A_28 = arith.constant 0 : i32
      %dma_start3A_29 = arith.constant 0 : i32
      %dma_start3A_30 = tpu.memref_slice %arg6[%dma_start3A_28, %dma_start3A_29] : memref<10240x8xf32, #tpu.memory_space<vmem_shared>> -> memref<10240x8xf32, #tpu.memory_space<vmem_shared>>
      tpu.enqueue_indirect_dma source(%arg10 : memref<16x8xf32, #tpu.memory_space<vmem>>) target(%dma_start3A_30 : memref<10240x8xf32, #tpu.memory_space<vmem_shared>>) offsets(%arg9 : memref<16xi32, #tpu.memory_space<vmem>>) semaphore(%run_scoped3A : memref<!tpu.dma_semaphore, #tpu.memory_space<semaphore_mem>>) {add = true}
      %dma_wait3A = arith.constant 0 : i32
      %dma_wait3A_31 = arith.constant 0 : i32
      %dma_wait3A_32 = tpu.memref_slice %arg6[%dma_wait3A, %dma_wait3A_31] : memref<10240x8xf32, #tpu.memory_space<vmem_shared>> -> memref<10240x8xf32, #tpu.memory_space<vmem_shared>>
      tpu.wait_indirect_dma semaphore(%run_scoped3A : memref<!tpu.dma_semaphore, #tpu.memory_space<semaphore_mem>>) src(%arg10 : memref<16x8xf32, #tpu.memory_space<vmem>>) dst(%dma_wait3A_32 : memref<10240x8xf32, #tpu.memory_space<vmem_shared>>)
      tpu.yield
    }) : () -> ()
    %barrier3A_20 = arith.constant 0 : index
    tpu.barrier barrier_id(%barrier3A_20)
    %mul3A_21 = arith.constant 640 : i32
    %mul3A_22 = arith.muli %arg1, %mul3A_21 : i32
    %mul3A_23 = arith.constant 10240 : i32
    %mul3A_24 = arith.muli %arg0, %mul3A_23 : i32
    %mul3A_25 = arith.constant 640 : i32
    %mul3A_26 = arith.muli %arg1, %mul3A_25 : i32
    %add3A_27 = arith.addi %mul3A_24, %mul3A_26 : i32
    "tpu.region"() ({
      %run_scoped3A = tpu.sem_alloc : memref<!tpu.dma_semaphore, #tpu.memory_space<semaphore_mem>>
      %dma_start3A_28 = arith.constant 0 : i32
      %dma_start3A_29 = tpu.memref_slice %arg5[%add3A_27, %dma_start3A_28] : memref<20480x8xf32, #tpu.memory_space<hbm>> -> memref<640x8xf32, #tpu.memory_space<hbm>>
      %dma_start3A_30 = arith.constant 0 : i32
      %dma_start3A_31 = tpu.memref_slice %arg6[%mul3A_22, %dma_start3A_30] : memref<10240x8xf32, #tpu.memory_space<vmem_shared>> -> memref<640x8xf32, #tpu.memory_space<vmem_shared>>
      tpu.enqueue_dma source(%dma_start3A_31 : memref<640x8xf32, #tpu.memory_space<vmem_shared>>) target(%dma_start3A_29 : memref<640x8xf32, #tpu.memory_space<hbm>>) target_semaphore(%run_scoped3A : memref<!tpu.dma_semaphore, #tpu.memory_space<semaphore_mem>>)
      %dma_wait3A = arith.constant 0 : i32
      %dma_wait3A_32 = tpu.memref_slice %arg5[%add3A_27, %dma_wait3A] : memref<20480x8xf32, #tpu.memory_space<hbm>> -> memref<640x8xf32, #tpu.memory_space<hbm>>
      %dma_wait3A_33 = arith.constant 0 : i32
      %dma_wait3A_34 = tpu.memref_slice %arg6[%mul3A_22, %dma_wait3A_33] : memref<10240x8xf32, #tpu.memory_space<vmem_shared>> -> memref<640x8xf32, #tpu.memory_space<vmem_shared>>
      tpu.wait_dma2 semaphore(%run_scoped3A : memref<!tpu.dma_semaphore, #tpu.memory_space<semaphore_mem>>) src(%dma_wait3A_34 : memref<640x8xf32, #tpu.memory_space<vmem_shared>>) dst(%dma_wait3A_32 : memref<640x8xf32, #tpu.memory_space<hbm>>)
      tpu.yield
    }) : () -> ()
    return
  }
}

#map = affine_map<(d0, d1) -> (0)>
#map1 = affine_map<(d0, d1) -> (0, 0)>
module attributes {stable_mosaic.version = 14 : i64} {
  func.func @prop(%arg0: i32, %arg1: i32, %arg2: memref<320000xi32, #tpu.memory_space<hbm>>, %arg3: memref<320000xi32, #tpu.memory_space<hbm>>, %arg4: memref<10000x128xf32, #tpu.memory_space<hbm>>, %arg5: memref<640x128xf32, #tpu.memory_space<hbm>>, %arg6: memref<20480x128xf32, #tpu.memory_space<hbm>>, %arg7: memref<10240x128xf32, #tpu.memory_space<vmem_shared>>, %arg8: memref<2x128xi32, #tpu.memory_space<vmem>>, %arg9: memref<2x128xi32, #tpu.memory_space<vmem>>, %arg10: memref<2x128x128xf32, #tpu.memory_space<vmem>>, %arg11: memref<16xi32, #tpu.memory_space<vmem>>, %arg12: memref<16xi32, #tpu.memory_space<vmem>>, %arg13: memref<16x128xf32, #tpu.memory_space<vmem>>, %arg14: memref<!tpu.dma_semaphore, #tpu.memory_space<semaphore_mem>>, %arg15: memref<!tpu.dma_semaphore, #tpu.memory_space<semaphore_mem>>) attributes {dimension_semantics = [#tpu.dimension_semantics<core_parallel>, #tpu.dimension_semantics<subcore_parallel>], iteration_bounds = array<i64: 2, 16>, scalar_prefetch = 0 : i64, scratch_operands = 9 : i64, tpu.core_type = #tpu.core_type<sc_vector_subcore>, window_params = [{transform_indices = #map}, {transform_indices = #map}, {transform_indices = #map1}, {transform_indices = #map1}, {transform_indices = #map1}]} {
    %mul3A = arith.constant 2 : i32
    %mul3A_0 = arith.muli %arg1, %mul3A : i32
    %add3A = arith.addi %mul3A_0, %arg0 : i32
    %mul3A_1 = arith.constant 10000 : i32
    %mul3A_2 = arith.muli %add3A, %mul3A_1 : i32
    %mul3A_3 = arith.constant 640 : i32
    %mul3A_4 = arith.muli %arg1, %mul3A_3 : i32
    "tpu.region"() ({
      %run_scoped3A_32 = tpu.sem_alloc : memref<!tpu.dma_semaphore, #tpu.memory_space<semaphore_mem>>
      %dma_start3A_33 = arith.constant 0 : i32
      %dma_start3A_34 = tpu.memref_slice %arg7[%mul3A_4, %dma_start3A_33] : memref<10240x128xf32, #tpu.memory_space<vmem_shared>> -> memref<640x128xf32, #tpu.memory_space<vmem_shared>>
      tpu.enqueue_dma source(%arg5 : memref<640x128xf32, #tpu.memory_space<hbm>>) target(%dma_start3A_34 : memref<640x128xf32, #tpu.memory_space<vmem_shared>>) target_semaphore(%run_scoped3A_32 : memref<!tpu.dma_semaphore, #tpu.memory_space<semaphore_mem>>)
      %dma_wait3A = arith.constant 0 : i32
      %dma_wait3A_35 = tpu.memref_slice %arg7[%mul3A_4, %dma_wait3A] : memref<10240x128xf32, #tpu.memory_space<vmem_shared>> -> memref<640x128xf32, #tpu.memory_space<vmem_shared>>
      tpu.wait_dma2 semaphore(%run_scoped3A_32 : memref<!tpu.dma_semaphore, #tpu.memory_space<semaphore_mem>>) src(%arg5 : memref<640x128xf32, #tpu.memory_space<hbm>>) dst(%dma_wait3A_35 : memref<640x128xf32, #tpu.memory_space<vmem_shared>>)
      tpu.yield
    }) : () -> ()
    %barrier3A = arith.constant 0 : index
    tpu.barrier barrier_id(%barrier3A)
    %run_scoped3A = arith.constant 0 : i32
    "tpu.region"() ({
      %run_scoped3A_32 = tpu.sem_alloc : memref<!tpu.dma_semaphore, #tpu.memory_space<semaphore_mem>>
      %dma_start3A_33 = arith.constant 0 : i32
      %dma_start3A_34 = tpu.memref_slice %arg8[%run_scoped3A, %dma_start3A_33] : memref<2x128xi32, #tpu.memory_space<vmem>> -> memref<1x128xi32, #tpu.memory_space<vmem>>
      %dma_start3A_35 = tpu.memref_squeeze %dma_start3A_34 : memref<1x128xi32, #tpu.memory_space<vmem>> -> memref<128xi32, #tpu.memory_space<vmem>>
      %dma_start3A_36 = tpu.memref_slice %arg2[%mul3A_2] : memref<320000xi32, #tpu.memory_space<hbm>> -> memref<128xi32, #tpu.memory_space<hbm>>
      %dma_start3A_37 = arith.constant 0 : i32
      %dma_start3A_38 = tpu.memref_slice %arg8[%run_scoped3A, %dma_start3A_37] : memref<2x128xi32, #tpu.memory_space<vmem>> -> memref<1x128xi32, #tpu.memory_space<vmem>>
      %dma_start3A_39 = tpu.memref_squeeze %dma_start3A_38 : memref<1x128xi32, #tpu.memory_space<vmem>> -> memref<128xi32, #tpu.memory_space<vmem>>
      %dma_start3A_40 = tpu.memref_slice %arg2[%mul3A_2] : memref<320000xi32, #tpu.memory_space<hbm>> -> memref<128xi32, #tpu.memory_space<hbm>>
      tpu.enqueue_dma source(%dma_start3A_40 : memref<128xi32, #tpu.memory_space<hbm>>) target(%dma_start3A_39 : memref<128xi32, #tpu.memory_space<vmem>>) target_semaphore(%run_scoped3A_32 : memref<!tpu.dma_semaphore, #tpu.memory_space<semaphore_mem>>)
      %dma_wait3A = arith.constant 0 : i32
      %dma_wait3A_41 = tpu.memref_slice %arg8[%run_scoped3A, %dma_wait3A] : memref<2x128xi32, #tpu.memory_space<vmem>> -> memref<1x128xi32, #tpu.memory_space<vmem>>
      %dma_wait3A_42 = tpu.memref_squeeze %dma_wait3A_41 : memref<1x128xi32, #tpu.memory_space<vmem>> -> memref<128xi32, #tpu.memory_space<vmem>>
      %dma_wait3A_43 = tpu.memref_slice %arg2[%mul3A_2] : memref<320000xi32, #tpu.memory_space<hbm>> -> memref<128xi32, #tpu.memory_space<hbm>>
      %dma_wait3A_44 = arith.constant 0 : i32
      %dma_wait3A_45 = tpu.memref_slice %arg8[%run_scoped3A, %dma_wait3A_44] : memref<2x128xi32, #tpu.memory_space<vmem>> -> memref<1x128xi32, #tpu.memory_space<vmem>>
      %dma_wait3A_46 = tpu.memref_squeeze %dma_wait3A_45 : memref<1x128xi32, #tpu.memory_space<vmem>> -> memref<128xi32, #tpu.memory_space<vmem>>
      %dma_wait3A_47 = tpu.memref_slice %arg2[%mul3A_2] : memref<320000xi32, #tpu.memory_space<hbm>> -> memref<128xi32, #tpu.memory_space<hbm>>
      tpu.wait_dma2 semaphore(%run_scoped3A_32 : memref<!tpu.dma_semaphore, #tpu.memory_space<semaphore_mem>>) src(%dma_wait3A_47 : memref<128xi32, #tpu.memory_space<hbm>>) dst(%dma_wait3A_46 : memref<128xi32, #tpu.memory_space<vmem>>)
      tpu.yield
    }) : () -> ()
    %run_scoped3A_5 = arith.constant 0 : i32
    "tpu.region"() ({
      %run_scoped3A_32 = tpu.sem_alloc : memref<!tpu.dma_semaphore, #tpu.memory_space<semaphore_mem>>
      %dma_start3A_33 = arith.constant 0 : i32
      %dma_start3A_34 = tpu.memref_slice %arg9[%run_scoped3A_5, %dma_start3A_33] : memref<2x128xi32, #tpu.memory_space<vmem>> -> memref<1x128xi32, #tpu.memory_space<vmem>>
      %dma_start3A_35 = tpu.memref_squeeze %dma_start3A_34 : memref<1x128xi32, #tpu.memory_space<vmem>> -> memref<128xi32, #tpu.memory_space<vmem>>
      %dma_start3A_36 = tpu.memref_slice %arg3[%mul3A_2] : memref<320000xi32, #tpu.memory_space<hbm>> -> memref<128xi32, #tpu.memory_space<hbm>>
      %dma_start3A_37 = arith.constant 0 : i32
      %dma_start3A_38 = tpu.memref_slice %arg9[%run_scoped3A_5, %dma_start3A_37] : memref<2x128xi32, #tpu.memory_space<vmem>> -> memref<1x128xi32, #tpu.memory_space<vmem>>
      %dma_start3A_39 = tpu.memref_squeeze %dma_start3A_38 : memref<1x128xi32, #tpu.memory_space<vmem>> -> memref<128xi32, #tpu.memory_space<vmem>>
      %dma_start3A_40 = tpu.memref_slice %arg3[%mul3A_2] : memref<320000xi32, #tpu.memory_space<hbm>> -> memref<128xi32, #tpu.memory_space<hbm>>
      tpu.enqueue_dma source(%dma_start3A_40 : memref<128xi32, #tpu.memory_space<hbm>>) target(%dma_start3A_39 : memref<128xi32, #tpu.memory_space<vmem>>) target_semaphore(%run_scoped3A_32 : memref<!tpu.dma_semaphore, #tpu.memory_space<semaphore_mem>>)
      %dma_wait3A = arith.constant 0 : i32
      %dma_wait3A_41 = tpu.memref_slice %arg9[%run_scoped3A_5, %dma_wait3A] : memref<2x128xi32, #tpu.memory_space<vmem>> -> memref<1x128xi32, #tpu.memory_space<vmem>>
      %dma_wait3A_42 = tpu.memref_squeeze %dma_wait3A_41 : memref<1x128xi32, #tpu.memory_space<vmem>> -> memref<128xi32, #tpu.memory_space<vmem>>
      %dma_wait3A_43 = tpu.memref_slice %arg3[%mul3A_2] : memref<320000xi32, #tpu.memory_space<hbm>> -> memref<128xi32, #tpu.memory_space<hbm>>
      %dma_wait3A_44 = arith.constant 0 : i32
      %dma_wait3A_45 = tpu.memref_slice %arg9[%run_scoped3A_5, %dma_wait3A_44] : memref<2x128xi32, #tpu.memory_space<vmem>> -> memref<1x128xi32, #tpu.memory_space<vmem>>
      %dma_wait3A_46 = tpu.memref_squeeze %dma_wait3A_45 : memref<1x128xi32, #tpu.memory_space<vmem>> -> memref<128xi32, #tpu.memory_space<vmem>>
      %dma_wait3A_47 = tpu.memref_slice %arg3[%mul3A_2] : memref<320000xi32, #tpu.memory_space<hbm>> -> memref<128xi32, #tpu.memory_space<hbm>>
      tpu.wait_dma2 semaphore(%run_scoped3A_32 : memref<!tpu.dma_semaphore, #tpu.memory_space<semaphore_mem>>) src(%dma_wait3A_47 : memref<128xi32, #tpu.memory_space<hbm>>) dst(%dma_wait3A_46 : memref<128xi32, #tpu.memory_space<vmem>>)
      tpu.yield
    }) : () -> ()
    %dma_start3A = arith.constant 0 : i32
    %dma_start3A_6 = arith.constant 0 : i32
    %dma_start3A_7 = arith.constant 0 : i32
    %dma_start3A_8 = arith.constant 0 : i32
    %dma_start3A_9 = tpu.memref_slice %arg10[%dma_start3A_6, %dma_start3A_7, %dma_start3A_8] : memref<2x128x128xf32, #tpu.memory_space<vmem>> -> memref<1x128x128xf32, #tpu.memory_space<vmem>>
    %dma_start3A_10 = tpu.memref_squeeze %dma_start3A_9 : memref<1x128x128xf32, #tpu.memory_space<vmem>> -> memref<128x128xf32, #tpu.memory_space<vmem>>
    %dma_start3A_11 = arith.constant 0 : i32
    %dma_start3A_12 = tpu.memref_slice %arg8[%dma_start3A, %dma_start3A_11] : memref<2x128xi32, #tpu.memory_space<vmem>> -> memref<1x128xi32, #tpu.memory_space<vmem>>
    %dma_start3A_13 = tpu.memref_squeeze %dma_start3A_12 : memref<1x128xi32, #tpu.memory_space<vmem>> -> memref<128xi32, #tpu.memory_space<vmem>>
    %dma_start3A_14 = arith.constant 0 : i32
    %dma_start3A_15 = arith.constant 0 : i32
    %dma_start3A_16 = tpu.memref_slice %arg4[%dma_start3A_14, %dma_start3A_15] : memref<10000x128xf32, #tpu.memory_space<hbm>> -> memref<10000x128xf32, #tpu.memory_space<hbm>>
    tpu.enqueue_indirect_dma source(%dma_start3A_16 : memref<10000x128xf32, #tpu.memory_space<hbm>>) target(%dma_start3A_10 : memref<128x128xf32, #tpu.memory_space<vmem>>) offsets(%dma_start3A_13 : memref<128xi32, #tpu.memory_space<vmem>>) semaphore(%arg14 : memref<!tpu.dma_semaphore, #tpu.memory_space<semaphore_mem>>)
    %scan3A = arith.constant 0 : i32
    %scan3A_17 = arith.constant 0 : i32
    %scan3A_18 = arith.constant 39 : i32
    %scan3A_19 = arith.addi %scan3A_17, %scan3A_18 : i32
    %scan3A_20 = arith.constant 1 : i32
    scf.for %scan3A_32 = %scan3A_17 to %scan3A_19 step %scan3A_20  : i32 {
      %mul3A_33 = arith.constant 2 : i32
      %mul3A_34 = arith.muli %scan3A_32, %mul3A_33 : i32
      %add3A_35 = arith.constant 1 : i32
      %add3A_36 = arith.addi %mul3A_34, %add3A_35 : i32
      %lt3A = arith.constant 78 : i32
      %lt3A_37 = arith.cmpi slt, %add3A_36, %lt3A : i32
      %convert_element_type3A = arith.extui %lt3A_37 : i1 to i32
      %cond3A = arith.constant 0 : i32
      %cond3A_38 = arith.cmpi ne, %convert_element_type3A, %cond3A : i32
      scf.if %cond3A_38 {
        %add3A_75 = arith.constant 1 : i32
        %add3A_76 = arith.addi %mul3A_34, %add3A_75 : i32
        %mul3A_77 = arith.constant 128 : i32
        %mul3A_78 = arith.muli %add3A_76, %mul3A_77 : i32
        %add3A_79 = arith.addi %mul3A_2, %mul3A_78 : i32
        %run_scoped3A_80 = arith.constant 1 : i32
        "tpu.region"() ({
          %run_scoped3A_94 = tpu.sem_alloc : memref<!tpu.dma_semaphore, #tpu.memory_space<semaphore_mem>>
          %dma_start3A_95 = arith.constant 0 : i32
          %dma_start3A_96 = tpu.memref_slice %arg8[%run_scoped3A_80, %dma_start3A_95] : memref<2x128xi32, #tpu.memory_space<vmem>> -> memref<1x128xi32, #tpu.memory_space<vmem>>
          %dma_start3A_97 = tpu.memref_squeeze %dma_start3A_96 : memref<1x128xi32, #tpu.memory_space<vmem>> -> memref<128xi32, #tpu.memory_space<vmem>>
          %dma_start3A_98 = tpu.memref_slice %arg2[%add3A_79] : memref<320000xi32, #tpu.memory_space<hbm>> -> memref<128xi32, #tpu.memory_space<hbm>>
          %dma_start3A_99 = arith.constant 0 : i32
          %dma_start3A_100 = tpu.memref_slice %arg8[%run_scoped3A_80, %dma_start3A_99] : memref<2x128xi32, #tpu.memory_space<vmem>> -> memref<1x128xi32, #tpu.memory_space<vmem>>
          %dma_start3A_101 = tpu.memref_squeeze %dma_start3A_100 : memref<1x128xi32, #tpu.memory_space<vmem>> -> memref<128xi32, #tpu.memory_space<vmem>>
          %dma_start3A_102 = tpu.memref_slice %arg2[%add3A_79] : memref<320000xi32, #tpu.memory_space<hbm>> -> memref<128xi32, #tpu.memory_space<hbm>>
          tpu.enqueue_dma source(%dma_start3A_102 : memref<128xi32, #tpu.memory_space<hbm>>) target(%dma_start3A_101 : memref<128xi32, #tpu.memory_space<vmem>>) target_semaphore(%run_scoped3A_94 : memref<!tpu.dma_semaphore, #tpu.memory_space<semaphore_mem>>)
          %dma_wait3A_103 = arith.constant 0 : i32
          %dma_wait3A_104 = tpu.memref_slice %arg8[%run_scoped3A_80, %dma_wait3A_103] : memref<2x128xi32, #tpu.memory_space<vmem>> -> memref<1x128xi32, #tpu.memory_space<vmem>>
          %dma_wait3A_105 = tpu.memref_squeeze %dma_wait3A_104 : memref<1x128xi32, #tpu.memory_space<vmem>> -> memref<128xi32, #tpu.memory_space<vmem>>
          %dma_wait3A_106 = tpu.memref_slice %arg2[%add3A_79] : memref<320000xi32, #tpu.memory_space<hbm>> -> memref<128xi32, #tpu.memory_space<hbm>>
          %dma_wait3A_107 = arith.constant 0 : i32
          %dma_wait3A_108 = tpu.memref_slice %arg8[%run_scoped3A_80, %dma_wait3A_107] : memref<2x128xi32, #tpu.memory_space<vmem>> -> memref<1x128xi32, #tpu.memory_space<vmem>>
          %dma_wait3A_109 = tpu.memref_squeeze %dma_wait3A_108 : memref<1x128xi32, #tpu.memory_space<vmem>> -> memref<128xi32, #tpu.memory_space<vmem>>
          %dma_wait3A_110 = tpu.memref_slice %arg2[%add3A_79] : memref<320000xi32, #tpu.memory_space<hbm>> -> memref<128xi32, #tpu.memory_space<hbm>>
          tpu.wait_dma2 semaphore(%run_scoped3A_94 : memref<!tpu.dma_semaphore, #tpu.memory_space<semaphore_mem>>) src(%dma_wait3A_110 : memref<128xi32, #tpu.memory_space<hbm>>) dst(%dma_wait3A_109 : memref<128xi32, #tpu.memory_space<vmem>>)
          tpu.yield
        }) : () -> ()
        %run_scoped3A_81 = arith.constant 1 : i32
        "tpu.region"() ({
          %run_scoped3A_94 = tpu.sem_alloc : memref<!tpu.dma_semaphore, #tpu.memory_space<semaphore_mem>>
          %dma_start3A_95 = arith.constant 0 : i32
          %dma_start3A_96 = tpu.memref_slice %arg9[%run_scoped3A_81, %dma_start3A_95] : memref<2x128xi32, #tpu.memory_space<vmem>> -> memref<1x128xi32, #tpu.memory_space<vmem>>
          %dma_start3A_97 = tpu.memref_squeeze %dma_start3A_96 : memref<1x128xi32, #tpu.memory_space<vmem>> -> memref<128xi32, #tpu.memory_space<vmem>>
          %dma_start3A_98 = tpu.memref_slice %arg3[%add3A_79] : memref<320000xi32, #tpu.memory_space<hbm>> -> memref<128xi32, #tpu.memory_space<hbm>>
          %dma_start3A_99 = arith.constant 0 : i32
          %dma_start3A_100 = tpu.memref_slice %arg9[%run_scoped3A_81, %dma_start3A_99] : memref<2x128xi32, #tpu.memory_space<vmem>> -> memref<1x128xi32, #tpu.memory_space<vmem>>
          %dma_start3A_101 = tpu.memref_squeeze %dma_start3A_100 : memref<1x128xi32, #tpu.memory_space<vmem>> -> memref<128xi32, #tpu.memory_space<vmem>>
          %dma_start3A_102 = tpu.memref_slice %arg3[%add3A_79] : memref<320000xi32, #tpu.memory_space<hbm>> -> memref<128xi32, #tpu.memory_space<hbm>>
          tpu.enqueue_dma source(%dma_start3A_102 : memref<128xi32, #tpu.memory_space<hbm>>) target(%dma_start3A_101 : memref<128xi32, #tpu.memory_space<vmem>>) target_semaphore(%run_scoped3A_94 : memref<!tpu.dma_semaphore, #tpu.memory_space<semaphore_mem>>)
          %dma_wait3A_103 = arith.constant 0 : i32
          %dma_wait3A_104 = tpu.memref_slice %arg9[%run_scoped3A_81, %dma_wait3A_103] : memref<2x128xi32, #tpu.memory_space<vmem>> -> memref<1x128xi32, #tpu.memory_space<vmem>>
          %dma_wait3A_105 = tpu.memref_squeeze %dma_wait3A_104 : memref<1x128xi32, #tpu.memory_space<vmem>> -> memref<128xi32, #tpu.memory_space<vmem>>
          %dma_wait3A_106 = tpu.memref_slice %arg3[%add3A_79] : memref<320000xi32, #tpu.memory_space<hbm>> -> memref<128xi32, #tpu.memory_space<hbm>>
          %dma_wait3A_107 = arith.constant 0 : i32
          %dma_wait3A_108 = tpu.memref_slice %arg9[%run_scoped3A_81, %dma_wait3A_107] : memref<2x128xi32, #tpu.memory_space<vmem>> -> memref<1x128xi32, #tpu.memory_space<vmem>>
          %dma_wait3A_109 = tpu.memref_squeeze %dma_wait3A_108 : memref<1x128xi32, #tpu.memory_space<vmem>> -> memref<128xi32, #tpu.memory_space<vmem>>
          %dma_wait3A_110 = tpu.memref_slice %arg3[%add3A_79] : memref<320000xi32, #tpu.memory_space<hbm>> -> memref<128xi32, #tpu.memory_space<hbm>>
          tpu.wait_dma2 semaphore(%run_scoped3A_94 : memref<!tpu.dma_semaphore, #tpu.memory_space<semaphore_mem>>) src(%dma_wait3A_110 : memref<128xi32, #tpu.memory_space<hbm>>) dst(%dma_wait3A_109 : memref<128xi32, #tpu.memory_space<vmem>>)
          tpu.yield
        }) : () -> ()
        %dma_start3A_82 = arith.constant 1 : i32
        %dma_start3A_83 = arith.constant 1 : i32
        %dma_start3A_84 = arith.constant 0 : i32
        %dma_start3A_85 = arith.constant 0 : i32
        %dma_start3A_86 = tpu.memref_slice %arg10[%dma_start3A_83, %dma_start3A_84, %dma_start3A_85] : memref<2x128x128xf32, #tpu.memory_space<vmem>> -> memref<1x128x128xf32, #tpu.memory_space<vmem>>
        %dma_start3A_87 = tpu.memref_squeeze %dma_start3A_86 : memref<1x128x128xf32, #tpu.memory_space<vmem>> -> memref<128x128xf32, #tpu.memory_space<vmem>>
        %dma_start3A_88 = arith.constant 0 : i32
        %dma_start3A_89 = tpu.memref_slice %arg8[%dma_start3A_82, %dma_start3A_88] : memref<2x128xi32, #tpu.memory_space<vmem>> -> memref<1x128xi32, #tpu.memory_space<vmem>>
        %dma_start3A_90 = tpu.memref_squeeze %dma_start3A_89 : memref<1x128xi32, #tpu.memory_space<vmem>> -> memref<128xi32, #tpu.memory_space<vmem>>
        %dma_start3A_91 = arith.constant 0 : i32
        %dma_start3A_92 = arith.constant 0 : i32
        %dma_start3A_93 = tpu.memref_slice %arg4[%dma_start3A_91, %dma_start3A_92] : memref<10000x128xf32, #tpu.memory_space<hbm>> -> memref<10000x128xf32, #tpu.memory_space<hbm>>
        tpu.enqueue_indirect_dma source(%dma_start3A_93 : memref<10000x128xf32, #tpu.memory_space<hbm>>) target(%dma_start3A_87 : memref<128x128xf32, #tpu.memory_space<vmem>>) offsets(%dma_start3A_90 : memref<128xi32, #tpu.memory_space<vmem>>) semaphore(%arg15 : memref<!tpu.dma_semaphore, #tpu.memory_space<semaphore_mem>>)
      } else {
      }
      %dma_wait3A = arith.constant 0 : i32
      %dma_wait3A_39 = arith.constant 0 : i32
      %dma_wait3A_40 = arith.constant 0 : i32
      %dma_wait3A_41 = arith.constant 0 : i32
      %dma_wait3A_42 = tpu.memref_slice %arg10[%dma_wait3A_39, %dma_wait3A_40, %dma_wait3A_41] : memref<2x128x128xf32, #tpu.memory_space<vmem>> -> memref<1x128x128xf32, #tpu.memory_space<vmem>>
      %dma_wait3A_43 = tpu.memref_squeeze %dma_wait3A_42 : memref<1x128x128xf32, #tpu.memory_space<vmem>> -> memref<128x128xf32, #tpu.memory_space<vmem>>
      %dma_wait3A_44 = arith.constant 0 : i32
      %dma_wait3A_45 = tpu.memref_slice %arg8[%dma_wait3A, %dma_wait3A_44] : memref<2x128xi32, #tpu.memory_space<vmem>> -> memref<1x128xi32, #tpu.memory_space<vmem>>
      %dma_wait3A_46 = tpu.memref_squeeze %dma_wait3A_45 : memref<1x128xi32, #tpu.memory_space<vmem>> -> memref<128xi32, #tpu.memory_space<vmem>>
      %dma_wait3A_47 = arith.constant 0 : i32
      %dma_wait3A_48 = arith.constant 0 : i32
      %dma_wait3A_49 = tpu.memref_slice %arg4[%dma_wait3A_47, %dma_wait3A_48] : memref<10000x128xf32, #tpu.memory_space<hbm>> -> memref<10000x128xf32, #tpu.memory_space<hbm>>
      tpu.wait_indirect_dma semaphore(%arg14 : memref<!tpu.dma_semaphore, #tpu.memory_space<semaphore_mem>>) src(%dma_wait3A_49 : memref<10000x128xf32, #tpu.memory_space<hbm>>) dst(%dma_wait3A_43 : memref<128x128xf32, #tpu.memory_space<vmem>>)
      %run_scoped3A_50 = arith.constant 0 : i32
      %run_scoped3A_51 = arith.constant 0 : i32
      "tpu.region"() ({
        %run_scoped3A_75 = tpu.sem_alloc : memref<!tpu.dma_semaphore, #tpu.memory_space<semaphore_mem>>
        %dma_start3A_76 = arith.constant 0 : i32
        %dma_start3A_77 = arith.constant 0 : i32
        %dma_start3A_78 = tpu.memref_slice %arg10[%run_scoped3A_50, %dma_start3A_76, %dma_start3A_77] : memref<2x128x128xf32, #tpu.memory_space<vmem>> -> memref<1x128x128xf32, #tpu.memory_space<vmem>>
        %dma_start3A_79 = tpu.memref_squeeze %dma_start3A_78 : memref<1x128x128xf32, #tpu.memory_space<vmem>> -> memref<128x128xf32, #tpu.memory_space<vmem>>
        %dma_start3A_80 = arith.constant 0 : i32
        %dma_start3A_81 = tpu.memref_slice %arg9[%run_scoped3A_51, %dma_start3A_80] : memref<2x128xi32, #tpu.memory_space<vmem>> -> memref<1x128xi32, #tpu.memory_space<vmem>>
        %dma_start3A_82 = tpu.memref_squeeze %dma_start3A_81 : memref<1x128xi32, #tpu.memory_space<vmem>> -> memref<128xi32, #tpu.memory_space<vmem>>
        %dma_start3A_83 = arith.constant 0 : i32
        %dma_start3A_84 = arith.constant 0 : i32
        %dma_start3A_85 = tpu.memref_slice %arg7[%dma_start3A_83, %dma_start3A_84] : memref<10240x128xf32, #tpu.memory_space<vmem_shared>> -> memref<10240x128xf32, #tpu.memory_space<vmem_shared>>
        tpu.enqueue_indirect_dma source(%dma_start3A_79 : memref<128x128xf32, #tpu.memory_space<vmem>>) target(%dma_start3A_85 : memref<10240x128xf32, #tpu.memory_space<vmem_shared>>) offsets(%dma_start3A_82 : memref<128xi32, #tpu.memory_space<vmem>>) semaphore(%run_scoped3A_75 : memref<!tpu.dma_semaphore, #tpu.memory_space<semaphore_mem>>) {add = true}
        %dma_wait3A_86 = arith.constant 0 : i32
        %dma_wait3A_87 = arith.constant 0 : i32
        %dma_wait3A_88 = tpu.memref_slice %arg10[%run_scoped3A_50, %dma_wait3A_86, %dma_wait3A_87] : memref<2x128x128xf32, #tpu.memory_space<vmem>> -> memref<1x128x128xf32, #tpu.memory_space<vmem>>
        %dma_wait3A_89 = tpu.memref_squeeze %dma_wait3A_88 : memref<1x128x128xf32, #tpu.memory_space<vmem>> -> memref<128x128xf32, #tpu.memory_space<vmem>>
        %dma_wait3A_90 = arith.constant 0 : i32
        %dma_wait3A_91 = tpu.memref_slice %arg9[%run_scoped3A_51, %dma_wait3A_90] : memref<2x128xi32, #tpu.memory_space<vmem>> -> memref<1x128xi32, #tpu.memory_space<vmem>>
        %dma_wait3A_92 = tpu.memref_squeeze %dma_wait3A_91 : memref<1x128xi32, #tpu.memory_space<vmem>> -> memref<128xi32, #tpu.memory_space<vmem>>
        %dma_wait3A_93 = arith.constant 0 : i32
        %dma_wait3A_94 = arith.constant 0 : i32
        %dma_wait3A_95 = tpu.memref_slice %arg7[%dma_wait3A_93, %dma_wait3A_94] : memref<10240x128xf32, #tpu.memory_space<vmem_shared>> -> memref<10240x128xf32, #tpu.memory_space<vmem_shared>>
        tpu.wait_indirect_dma semaphore(%run_scoped3A_75 : memref<!tpu.dma_semaphore, #tpu.memory_space<semaphore_mem>>) src(%dma_wait3A_89 : memref<128x128xf32, #tpu.memory_space<vmem>>) dst(%dma_wait3A_95 : memref<10240x128xf32, #tpu.memory_space<vmem_shared>>)
        tpu.yield
      }) : () -> ()
      %add3A_52 = arith.constant 1 : i32
      %add3A_53 = arith.addi %mul3A_34, %add3A_52 : i32
      %add3A_54 = arith.constant 1 : i32
      %add3A_55 = arith.addi %add3A_53, %add3A_54 : i32
      %lt3A_56 = arith.constant 78 : i32
      %lt3A_57 = arith.cmpi slt, %add3A_55, %lt3A_56 : i32
      %convert_element_type3A_58 = arith.extui %lt3A_57 : i1 to i32
      %cond3A_59 = arith.constant 0 : i32
      %cond3A_60 = arith.cmpi ne, %convert_element_type3A_58, %cond3A_59 : i32
      scf.if %cond3A_60 {
        %add3A_75 = arith.constant 1 : i32
        %add3A_76 = arith.addi %add3A_53, %add3A_75 : i32
        %mul3A_77 = arith.constant 128 : i32
        %mul3A_78 = arith.muli %add3A_76, %mul3A_77 : i32
        %add3A_79 = arith.addi %mul3A_2, %mul3A_78 : i32
        %run_scoped3A_80 = arith.constant 0 : i32
        "tpu.region"() ({
          %run_scoped3A_94 = tpu.sem_alloc : memref<!tpu.dma_semaphore, #tpu.memory_space<semaphore_mem>>
          %dma_start3A_95 = arith.constant 0 : i32
          %dma_start3A_96 = tpu.memref_slice %arg8[%run_scoped3A_80, %dma_start3A_95] : memref<2x128xi32, #tpu.memory_space<vmem>> -> memref<1x128xi32, #tpu.memory_space<vmem>>
          %dma_start3A_97 = tpu.memref_squeeze %dma_start3A_96 : memref<1x128xi32, #tpu.memory_space<vmem>> -> memref<128xi32, #tpu.memory_space<vmem>>
          %dma_start3A_98 = tpu.memref_slice %arg2[%add3A_79] : memref<320000xi32, #tpu.memory_space<hbm>> -> memref<128xi32, #tpu.memory_space<hbm>>
          %dma_start3A_99 = arith.constant 0 : i32
          %dma_start3A_100 = tpu.memref_slice %arg8[%run_scoped3A_80, %dma_start3A_99] : memref<2x128xi32, #tpu.memory_space<vmem>> -> memref<1x128xi32, #tpu.memory_space<vmem>>
          %dma_start3A_101 = tpu.memref_squeeze %dma_start3A_100 : memref<1x128xi32, #tpu.memory_space<vmem>> -> memref<128xi32, #tpu.memory_space<vmem>>
          %dma_start3A_102 = tpu.memref_slice %arg2[%add3A_79] : memref<320000xi32, #tpu.memory_space<hbm>> -> memref<128xi32, #tpu.memory_space<hbm>>
          tpu.enqueue_dma source(%dma_start3A_102 : memref<128xi32, #tpu.memory_space<hbm>>) target(%dma_start3A_101 : memref<128xi32, #tpu.memory_space<vmem>>) target_semaphore(%run_scoped3A_94 : memref<!tpu.dma_semaphore, #tpu.memory_space<semaphore_mem>>)
          %dma_wait3A_103 = arith.constant 0 : i32
          %dma_wait3A_104 = tpu.memref_slice %arg8[%run_scoped3A_80, %dma_wait3A_103] : memref<2x128xi32, #tpu.memory_space<vmem>> -> memref<1x128xi32, #tpu.memory_space<vmem>>
          %dma_wait3A_105 = tpu.memref_squeeze %dma_wait3A_104 : memref<1x128xi32, #tpu.memory_space<vmem>> -> memref<128xi32, #tpu.memory_space<vmem>>
          %dma_wait3A_106 = tpu.memref_slice %arg2[%add3A_79] : memref<320000xi32, #tpu.memory_space<hbm>> -> memref<128xi32, #tpu.memory_space<hbm>>
          %dma_wait3A_107 = arith.constant 0 : i32
          %dma_wait3A_108 = tpu.memref_slice %arg8[%run_scoped3A_80, %dma_wait3A_107] : memref<2x128xi32, #tpu.memory_space<vmem>> -> memref<1x128xi32, #tpu.memory_space<vmem>>
          %dma_wait3A_109 = tpu.memref_squeeze %dma_wait3A_108 : memref<1x128xi32, #tpu.memory_space<vmem>> -> memref<128xi32, #tpu.memory_space<vmem>>
          %dma_wait3A_110 = tpu.memref_slice %arg2[%add3A_79] : memref<320000xi32, #tpu.memory_space<hbm>> -> memref<128xi32, #tpu.memory_space<hbm>>
          tpu.wait_dma2 semaphore(%run_scoped3A_94 : memref<!tpu.dma_semaphore, #tpu.memory_space<semaphore_mem>>) src(%dma_wait3A_110 : memref<128xi32, #tpu.memory_space<hbm>>) dst(%dma_wait3A_109 : memref<128xi32, #tpu.memory_space<vmem>>)
          tpu.yield
        }) : () -> ()
        %run_scoped3A_81 = arith.constant 0 : i32
        "tpu.region"() ({
          %run_scoped3A_94 = tpu.sem_alloc : memref<!tpu.dma_semaphore, #tpu.memory_space<semaphore_mem>>
          %dma_start3A_95 = arith.constant 0 : i32
          %dma_start3A_96 = tpu.memref_slice %arg9[%run_scoped3A_81, %dma_start3A_95] : memref<2x128xi32, #tpu.memory_space<vmem>> -> memref<1x128xi32, #tpu.memory_space<vmem>>
          %dma_start3A_97 = tpu.memref_squeeze %dma_start3A_96 : memref<1x128xi32, #tpu.memory_space<vmem>> -> memref<128xi32, #tpu.memory_space<vmem>>
          %dma_start3A_98 = tpu.memref_slice %arg3[%add3A_79] : memref<320000xi32, #tpu.memory_space<hbm>> -> memref<128xi32, #tpu.memory_space<hbm>>
          %dma_start3A_99 = arith.constant 0 : i32
          %dma_start3A_100 = tpu.memref_slice %arg9[%run_scoped3A_81, %dma_start3A_99] : memref<2x128xi32, #tpu.memory_space<vmem>> -> memref<1x128xi32, #tpu.memory_space<vmem>>
          %dma_start3A_101 = tpu.memref_squeeze %dma_start3A_100 : memref<1x128xi32, #tpu.memory_space<vmem>> -> memref<128xi32, #tpu.memory_space<vmem>>
          %dma_start3A_102 = tpu.memref_slice %arg3[%add3A_79] : memref<320000xi32, #tpu.memory_space<hbm>> -> memref<128xi32, #tpu.memory_space<hbm>>
          tpu.enqueue_dma source(%dma_start3A_102 : memref<128xi32, #tpu.memory_space<hbm>>) target(%dma_start3A_101 : memref<128xi32, #tpu.memory_space<vmem>>) target_semaphore(%run_scoped3A_94 : memref<!tpu.dma_semaphore, #tpu.memory_space<semaphore_mem>>)
          %dma_wait3A_103 = arith.constant 0 : i32
          %dma_wait3A_104 = tpu.memref_slice %arg9[%run_scoped3A_81, %dma_wait3A_103] : memref<2x128xi32, #tpu.memory_space<vmem>> -> memref<1x128xi32, #tpu.memory_space<vmem>>
          %dma_wait3A_105 = tpu.memref_squeeze %dma_wait3A_104 : memref<1x128xi32, #tpu.memory_space<vmem>> -> memref<128xi32, #tpu.memory_space<vmem>>
          %dma_wait3A_106 = tpu.memref_slice %arg3[%add3A_79] : memref<320000xi32, #tpu.memory_space<hbm>> -> memref<128xi32, #tpu.memory_space<hbm>>
          %dma_wait3A_107 = arith.constant 0 : i32
          %dma_wait3A_108 = tpu.memref_slice %arg9[%run_scoped3A_81, %dma_wait3A_107] : memref<2x128xi32, #tpu.memory_space<vmem>> -> memref<1x128xi32, #tpu.memory_space<vmem>>
          %dma_wait3A_109 = tpu.memref_squeeze %dma_wait3A_108 : memref<1x128xi32, #tpu.memory_space<vmem>> -> memref<128xi32, #tpu.memory_space<vmem>>
          %dma_wait3A_110 = tpu.memref_slice %arg3[%add3A_79] : memref<320000xi32, #tpu.memory_space<hbm>> -> memref<128xi32, #tpu.memory_space<hbm>>
          tpu.wait_dma2 semaphore(%run_scoped3A_94 : memref<!tpu.dma_semaphore, #tpu.memory_space<semaphore_mem>>) src(%dma_wait3A_110 : memref<128xi32, #tpu.memory_space<hbm>>) dst(%dma_wait3A_109 : memref<128xi32, #tpu.memory_space<vmem>>)
          tpu.yield
        }) : () -> ()
        %dma_start3A_82 = arith.constant 0 : i32
        %dma_start3A_83 = arith.constant 0 : i32
        %dma_start3A_84 = arith.constant 0 : i32
        %dma_start3A_85 = arith.constant 0 : i32
        %dma_start3A_86 = tpu.memref_slice %arg10[%dma_start3A_83, %dma_start3A_84, %dma_start3A_85] : memref<2x128x128xf32, #tpu.memory_space<vmem>> -> memref<1x128x128xf32, #tpu.memory_space<vmem>>
        %dma_start3A_87 = tpu.memref_squeeze %dma_start3A_86 : memref<1x128x128xf32, #tpu.memory_space<vmem>> -> memref<128x128xf32, #tpu.memory_space<vmem>>
        %dma_start3A_88 = arith.constant 0 : i32
        %dma_start3A_89 = tpu.memref_slice %arg8[%dma_start3A_82, %dma_start3A_88] : memref<2x128xi32, #tpu.memory_space<vmem>> -> memref<1x128xi32, #tpu.memory_space<vmem>>
        %dma_start3A_90 = tpu.memref_squeeze %dma_start3A_89 : memref<1x128xi32, #tpu.memory_space<vmem>> -> memref<128xi32, #tpu.memory_space<vmem>>
        %dma_start3A_91 = arith.constant 0 : i32
        %dma_start3A_92 = arith.constant 0 : i32
        %dma_start3A_93 = tpu.memref_slice %arg4[%dma_start3A_91, %dma_start3A_92] : memref<10000x128xf32, #tpu.memory_space<hbm>> -> memref<10000x128xf32, #tpu.memory_space<hbm>>
        tpu.enqueue_indirect_dma source(%dma_start3A_93 : memref<10000x128xf32, #tpu.memory_space<hbm>>) target(%dma_start3A_87 : memref<128x128xf32, #tpu.memory_space<vmem>>) offsets(%dma_start3A_90 : memref<128xi32, #tpu.memory_space<vmem>>) semaphore(%arg14 : memref<!tpu.dma_semaphore, #tpu.memory_space<semaphore_mem>>)
      } else {
      }
      %dma_wait3A_61 = arith.constant 1 : i32
      %dma_wait3A_62 = arith.constant 1 : i32
      %dma_wait3A_63 = arith.constant 0 : i32
      %dma_wait3A_64 = arith.constant 0 : i32
      %dma_wait3A_65 = tpu.memref_slice %arg10[%dma_wait3A_62, %dma_wait3A_63, %dma_wait3A_64] : memref<2x128x128xf32, #tpu.memory_space<vmem>> -> memref<1x128x128xf32, #tpu.memory_space<vmem>>
      %dma_wait3A_66 = tpu.memref_squeeze %dma_wait3A_65 : memref<1x128x128xf32, #tpu.memory_space<vmem>> -> memref<128x128xf32, #tpu.memory_space<vmem>>
      %dma_wait3A_67 = arith.constant 0 : i32
      %dma_wait3A_68 = tpu.memref_slice %arg8[%dma_wait3A_61, %dma_wait3A_67] : memref<2x128xi32, #tpu.memory_space<vmem>> -> memref<1x128xi32, #tpu.memory_space<vmem>>
      %dma_wait3A_69 = tpu.memref_squeeze %dma_wait3A_68 : memref<1x128xi32, #tpu.memory_space<vmem>> -> memref<128xi32, #tpu.memory_space<vmem>>
      %dma_wait3A_70 = arith.constant 0 : i32
      %dma_wait3A_71 = arith.constant 0 : i32
      %dma_wait3A_72 = tpu.memref_slice %arg4[%dma_wait3A_70, %dma_wait3A_71] : memref<10000x128xf32, #tpu.memory_space<hbm>> -> memref<10000x128xf32, #tpu.memory_space<hbm>>
      tpu.wait_indirect_dma semaphore(%arg15 : memref<!tpu.dma_semaphore, #tpu.memory_space<semaphore_mem>>) src(%dma_wait3A_72 : memref<10000x128xf32, #tpu.memory_space<hbm>>) dst(%dma_wait3A_66 : memref<128x128xf32, #tpu.memory_space<vmem>>)
      %run_scoped3A_73 = arith.constant 1 : i32
      %run_scoped3A_74 = arith.constant 1 : i32
      "tpu.region"() ({
        %run_scoped3A_75 = tpu.sem_alloc : memref<!tpu.dma_semaphore, #tpu.memory_space<semaphore_mem>>
        %dma_start3A_76 = arith.constant 0 : i32
        %dma_start3A_77 = arith.constant 0 : i32
        %dma_start3A_78 = tpu.memref_slice %arg10[%run_scoped3A_73, %dma_start3A_76, %dma_start3A_77] : memref<2x128x128xf32, #tpu.memory_space<vmem>> -> memref<1x128x128xf32, #tpu.memory_space<vmem>>
        %dma_start3A_79 = tpu.memref_squeeze %dma_start3A_78 : memref<1x128x128xf32, #tpu.memory_space<vmem>> -> memref<128x128xf32, #tpu.memory_space<vmem>>
        %dma_start3A_80 = arith.constant 0 : i32
        %dma_start3A_81 = tpu.memref_slice %arg9[%run_scoped3A_74, %dma_start3A_80] : memref<2x128xi32, #tpu.memory_space<vmem>> -> memref<1x128xi32, #tpu.memory_space<vmem>>
        %dma_start3A_82 = tpu.memref_squeeze %dma_start3A_81 : memref<1x128xi32, #tpu.memory_space<vmem>> -> memref<128xi32, #tpu.memory_space<vmem>>
        %dma_start3A_83 = arith.constant 0 : i32
        %dma_start3A_84 = arith.constant 0 : i32
        %dma_start3A_85 = tpu.memref_slice %arg7[%dma_start3A_83, %dma_start3A_84] : memref<10240x128xf32, #tpu.memory_space<vmem_shared>> -> memref<10240x128xf32, #tpu.memory_space<vmem_shared>>
        tpu.enqueue_indirect_dma source(%dma_start3A_79 : memref<128x128xf32, #tpu.memory_space<vmem>>) target(%dma_start3A_85 : memref<10240x128xf32, #tpu.memory_space<vmem_shared>>) offsets(%dma_start3A_82 : memref<128xi32, #tpu.memory_space<vmem>>) semaphore(%run_scoped3A_75 : memref<!tpu.dma_semaphore, #tpu.memory_space<semaphore_mem>>) {add = true}
        %dma_wait3A_86 = arith.constant 0 : i32
        %dma_wait3A_87 = arith.constant 0 : i32
        %dma_wait3A_88 = tpu.memref_slice %arg10[%run_scoped3A_73, %dma_wait3A_86, %dma_wait3A_87] : memref<2x128x128xf32, #tpu.memory_space<vmem>> -> memref<1x128x128xf32, #tpu.memory_space<vmem>>
        %dma_wait3A_89 = tpu.memref_squeeze %dma_wait3A_88 : memref<1x128x128xf32, #tpu.memory_space<vmem>> -> memref<128x128xf32, #tpu.memory_space<vmem>>
        %dma_wait3A_90 = arith.constant 0 : i32
        %dma_wait3A_91 = tpu.memref_slice %arg9[%run_scoped3A_74, %dma_wait3A_90] : memref<2x128xi32, #tpu.memory_space<vmem>> -> memref<1x128xi32, #tpu.memory_space<vmem>>
        %dma_wait3A_92 = tpu.memref_squeeze %dma_wait3A_91 : memref<1x128xi32, #tpu.memory_space<vmem>> -> memref<128xi32, #tpu.memory_space<vmem>>
        %dma_wait3A_93 = arith.constant 0 : i32
        %dma_wait3A_94 = arith.constant 0 : i32
        %dma_wait3A_95 = tpu.memref_slice %arg7[%dma_wait3A_93, %dma_wait3A_94] : memref<10240x128xf32, #tpu.memory_space<vmem_shared>> -> memref<10240x128xf32, #tpu.memory_space<vmem_shared>>
        tpu.wait_indirect_dma semaphore(%run_scoped3A_75 : memref<!tpu.dma_semaphore, #tpu.memory_space<semaphore_mem>>) src(%dma_wait3A_89 : memref<128x128xf32, #tpu.memory_space<vmem>>) dst(%dma_wait3A_95 : memref<10240x128xf32, #tpu.memory_space<vmem_shared>>)
        tpu.yield
      }) : () -> ()
    }
    %scan3A_21 = arith.constant 39 : i32
    %add3A_22 = arith.constant 9984 : i32
    %add3A_23 = arith.addi %mul3A_2, %add3A_22 : i32
    "tpu.region"() ({
      %run_scoped3A_32 = tpu.sem_alloc : memref<!tpu.dma_semaphore, #tpu.memory_space<semaphore_mem>>
      %dma_start3A_33 = tpu.memref_slice %arg2[%add3A_23] : memref<320000xi32, #tpu.memory_space<hbm>> -> memref<16xi32, #tpu.memory_space<hbm>>
      %dma_start3A_34 = tpu.memref_slice %arg2[%add3A_23] : memref<320000xi32, #tpu.memory_space<hbm>> -> memref<16xi32, #tpu.memory_space<hbm>>
      tpu.enqueue_dma source(%dma_start3A_34 : memref<16xi32, #tpu.memory_space<hbm>>) target(%arg11 : memref<16xi32, #tpu.memory_space<vmem>>) target_semaphore(%run_scoped3A_32 : memref<!tpu.dma_semaphore, #tpu.memory_space<semaphore_mem>>)
      %dma_wait3A = tpu.memref_slice %arg2[%add3A_23] : memref<320000xi32, #tpu.memory_space<hbm>> -> memref<16xi32, #tpu.memory_space<hbm>>
      %dma_wait3A_35 = tpu.memref_slice %arg2[%add3A_23] : memref<320000xi32, #tpu.memory_space<hbm>> -> memref<16xi32, #tpu.memory_space<hbm>>
      tpu.wait_dma2 semaphore(%run_scoped3A_32 : memref<!tpu.dma_semaphore, #tpu.memory_space<semaphore_mem>>) src(%dma_wait3A_35 : memref<16xi32, #tpu.memory_space<hbm>>) dst(%arg11 : memref<16xi32, #tpu.memory_space<vmem>>)
      tpu.yield
    }) : () -> ()
    "tpu.region"() ({
      %run_scoped3A_32 = tpu.sem_alloc : memref<!tpu.dma_semaphore, #tpu.memory_space<semaphore_mem>>
      %dma_start3A_33 = tpu.memref_slice %arg3[%add3A_23] : memref<320000xi32, #tpu.memory_space<hbm>> -> memref<16xi32, #tpu.memory_space<hbm>>
      %dma_start3A_34 = tpu.memref_slice %arg3[%add3A_23] : memref<320000xi32, #tpu.memory_space<hbm>> -> memref<16xi32, #tpu.memory_space<hbm>>
      tpu.enqueue_dma source(%dma_start3A_34 : memref<16xi32, #tpu.memory_space<hbm>>) target(%arg12 : memref<16xi32, #tpu.memory_space<vmem>>) target_semaphore(%run_scoped3A_32 : memref<!tpu.dma_semaphore, #tpu.memory_space<semaphore_mem>>)
      %dma_wait3A = tpu.memref_slice %arg3[%add3A_23] : memref<320000xi32, #tpu.memory_space<hbm>> -> memref<16xi32, #tpu.memory_space<hbm>>
      %dma_wait3A_35 = tpu.memref_slice %arg3[%add3A_23] : memref<320000xi32, #tpu.memory_space<hbm>> -> memref<16xi32, #tpu.memory_space<hbm>>
      tpu.wait_dma2 semaphore(%run_scoped3A_32 : memref<!tpu.dma_semaphore, #tpu.memory_space<semaphore_mem>>) src(%dma_wait3A_35 : memref<16xi32, #tpu.memory_space<hbm>>) dst(%arg12 : memref<16xi32, #tpu.memory_space<vmem>>)
      tpu.yield
    }) : () -> ()
    "tpu.region"() ({
      %run_scoped3A_32 = tpu.sem_alloc : memref<!tpu.dma_semaphore, #tpu.memory_space<semaphore_mem>>
      %dma_start3A_33 = arith.constant 0 : i32
      %dma_start3A_34 = arith.constant 0 : i32
      %dma_start3A_35 = tpu.memref_slice %arg4[%dma_start3A_33, %dma_start3A_34] : memref<10000x128xf32, #tpu.memory_space<hbm>> -> memref<10000x128xf32, #tpu.memory_space<hbm>>
      tpu.enqueue_indirect_dma source(%dma_start3A_35 : memref<10000x128xf32, #tpu.memory_space<hbm>>) target(%arg13 : memref<16x128xf32, #tpu.memory_space<vmem>>) offsets(%arg11 : memref<16xi32, #tpu.memory_space<vmem>>) semaphore(%run_scoped3A_32 : memref<!tpu.dma_semaphore, #tpu.memory_space<semaphore_mem>>)
      %dma_wait3A = arith.constant 0 : i32
      %dma_wait3A_36 = arith.constant 0 : i32
      %dma_wait3A_37 = tpu.memref_slice %arg4[%dma_wait3A, %dma_wait3A_36] : memref<10000x128xf32, #tpu.memory_space<hbm>> -> memref<10000x128xf32, #tpu.memory_space<hbm>>
      tpu.wait_indirect_dma semaphore(%run_scoped3A_32 : memref<!tpu.dma_semaphore, #tpu.memory_space<semaphore_mem>>) src(%dma_wait3A_37 : memref<10000x128xf32, #tpu.memory_space<hbm>>) dst(%arg13 : memref<16x128xf32, #tpu.memory_space<vmem>>)
      tpu.yield
    }) : () -> ()
    "tpu.region"() ({
      %run_scoped3A_32 = tpu.sem_alloc : memref<!tpu.dma_semaphore, #tpu.memory_space<semaphore_mem>>
      %dma_start3A_33 = arith.constant 0 : i32
      %dma_start3A_34 = arith.constant 0 : i32
      %dma_start3A_35 = tpu.memref_slice %arg7[%dma_start3A_33, %dma_start3A_34] : memref<10240x128xf32, #tpu.memory_space<vmem_shared>> -> memref<10240x128xf32, #tpu.memory_space<vmem_shared>>
      tpu.enqueue_indirect_dma source(%arg13 : memref<16x128xf32, #tpu.memory_space<vmem>>) target(%dma_start3A_35 : memref<10240x128xf32, #tpu.memory_space<vmem_shared>>) offsets(%arg12 : memref<16xi32, #tpu.memory_space<vmem>>) semaphore(%run_scoped3A_32 : memref<!tpu.dma_semaphore, #tpu.memory_space<semaphore_mem>>) {add = true}
      %dma_wait3A = arith.constant 0 : i32
      %dma_wait3A_36 = arith.constant 0 : i32
      %dma_wait3A_37 = tpu.memref_slice %arg7[%dma_wait3A, %dma_wait3A_36] : memref<10240x128xf32, #tpu.memory_space<vmem_shared>> -> memref<10240x128xf32, #tpu.memory_space<vmem_shared>>
      tpu.wait_indirect_dma semaphore(%run_scoped3A_32 : memref<!tpu.dma_semaphore, #tpu.memory_space<semaphore_mem>>) src(%arg13 : memref<16x128xf32, #tpu.memory_space<vmem>>) dst(%dma_wait3A_37 : memref<10240x128xf32, #tpu.memory_space<vmem_shared>>)
      tpu.yield
    }) : () -> ()
    %barrier3A_24 = arith.constant 0 : index
    tpu.barrier barrier_id(%barrier3A_24)
    %mul3A_25 = arith.constant 640 : i32
    %mul3A_26 = arith.muli %arg1, %mul3A_25 : i32
    %mul3A_27 = arith.constant 10240 : i32
    %mul3A_28 = arith.muli %arg0, %mul3A_27 : i32
    %mul3A_29 = arith.constant 640 : i32
    %mul3A_30 = arith.muli %arg1, %mul3A_29 : i32
    %add3A_31 = arith.addi %mul3A_28, %mul3A_30 : i32
    "tpu.region"() ({
      %run_scoped3A_32 = tpu.sem_alloc : memref<!tpu.dma_semaphore, #tpu.memory_space<semaphore_mem>>
      %dma_start3A_33 = arith.constant 0 : i32
      %dma_start3A_34 = tpu.memref_slice %arg6[%add3A_31, %dma_start3A_33] : memref<20480x128xf32, #tpu.memory_space<hbm>> -> memref<640x128xf32, #tpu.memory_space<hbm>>
      %dma_start3A_35 = arith.constant 0 : i32
      %dma_start3A_36 = tpu.memref_slice %arg7[%mul3A_26, %dma_start3A_35] : memref<10240x128xf32, #tpu.memory_space<vmem_shared>> -> memref<640x128xf32, #tpu.memory_space<vmem_shared>>
      tpu.enqueue_dma source(%dma_start3A_36 : memref<640x128xf32, #tpu.memory_space<vmem_shared>>) target(%dma_start3A_34 : memref<640x128xf32, #tpu.memory_space<hbm>>) target_semaphore(%run_scoped3A_32 : memref<!tpu.dma_semaphore, #tpu.memory_space<semaphore_mem>>)
      %dma_wait3A = arith.constant 0 : i32
      %dma_wait3A_37 = tpu.memref_slice %arg6[%add3A_31, %dma_wait3A] : memref<20480x128xf32, #tpu.memory_space<hbm>> -> memref<640x128xf32, #tpu.memory_space<hbm>>
      %dma_wait3A_38 = arith.constant 0 : i32
      %dma_wait3A_39 = tpu.memref_slice %arg7[%mul3A_26, %dma_wait3A_38] : memref<10240x128xf32, #tpu.memory_space<vmem_shared>> -> memref<640x128xf32, #tpu.memory_space<vmem_shared>>
      tpu.wait_dma2 semaphore(%run_scoped3A_32 : memref<!tpu.dma_semaphore, #tpu.memory_space<semaphore_mem>>) src(%dma_wait3A_39 : memref<640x128xf32, #tpu.memory_space<vmem_shared>>) dst(%dma_wait3A_37 : memref<640x128xf32, #tpu.memory_space<hbm>>)
      tpu.yield
    }) : () -> ()
    return
  }
}

module attributes {stable_mosaic.version = 14 : i64} {
  func.func @_degscale_body(%arg0: i32, %arg1: memref<2x10240x8xf32, #tpu.memory_space<vmem>>, %arg2: memref<1000x128xf32, #tpu.memory_space<vmem>>, %arg3: memref<10240x1xf32, #tpu.memory_space<vmem>>, %arg4: memref<1000x128xf32, #tpu.memory_space<vmem>>, %arg5: memref<10240x1xf32, #tpu.memory_space<vmem>>) attributes {dimension_semantics = [#tpu.dimension_semantics<arbitrary>], iteration_bounds = array<i64: 11>, scalar_prefetch = 0 : i64, scratch_operands = 1 : i64, tpu.core_type = #tpu.core_type<tc>, window_params = [{pipeline_mode = #tpu.pipeline_mode<synchronous>, transform_indices = @transform_0, window_bounds = array<i64: 2, 10240, 8>}, {transform_indices = @transform_1, window_bounds = array<i64: 1000, 128>}, {pipeline_mode = #tpu.pipeline_mode<synchronous>, transform_indices = @transform_2, window_bounds = array<i64: 10240, 1>}, {transform_indices = @transform_3, window_bounds = array<i64: 1000, 128>}]} {
    %eq3A = arith.constant 0 : i32
    %eq3A_0 = arith.cmpi eq, %arg0, %eq3A : i32
    %convert_element_type3A = arith.extui %eq3A_0 : i1 to i32
    %cond3A = arith.constant 0 : i32
    %cond3A_1 = arith.cmpi ne, %convert_element_type3A, %cond3A : i32
    scf.if %cond3A_1 {
      %get3A = arith.constant 0 : index
      %get3A_6 = arith.constant 0 : index
      %get3A_7 = arith.constant 0 : index
      %get3A_8 = vector.load %arg1[%get3A, %get3A_6, %get3A_7] : memref<2x10240x8xf32, #tpu.memory_space<vmem>>, vector<1x10240x1xf32>
      %get3A_9 = vector.shape_cast %get3A_8 : vector<1x10240x1xf32> to vector<10240x1xf32>
      %get3A_10 = arith.constant 1 : index
      %get3A_11 = arith.constant 0 : index
      %get3A_12 = arith.constant 0 : index
      %get3A_13 = vector.load %arg1[%get3A_10, %get3A_11, %get3A_12] : memref<2x10240x8xf32, #tpu.memory_space<vmem>>, vector<1x10240x1xf32>
      %get3A_14 = vector.shape_cast %get3A_13 : vector<1x10240x1xf32> to vector<10240x1xf32>
      %add3A = arith.addf %get3A_9, %get3A_14 : vector<10240x1xf32>
      %gt3A_15 = arith.constant 0.000000e+00 : f32
      %gt3A_16 = vector.broadcast %gt3A_15 : f32 to vector<10240x1xf32>
      %gt3A_17 = arith.cmpf ogt, %add3A, %gt3A_16 : vector<10240x1xf32>
      %max3A = arith.constant 9.99999996E-13 : f32
      %max3A_18 = vector.broadcast %max3A : f32 to vector<10240x1xf32>
      %max3A_19 = arith.maximumf %add3A, %max3A_18 : vector<10240x1xf32>
      %rsqrt3A = math.rsqrt %max3A_19 : vector<10240x1xf32>
      %jit3A = arith.constant 0.000000e+00 : f32
      %broadcast_in_dim3A = vector.broadcast %jit3A : f32 to vector<10240x1xf32>
      %select_n3A = arith.select %gt3A_17, %rsqrt3A, %broadcast_in_dim3A : vector<10240x1xi1>, vector<10240x1xf32>
      %swap3A = arith.constant 0 : index
      %swap3A_20 = arith.constant 0 : index
      %swap3A_21 = vector.load %arg5[%swap3A, %swap3A_20] : memref<10240x1xf32, #tpu.memory_space<vmem>>, vector<10240x1xf32>
      tpu.vector_store %arg5[%swap3A, %swap3A_20], %select_n3A {strides = array<i32>} : memref<10240x1xf32, #tpu.memory_space<vmem>>, vector<10240x1xf32>,
      %swap3A_22 = arith.constant 0 : index
      %swap3A_23 = arith.constant 0 : index
      %swap3A_24 = vector.load %arg3[%swap3A_22, %swap3A_23] : memref<10240x1xf32, #tpu.memory_space<vmem>>, vector<10240x1xf32>
      tpu.vector_store %arg3[%swap3A_22, %swap3A_23], %select_n3A {strides = array<i32>} : memref<10240x1xf32, #tpu.memory_space<vmem>>, vector<10240x1xf32>,
    } else {
    }
    %gt3A = arith.constant 0 : i32
    %gt3A_2 = arith.cmpi sgt, %arg0, %gt3A : i32
    %convert_element_type3A_3 = arith.extui %gt3A_2 : i1 to i32
    %cond3A_4 = arith.constant 0 : i32
    %cond3A_5 = arith.cmpi ne, %convert_element_type3A_3, %cond3A_4 : i32
    scf.if %cond3A_5 {
      %get3A = arith.constant 0 : index
      %get3A_6 = arith.constant 0 : index
      %get3A_7 = vector.load %arg2[%get3A, %get3A_6] : memref<1000x128xf32, #tpu.memory_space<vmem>>, vector<1000x128xf32>
      %sub3A = arith.constant 1 : i32
      %sub3A_8 = arith.subi %arg0, %sub3A : i32
      %mul3A = arith.constant 1000 : i32
      %mul3A_9 = arith.muli %sub3A_8, %mul3A : i32
      %get3A_10 = arith.index_cast %mul3A_9 : i32 to index
      %get3A_11 = arith.constant 0 : index
      %get3A_12 = vector.load %arg5[%get3A_10, %get3A_11] : memref<10240x1xf32, #tpu.memory_space<vmem>>, vector<1000x1xf32>
      %mul3A_13 = vector.broadcast %get3A_12 : vector<1000x1xf32> to vector<1000x128xf32>
      %mul3A_14 = arith.mulf %get3A_7, %mul3A_13 : vector<1000x128xf32>
      %swap3A = arith.constant 0 : index
      %swap3A_15 = arith.constant 0 : index
      %swap3A_16 = vector.load %arg4[%swap3A, %swap3A_15] : memref<1000x128xf32, #tpu.memory_space<vmem>>, vector<1000x128xf32>
      tpu.vector_store %arg4[%swap3A, %swap3A_15], %mul3A_14 {strides = array<i32>} : memref<1000x128xf32, #tpu.memory_space<vmem>>, vector<1000x128xf32>,
    } else {
    }
    return
  }
  func.func @transform_0(%arg0: i32) -> (i32, i32, i32) {
    %c0_i32 = arith.constant 0 : i32
    %c0_i32_0 = arith.constant 0 : i32
    %c0_i32_1 = arith.constant 0 : i32
    %c0_i32_2 = arith.constant 0 : i32
    return %c0_i32, %c0_i32_0, %c0_i32_1 : i32, i32, i32
  }
  func.func @transform_1(%arg0: i32) -> (i32, i32) {
    %sub3A = arith.constant 1 : i32
    %sub3A_0 = arith.subi %arg0, %sub3A : i32
    %max3A = arith.constant 0 : i32
    %max3A_1 = arith.maxsi %sub3A_0, %max3A : i32
    %c0_i32 = arith.constant 0 : i32
    %c0_i32_2 = arith.constant 0 : i32
    return %max3A_1, %c0_i32 : i32, i32
  }
  func.func @transform_2(%arg0: i32) -> (i32, i32) {
    %c0_i32 = arith.constant 0 : i32
    %c0_i32_0 = arith.constant 0 : i32
    %c0_i32_1 = arith.constant 0 : i32
    return %c0_i32, %c0_i32_0 : i32, i32
  }
  func.func @transform_3(%arg0: i32) -> (i32, i32) {
    %sub3A = arith.constant 1 : i32
    %sub3A_0 = arith.subi %arg0, %sub3A : i32
    %max3A = arith.constant 0 : i32
    %max3A_1 = arith.maxsi %sub3A_0, %max3A : i32
    %c0_i32 = arith.constant 0 : i32
    %c0_i32_2 = arith.constant 0 : i32
    return %max3A_1, %c0_i32 : i32, i32
  }
}

module attributes {stable_mosaic.version = 14 : i64} {
  func.func @_encoder_body(%arg0: i32, %arg1: i32, %arg2: memref<2x1000x128xf32, #tpu.memory_space<vmem>>, %arg3: memref<1000x1xf32, #tpu.memory_space<vmem>>, %arg4: memref<128x256xf32, #tpu.memory_space<vmem>>, %arg5: memref<1x256xf32, #tpu.memory_space<vmem>>, %arg6: memref<1x256xf32, #tpu.memory_space<vmem>>, %arg7: memref<256x64xf32, #tpu.memory_space<vmem>>, %arg8: memref<1000x64xf32, #tpu.memory_space<vmem>>, %arg9: memref<10000x128xf32, #tpu.memory_space<vmem>>, %arg10: memref<1x128xf32, #tpu.memory_space<vmem>>, %arg11: memref<128x128xf32, #tpu.memory_space<vmem>>, %arg12: memref<2x256xf32, #tpu.memory_space<vmem>>) attributes {dimension_semantics = [#tpu.dimension_semantics<arbitrary>, #tpu.dimension_semantics<arbitrary>], iteration_bounds = array<i64: 2, 10>, scalar_prefetch = 0 : i64, scratch_operands = 4 : i64, tpu.core_type = #tpu.core_type<tc>, window_params = [{transform_indices = @transform_0, window_bounds = array<i64: 2, 1000, 128>}, {transform_indices = @transform_1, window_bounds = array<i64: 1000, 1>}, {pipeline_mode = #tpu.pipeline_mode<synchronous>, transform_indices = @transform_2, window_bounds = array<i64: 128, 256>}, {pipeline_mode = #tpu.pipeline_mode<synchronous>, transform_indices = @transform_3, window_bounds = array<i64: 1, 256>}, {pipeline_mode = #tpu.pipeline_mode<synchronous>, transform_indices = @transform_4, window_bounds = array<i64: 1, 256>}, {pipeline_mode = #tpu.pipeline_mode<synchronous>, transform_indices = @transform_5, window_bounds = array<i64: 256, 64>}, {transform_indices = @transform_6, window_bounds = array<i64: 1000, 64>}]} {
    %eq3A = arith.constant 0 : i32
    %eq3A_0 = arith.cmpi eq, %arg0, %eq3A : i32
    %eq3A_1 = arith.constant 0 : i32
    %eq3A_2 = arith.cmpi eq, %arg1, %eq3A_1 : i32
    %and3A = arith.andi %eq3A_0, %eq3A_2 : i1
    %convert_element_type3A = arith.extui %and3A : i1 to i32
    %cond3A = arith.constant 0 : i32
    %cond3A_3 = arith.cmpi ne, %convert_element_type3A, %cond3A : i32
    scf.if %cond3A_3 {
      %broadcast_in_dim3A = arith.constant 0.000000e+00 : f32
      %broadcast_in_dim3A_22 = vector.broadcast %broadcast_in_dim3A : f32 to vector<1x128xf32>
      %swap3A = arith.constant 0 : index
      %swap3A_23 = arith.constant 0 : index
      %swap3A_24 = vector.load %arg10[%swap3A, %swap3A_23] : memref<1x128xf32, #tpu.memory_space<vmem>>, vector<1x128xf32>
      tpu.vector_store %arg10[%swap3A, %swap3A_23], %broadcast_in_dim3A_22 {strides = array<i32>} : memref<1x128xf32, #tpu.memory_space<vmem>>, vector<1x128xf32>,
      %broadcast_in_dim3A_25 = arith.constant 0.000000e+00 : f32
      %broadcast_in_dim3A_26 = vector.broadcast %broadcast_in_dim3A_25 : f32 to vector<128x128xf32>
      %swap3A_27 = arith.constant 0 : index
      %swap3A_28 = arith.constant 0 : index
      %swap3A_29 = vector.load %arg11[%swap3A_27, %swap3A_28] : memref<128x128xf32, #tpu.memory_space<vmem>>, vector<128x128xf32>
      tpu.vector_store %arg11[%swap3A_27, %swap3A_28], %broadcast_in_dim3A_26 {strides = array<i32>} : memref<128x128xf32, #tpu.memory_space<vmem>>, vector<128x128xf32>,
    } else {
    }
    %eq3A_4 = arith.constant 0 : i32
    %eq3A_5 = arith.cmpi eq, %arg0, %eq3A_4 : i32
    %convert_element_type3A_6 = arith.extui %eq3A_5 : i1 to i32
    %cond3A_7 = arith.constant 0 : i32
    %cond3A_8 = arith.cmpi ne, %convert_element_type3A_6, %cond3A_7 : i32
    scf.if %cond3A_8 {
      %get3A = arith.constant 0 : index
      %get3A_22 = arith.constant 0 : index
      %get3A_23 = arith.constant 0 : index
      %get3A_24 = vector.load %arg2[%get3A, %get3A_22, %get3A_23] : memref<2x1000x128xf32, #tpu.memory_space<vmem>>, vector<1x1000x128xf32>
      %get3A_25 = vector.shape_cast %get3A_24 : vector<1x1000x128xf32> to vector<1000x128xf32>
      %get3A_26 = arith.constant 1 : index
      %get3A_27 = arith.constant 0 : index
      %get3A_28 = arith.constant 0 : index
      %get3A_29 = vector.load %arg2[%get3A_26, %get3A_27, %get3A_28] : memref<2x1000x128xf32, #tpu.memory_space<vmem>>, vector<1x1000x128xf32>
      %get3A_30 = vector.shape_cast %get3A_29 : vector<1x1000x128xf32> to vector<1000x128xf32>
      %add3A = arith.addf %get3A_25, %get3A_30 : vector<1000x128xf32>
      %get3A_31 = arith.constant 0 : index
      %get3A_32 = arith.constant 0 : index
      %get3A_33 = vector.load %arg3[%get3A_31, %get3A_32] : memref<1000x1xf32, #tpu.memory_space<vmem>>, vector<1000x1xf32>
      %mul3A = vector.broadcast %get3A_33 : vector<1000x1xf32> to vector<1000x128xf32>
      %mul3A_34 = arith.mulf %add3A, %mul3A : vector<1000x128xf32>
      %mul3A_35 = arith.constant 1000 : i32
      %mul3A_36 = arith.muli %arg1, %mul3A_35 : i32
      %swap3A = arith.index_cast %mul3A_36 : i32 to index
      %swap3A_37 = arith.constant 0 : index
      %swap3A_38 = vector.load %arg9[%swap3A, %swap3A_37] : memref<10000x128xf32, #tpu.memory_space<vmem>>, vector<1000x128xf32>
      tpu.vector_store %arg9[%swap3A, %swap3A_37], %mul3A_34 {strides = array<i32>} : memref<10000x128xf32, #tpu.memory_space<vmem>>, vector<1000x128xf32>,
      %get3A_39 = arith.constant 0 : index
      %get3A_40 = arith.constant 0 : index
      %get3A_41 = vector.load %arg10[%get3A_39, %get3A_40] : memref<1x128xf32, #tpu.memory_space<vmem>>, vector<1x128xf32>
      %reduce_sum3A = arith.constant dense<0.000000e+00> : vector<128xf32>
      %reduce_sum3A_42 = vector.multi_reduction <add>, %mul3A_34, %reduce_sum3A [0] : vector<1000x128xf32> to vector<128xf32>
      %broadcast_in_dim3A = vector.shape_cast %reduce_sum3A_42 : vector<128xf32> to vector<1x128xf32>
      %add3A_43 = arith.addf %get3A_41, %broadcast_in_dim3A : vector<1x128xf32>
      %swap3A_44 = arith.constant 0 : index
      %swap3A_45 = arith.constant 0 : index
      %swap3A_46 = vector.load %arg10[%swap3A_44, %swap3A_45] : memref<1x128xf32, #tpu.memory_space<vmem>>, vector<1x128xf32>
      tpu.vector_store %arg10[%swap3A_44, %swap3A_45], %add3A_43 {strides = array<i32>} : memref<1x128xf32, #tpu.memory_space<vmem>>, vector<1x128xf32>,
      %get3A_47 = arith.constant 0 : index
      %get3A_48 = arith.constant 0 : index
      %get3A_49 = vector.load %arg11[%get3A_47, %get3A_48] : memref<128x128xf32, #tpu.memory_space<vmem>>, vector<128x128xf32>
      %dot_general3A = arith.constant dense<0.000000e+00> : vector<128x128xf32>
      %dot_general3A_50 = tpu.matmul %mul3A_34, %mul3A_34, %dot_general3A {dimension_numbers = #tpu.dot_dimension_numbers<[0], [0], [1], [1], [0, 1, 1, 1], [], []>, transpose_lhs_hint = false} : vector<1000x128xf32>, vector<1000x128xf32>, vector<128x128xf32> -> vector<128x128xf32>
      %add3A_51 = arith.addf %get3A_49, %dot_general3A_50 : vector<128x128xf32>
      %swap3A_52 = arith.constant 0 : index
      %swap3A_53 = arith.constant 0 : index
      %swap3A_54 = vector.load %arg11[%swap3A_52, %swap3A_53] : memref<128x128xf32, #tpu.memory_space<vmem>>, vector<128x128xf32>
      tpu.vector_store %arg11[%swap3A_52, %swap3A_53], %add3A_51 {strides = array<i32>} : memref<128x128xf32, #tpu.memory_space<vmem>>, vector<128x128xf32>,
    } else {
    }
    %eq3A_9 = arith.constant 1 : i32
    %eq3A_10 = arith.cmpi eq, %arg0, %eq3A_9 : i32
    %eq3A_11 = arith.constant 0 : i32
    %eq3A_12 = arith.cmpi eq, %arg1, %eq3A_11 : i32
    %and3A_13 = arith.andi %eq3A_10, %eq3A_12 : i1
    %convert_element_type3A_14 = arith.extui %and3A_13 : i1 to i32
    %cond3A_15 = arith.constant 0 : i32
    %cond3A_16 = arith.cmpi ne, %convert_element_type3A_14, %cond3A_15 : i32
    scf.if %cond3A_16 {
      %get3A = arith.constant 0 : index
      %get3A_22 = arith.constant 0 : index
      %get3A_23 = vector.load %arg4[%get3A, %get3A_22] : memref<128x256xf32, #tpu.memory_space<vmem>>, vector<128x256xf32>
      %get3A_24 = arith.constant 0 : index
      %get3A_25 = arith.constant 0 : index
      %get3A_26 = vector.load %arg10[%get3A_24, %get3A_25] : memref<1x128xf32, #tpu.memory_space<vmem>>, vector<1x128xf32>
      %mul3A = arith.constant 9.99999974E-5 : f32
      %mul3A_27 = vector.broadcast %mul3A : f32 to vector<1x128xf32>
      %mul3A_28 = arith.mulf %get3A_26, %mul3A_27 : vector<1x128xf32>
      %dot_general3A = arith.constant dense<0.000000e+00> : vector<1x256xf32>
      %dot_general3A_29 = tpu.matmul %mul3A_28, %get3A_23, %dot_general3A {dimension_numbers = #tpu.dot_dimension_numbers<[1], [0], [0], [1], [0, 0, 1, 1], [], []>, transpose_lhs_hint = false} : vector<1x128xf32>, vector<128x256xf32>, vector<1x256xf32> -> vector<1x256xf32>
      %get3A_30 = arith.constant 0 : index
      %get3A_31 = arith.constant 0 : index
      %get3A_32 = vector.load %arg11[%get3A_30, %get3A_31] : memref<128x128xf32, #tpu.memory_space<vmem>>, vector<128x128xf32>
      %mul3A_33 = arith.constant 9.99999974E-5 : f32
      %mul3A_34 = vector.broadcast %mul3A_33 : f32 to vector<128x128xf32>
      %mul3A_35 = arith.mulf %get3A_32, %mul3A_34 : vector<128x128xf32>
      %dot_general3A_36 = arith.constant dense<0.000000e+00> : vector<128x128xf32>
      %dot_general3A_37 = tpu.matmul %mul3A_28, %mul3A_28, %dot_general3A_36 {dimension_numbers = #tpu.dot_dimension_numbers<[0], [0], [1], [1], [0, 1, 1, 1], [], []>, transpose_lhs_hint = false} : vector<1x128xf32>, vector<1x128xf32>, vector<128x128xf32> -> vector<128x128xf32>
      %sub3A = arith.subf %mul3A_35, %dot_general3A_37 : vector<128x128xf32>
      %dot_general3A_38 = arith.constant dense<0.000000e+00> : vector<128x256xf32>
      %dot_general3A_39 = tpu.matmul %sub3A, %get3A_23, %dot_general3A_38 {dimension_numbers = #tpu.dot_dimension_numbers<[1], [0], [0], [1], [0, 0, 1, 1], [], []>, transpose_lhs_hint = false} : vector<128x128xf32>, vector<128x256xf32>, vector<128x256xf32> -> vector<128x256xf32>
      %mul3A_40 = arith.mulf %get3A_23, %dot_general3A_39 : vector<128x256xf32>
      %reduce_sum3A = arith.constant dense<0.000000e+00> : vector<256xf32>
      %reduce_sum3A_41 = vector.multi_reduction <add>, %mul3A_40, %reduce_sum3A [0] : vector<128x256xf32> to vector<256xf32>
      %broadcast_in_dim3A = vector.shape_cast %reduce_sum3A_41 : vector<256xf32> to vector<1x256xf32>
      %get3A_42 = arith.constant 0 : index
      %get3A_43 = arith.constant 0 : index
      %get3A_44 = vector.load %arg5[%get3A_42, %get3A_43] : memref<1x256xf32, #tpu.memory_space<vmem>>, vector<1x256xf32>
      %add3A = arith.constant 9.99999974E-6 : f32
      %add3A_45 = vector.broadcast %add3A : f32 to vector<1x256xf32>
      %add3A_46 = arith.addf %broadcast_in_dim3A, %add3A_45 : vector<1x256xf32>
      %rsqrt3A = math.rsqrt %add3A_46 : vector<1x256xf32>
      %mul3A_47 = arith.mulf %get3A_44, %rsqrt3A : vector<1x256xf32>
      %swap3A = arith.constant 0 : index
      %swap3A_48 = arith.constant 0 : index
      %swap3A_49 = vector.load %arg12[%swap3A, %swap3A_48] : memref<2x256xf32, #tpu.memory_space<vmem>>, vector<1x256xf32>
      tpu.vector_store %arg12[%swap3A, %swap3A_48], %mul3A_47 {strides = array<i32>} : memref<2x256xf32, #tpu.memory_space<vmem>>, vector<1x256xf32>,
      %get3A_50 = arith.constant 0 : index
      %get3A_51 = arith.constant 0 : index
      %get3A_52 = vector.load %arg6[%get3A_50, %get3A_51] : memref<1x256xf32, #tpu.memory_space<vmem>>, vector<1x256xf32>
      %mul3A_53 = arith.mulf %dot_general3A_29, %mul3A_47 : vector<1x256xf32>
      %sub3A_54 = arith.subf %get3A_52, %mul3A_53 : vector<1x256xf32>
      %swap3A_55 = arith.constant 1 : index
      %swap3A_56 = arith.constant 0 : index
      %swap3A_57 = vector.load %arg12[%swap3A_55, %swap3A_56] : memref<2x256xf32, #tpu.memory_space<vmem>>, vector<1x256xf32>
      tpu.vector_store %arg12[%swap3A_55, %swap3A_56], %sub3A_54 {strides = array<i32>} : memref<2x256xf32, #tpu.memory_space<vmem>>, vector<1x256xf32>,
    } else {
    }
    %eq3A_17 = arith.constant 1 : i32
    %eq3A_18 = arith.cmpi eq, %arg0, %eq3A_17 : i32
    %convert_element_type3A_19 = arith.extui %eq3A_18 : i1 to i32
    %cond3A_20 = arith.constant 0 : i32
    %cond3A_21 = arith.cmpi ne, %convert_element_type3A_19, %cond3A_20 : i32
    scf.if %cond3A_21 {
      %mul3A = arith.constant 1000 : i32
      %mul3A_22 = arith.muli %arg1, %mul3A : i32
      %get3A = arith.index_cast %mul3A_22 : i32 to index
      %get3A_23 = arith.constant 0 : index
      %get3A_24 = vector.load %arg9[%get3A, %get3A_23] : memref<10000x128xf32, #tpu.memory_space<vmem>>, vector<1000x128xf32>
      %get3A_25 = arith.constant 0 : index
      %get3A_26 = arith.constant 0 : index
      %get3A_27 = vector.load %arg4[%get3A_25, %get3A_26] : memref<128x256xf32, #tpu.memory_space<vmem>>, vector<128x256xf32>
      %dot_general3A = arith.constant dense<0.000000e+00> : vector<1000x256xf32>
      %dot_general3A_28 = tpu.matmul %get3A_24, %get3A_27, %dot_general3A {dimension_numbers = #tpu.dot_dimension_numbers<[1], [0], [0], [1], [0, 0, 1, 1], [], []>, transpose_lhs_hint = false} : vector<1000x128xf32>, vector<128x256xf32>, vector<1000x256xf32> -> vector<1000x256xf32>
      %get3A_29 = arith.constant 0 : index
      %get3A_30 = arith.constant 0 : index
      %get3A_31 = vector.load %arg12[%get3A_29, %get3A_30] : memref<2x256xf32, #tpu.memory_space<vmem>>, vector<1x256xf32>
      %mul3A_32 = vector.broadcast %get3A_31 : vector<1x256xf32> to vector<1000x256xf32>
      %mul3A_33 = arith.mulf %dot_general3A_28, %mul3A_32 : vector<1000x256xf32>
      %get3A_34 = arith.constant 1 : index
      %get3A_35 = arith.constant 0 : index
      %get3A_36 = vector.load %arg12[%get3A_34, %get3A_35] : memref<2x256xf32, #tpu.memory_space<vmem>>, vector<1x256xf32>
      %add3A = vector.broadcast %get3A_36 : vector<1x256xf32> to vector<1000x256xf32>
      %add3A_37 = arith.addf %mul3A_33, %add3A : vector<1000x256xf32>
      %max3A = arith.constant 0.000000e+00 : f32
      %max3A_38 = vector.broadcast %max3A : f32 to vector<1000x256xf32>
      %max3A_39 = arith.maximumf %add3A_37, %max3A_38 : vector<1000x256xf32>
      %get3A_40 = arith.constant 0 : index
      %get3A_41 = arith.constant 0 : index
      %get3A_42 = vector.load %arg7[%get3A_40, %get3A_41] : memref<256x64xf32, #tpu.memory_space<vmem>>, vector<256x64xf32>
      %dot_general3A_43 = arith.constant dense<0.000000e+00> : vector<1000x64xf32>
      %dot_general3A_44 = tpu.matmul %max3A_39, %get3A_42, %dot_general3A_43 {dimension_numbers = #tpu.dot_dimension_numbers<[1], [0], [0], [1], [0, 0, 1, 1], [], []>, transpose_lhs_hint = false} : vector<1000x256xf32>, vector<256x64xf32>, vector<1000x64xf32> -> vector<1000x64xf32>
      %get3A_45 = arith.constant 0 : index
      %get3A_46 = arith.constant 0 : index
      %get3A_47 = vector.load %arg3[%get3A_45, %get3A_46] : memref<1000x1xf32, #tpu.memory_space<vmem>>, vector<1000x1xf32>
      %mul3A_48 = vector.broadcast %get3A_47 : vector<1000x1xf32> to vector<1000x64xf32>
      %mul3A_49 = arith.mulf %dot_general3A_44, %mul3A_48 : vector<1000x64xf32>
      %swap3A = arith.constant 0 : index
      %swap3A_50 = arith.constant 0 : index
      %swap3A_51 = vector.load %arg8[%swap3A, %swap3A_50] : memref<1000x64xf32, #tpu.memory_space<vmem>>, vector<1000x64xf32>
      tpu.vector_store %arg8[%swap3A, %swap3A_50], %mul3A_49 {strides = array<i32>} : memref<1000x64xf32, #tpu.memory_space<vmem>>, vector<1000x64xf32>,
    } else {
    }
    return
  }
  func.func @transform_0(%arg0: i32, %arg1: i32) -> (i32, i32, i32) {
    %eq3A = arith.constant 0 : i32
    %eq3A_0 = arith.cmpi eq, %arg0, %eq3A : i32
    %jit3A = arith.constant 0 : i32
    %select_n3A = arith.select %eq3A_0, %arg1, %jit3A : i32
    %c0_i32 = arith.constant 0 : i32
    %c0_i32_1 = arith.constant 0 : i32
    %c0_i32_2 = arith.constant 0 : i32
    return %c0_i32, %select_n3A, %c0_i32_1 : i32, i32, i32
  }
  func.func @transform_1(%arg0: i32, %arg1: i32) -> (i32, i32) {
    %c0_i32 = arith.constant 0 : i32
    %c0_i32_0 = arith.constant 0 : i32
    return %arg1, %c0_i32 : i32, i32
  }
  func.func @transform_2(%arg0: i32, %arg1: i32) -> (i32, i32) {
    %c0_i32 = arith.constant 0 : i32
    %c0_i32_0 = arith.constant 0 : i32
    %c0_i32_1 = arith.constant 0 : i32
    return %c0_i32, %c0_i32_0 : i32, i32
  }
  func.func @transform_3(%arg0: i32, %arg1: i32) -> (i32, i32) {
    %c0_i32 = arith.constant 0 : i32
    %c0_i32_0 = arith.constant 0 : i32
    %c0_i32_1 = arith.constant 0 : i32
    return %c0_i32, %c0_i32_0 : i32, i32
  }
  func.func @transform_4(%arg0: i32, %arg1: i32) -> (i32, i32) {
    %c0_i32 = arith.constant 0 : i32
    %c0_i32_0 = arith.constant 0 : i32
    %c0_i32_1 = arith.constant 0 : i32
    return %c0_i32, %c0_i32_0 : i32, i32
  }
  func.func @transform_5(%arg0: i32, %arg1: i32) -> (i32, i32) {
    %c0_i32 = arith.constant 0 : i32
    %c0_i32_0 = arith.constant 0 : i32
    %c0_i32_1 = arith.constant 0 : i32
    return %c0_i32, %c0_i32_0 : i32, i32
  }
  func.func @transform_6(%arg0: i32, %arg1: i32) -> (i32, i32) {
    %c0_i32 = arith.constant 0 : i32
    %c0_i32_0 = arith.constant 0 : i32
    return %arg1, %c0_i32 : i32, i32
  }
}

module attributes {stable_mosaic.version = 14 : i64} {
  func.func @_decoder_body(%arg0: i32, %arg1: i32, %arg2: memref<2x1000x64xf32, #tpu.memory_space<vmem>>, %arg3: memref<1000x1xf32, #tpu.memory_space<vmem>>, %arg4: memref<1000x1xi32, #tpu.memory_space<vmem>>, %arg5: memref<1x64xf32, #tpu.memory_space<vmem>>, %arg6: memref<1x64xf32, #tpu.memory_space<vmem>>, %arg7: memref<64x256xf32, #tpu.memory_space<vmem>>, %arg8: memref<1x256xf32, #tpu.memory_space<vmem>>, %arg9: memref<1x256xf32, #tpu.memory_space<vmem>>, %arg10: memref<256x128xf32, #tpu.memory_space<vmem>>, %arg11: memref<1x128xf32, #tpu.memory_space<vmem>>, %arg12: memref<1000x128xf32, #tpu.memory_space<vmem>>, %arg13: memref<64x64xf32, #tpu.memory_space<vmem>>, %arg14: memref<10000x64xf32, #tpu.memory_space<vmem>>, %arg15: memref<10000x64xf32, #tpu.memory_space<vmem>>, %arg16: memref<1x64xf32, #tpu.memory_space<vmem>>, %arg17: memref<1x64xf32, #tpu.memory_space<vmem>>, %arg18: memref<1x64xf32, #tpu.memory_space<vmem>>, %arg19: memref<64x64xf32, #tpu.memory_space<vmem>>, %arg20: memref<64x64xf32, #tpu.memory_space<vmem>>, %arg21: memref<64x1xf32, #tpu.memory_space<vmem>>, %arg22: memref<2x64xf32, #tpu.memory_space<vmem>>, %arg23: memref<2x256xf32, #tpu.memory_space<vmem>>) attributes {dimension_semantics = [#tpu.dimension_semantics<arbitrary>, #tpu.dimension_semantics<arbitrary>], iteration_bounds = array<i64: 3, 10>, scalar_prefetch = 0 : i64, scratch_operands = 10 : i64, tpu.core_type = #tpu.core_type<tc>, window_params = [{transform_indices = @transform_0, window_bounds = array<i64: 2, 1000, 64>}, {transform_indices = @transform_1, window_bounds = array<i64: 1000, 1>}, {transform_indices = @transform_2, window_bounds = array<i64: 1000, 1>}, {pipeline_mode = #tpu.pipeline_mode<synchronous>, transform_indices = @transform_3, window_bounds = array<i64: 1, 64>}, {pipeline_mode = #tpu.pipeline_mode<synchronous>, transform_indices = @transform_4, window_bounds = array<i64: 1, 64>}, {pipeline_mode = #tpu.pipeline_mode<synchronous>, transform_indices = @transform_5, window_bounds = array<i64: 64, 256>}, {pipeline_mode = #tpu.pipeline_mode<synchronous>, transform_indices = @transform_6, window_bounds = array<i64: 1, 256>}, {pipeline_mode = #tpu.pipeline_mode<synchronous>, transform_indices = @transform_7, window_bounds = array<i64: 1, 256>}, {pipeline_mode = #tpu.pipeline_mode<synchronous>, transform_indices = @transform_8, window_bounds = array<i64: 256, 128>}, {pipeline_mode = #tpu.pipeline_mode<synchronous>, transform_indices = @transform_9, window_bounds = array<i64: 1, 128>}, {transform_indices = @transform_10, window_bounds = array<i64: 1000, 128>}, {pipeline_mode = #tpu.pipeline_mode<synchronous>, transform_indices = @transform_11, window_bounds = array<i64: 64, 64>}]} {
    %eq3A = arith.constant 0 : i32
    %eq3A_0 = arith.cmpi eq, %arg0, %eq3A : i32
    %eq3A_1 = arith.constant 0 : i32
    %eq3A_2 = arith.cmpi eq, %arg1, %eq3A_1 : i32
    %and3A = arith.andi %eq3A_0, %eq3A_2 : i1
    %convert_element_type3A = arith.extui %and3A : i1 to i32
    %cond3A = arith.constant 0 : i32
    %cond3A_3 = arith.cmpi ne, %convert_element_type3A, %cond3A : i32
    scf.if %cond3A_3 {
      %broadcast_in_dim3A = arith.constant 0.000000e+00 : f32
      %broadcast_in_dim3A_35 = vector.broadcast %broadcast_in_dim3A : f32 to vector<1x64xf32>
      %swap3A = arith.constant 0 : index
      %swap3A_36 = arith.constant 0 : index
      %swap3A_37 = vector.load %arg16[%swap3A, %swap3A_36] : memref<1x64xf32, #tpu.memory_space<vmem>>, vector<1x64xf32>
      tpu.vector_store %arg16[%swap3A, %swap3A_36], %broadcast_in_dim3A_35 {strides = array<i32>} : memref<1x64xf32, #tpu.memory_space<vmem>>, vector<1x64xf32>,
      %broadcast_in_dim3A_38 = arith.constant 0.000000e+00 : f32
      %broadcast_in_dim3A_39 = vector.broadcast %broadcast_in_dim3A_38 : f32 to vector<1x64xf32>
      %swap3A_40 = arith.constant 0 : index
      %swap3A_41 = arith.constant 0 : index
      %swap3A_42 = vector.load %arg17[%swap3A_40, %swap3A_41] : memref<1x64xf32, #tpu.memory_space<vmem>>, vector<1x64xf32>
      tpu.vector_store %arg17[%swap3A_40, %swap3A_41], %broadcast_in_dim3A_39 {strides = array<i32>} : memref<1x64xf32, #tpu.memory_space<vmem>>, vector<1x64xf32>,
      %broadcast_in_dim3A_43 = arith.constant 0.000000e+00 : f32
      %broadcast_in_dim3A_44 = vector.broadcast %broadcast_in_dim3A_43 : f32 to vector<1x64xf32>
      %swap3A_45 = arith.constant 0 : index
      %swap3A_46 = arith.constant 0 : index
      %swap3A_47 = vector.load %arg18[%swap3A_45, %swap3A_46] : memref<1x64xf32, #tpu.memory_space<vmem>>, vector<1x64xf32>
      tpu.vector_store %arg18[%swap3A_45, %swap3A_46], %broadcast_in_dim3A_44 {strides = array<i32>} : memref<1x64xf32, #tpu.memory_space<vmem>>, vector<1x64xf32>,
      %broadcast_in_dim3A_48 = arith.constant 0.000000e+00 : f32
      %broadcast_in_dim3A_49 = vector.broadcast %broadcast_in_dim3A_48 : f32 to vector<64x64xf32>
      %swap3A_50 = arith.constant 0 : index
      %swap3A_51 = arith.constant 0 : index
      %swap3A_52 = vector.load %arg19[%swap3A_50, %swap3A_51] : memref<64x64xf32, #tpu.memory_space<vmem>>, vector<64x64xf32>
      tpu.vector_store %arg19[%swap3A_50, %swap3A_51], %broadcast_in_dim3A_49 {strides = array<i32>} : memref<64x64xf32, #tpu.memory_space<vmem>>, vector<64x64xf32>,
      %broadcast_in_dim3A_53 = arith.constant 0.000000e+00 : f32
      %broadcast_in_dim3A_54 = vector.broadcast %broadcast_in_dim3A_53 : f32 to vector<64x64xf32>
      %swap3A_55 = arith.constant 0 : index
      %swap3A_56 = arith.constant 0 : index
      %swap3A_57 = vector.load %arg20[%swap3A_55, %swap3A_56] : memref<64x64xf32, #tpu.memory_space<vmem>>, vector<64x64xf32>
      tpu.vector_store %arg20[%swap3A_55, %swap3A_56], %broadcast_in_dim3A_54 {strides = array<i32>} : memref<64x64xf32, #tpu.memory_space<vmem>>, vector<64x64xf32>,
      %broadcast_in_dim3A_58 = arith.constant 0.000000e+00 : f32
      %broadcast_in_dim3A_59 = vector.broadcast %broadcast_in_dim3A_58 : f32 to vector<64x1xf32>
      %swap3A_60 = arith.constant 0 : index
      %swap3A_61 = arith.constant 0 : index
      %swap3A_62 = vector.load %arg21[%swap3A_60, %swap3A_61] : memref<64x1xf32, #tpu.memory_space<vmem>>, vector<64x1xf32>
      tpu.vector_store %arg21[%swap3A_60, %swap3A_61], %broadcast_in_dim3A_59 {strides = array<i32>} : memref<64x1xf32, #tpu.memory_space<vmem>>, vector<64x1xf32>,
    } else {
    }
    %eq3A_4 = arith.constant 0 : i32
    %eq3A_5 = arith.cmpi eq, %arg0, %eq3A_4 : i32
    %convert_element_type3A_6 = arith.extui %eq3A_5 : i1 to i32
    %cond3A_7 = arith.constant 0 : i32
    %cond3A_8 = arith.cmpi ne, %convert_element_type3A_6, %cond3A_7 : i32
    scf.if %cond3A_8 {
      %get3A = arith.constant 0 : index
      %get3A_35 = arith.constant 0 : index
      %get3A_36 = arith.constant 0 : index
      %get3A_37 = vector.load %arg2[%get3A, %get3A_35, %get3A_36] : memref<2x1000x64xf32, #tpu.memory_space<vmem>>, vector<1x1000x64xf32>
      %get3A_38 = vector.shape_cast %get3A_37 : vector<1x1000x64xf32> to vector<1000x64xf32>
      %get3A_39 = arith.constant 1 : index
      %get3A_40 = arith.constant 0 : index
      %get3A_41 = arith.constant 0 : index
      %get3A_42 = vector.load %arg2[%get3A_39, %get3A_40, %get3A_41] : memref<2x1000x64xf32, #tpu.memory_space<vmem>>, vector<1x1000x64xf32>
      %get3A_43 = vector.shape_cast %get3A_42 : vector<1x1000x64xf32> to vector<1000x64xf32>
      %add3A = arith.addf %get3A_38, %get3A_43 : vector<1000x64xf32>
      %get3A_44 = arith.constant 0 : index
      %get3A_45 = arith.constant 0 : index
      %get3A_46 = vector.load %arg3[%get3A_44, %get3A_45] : memref<1000x1xf32, #tpu.memory_space<vmem>>, vector<1000x1xf32>
      %mul3A = vector.broadcast %get3A_46 : vector<1000x1xf32> to vector<1000x64xf32>
      %mul3A_47 = arith.mulf %add3A, %mul3A : vector<1000x64xf32>
      %mul3A_48 = arith.constant 1000 : i32
      %mul3A_49 = arith.muli %arg1, %mul3A_48 : i32
      %swap3A = arith.index_cast %mul3A_49 : i32 to index
      %swap3A_50 = arith.constant 0 : index
      %swap3A_51 = vector.load %arg14[%swap3A, %swap3A_50] : memref<10000x64xf32, #tpu.memory_space<vmem>>, vector<1000x64xf32>
      tpu.vector_store %arg14[%swap3A, %swap3A_50], %mul3A_47 {strides = array<i32>} : memref<10000x64xf32, #tpu.memory_space<vmem>>, vector<1000x64xf32>,
      %get3A_52 = arith.constant 0 : index
      %get3A_53 = arith.constant 0 : index
      %get3A_54 = vector.load %arg16[%get3A_52, %get3A_53] : memref<1x64xf32, #tpu.memory_space<vmem>>, vector<1x64xf32>
      %reduce_sum3A = arith.constant dense<0.000000e+00> : vector<64xf32>
      %reduce_sum3A_55 = vector.multi_reduction <add>, %mul3A_47, %reduce_sum3A [0] : vector<1000x64xf32> to vector<64xf32>
      %broadcast_in_dim3A = vector.shape_cast %reduce_sum3A_55 : vector<64xf32> to vector<1x64xf32>
      %add3A_56 = arith.addf %get3A_54, %broadcast_in_dim3A : vector<1x64xf32>
      %swap3A_57 = arith.constant 0 : index
      %swap3A_58 = arith.constant 0 : index
      %swap3A_59 = vector.load %arg16[%swap3A_57, %swap3A_58] : memref<1x64xf32, #tpu.memory_space<vmem>>, vector<1x64xf32>
      tpu.vector_store %arg16[%swap3A_57, %swap3A_58], %add3A_56 {strides = array<i32>} : memref<1x64xf32, #tpu.memory_space<vmem>>, vector<1x64xf32>,
      %get3A_60 = arith.constant 0 : index
      %get3A_61 = arith.constant 0 : index
      %get3A_62 = vector.load %arg17[%get3A_60, %get3A_61] : memref<1x64xf32, #tpu.memory_space<vmem>>, vector<1x64xf32>
      %mul3A_63 = arith.mulf %mul3A_47, %mul3A_47 : vector<1000x64xf32>
      %reduce_sum3A_64 = arith.constant dense<0.000000e+00> : vector<64xf32>
      %reduce_sum3A_65 = vector.multi_reduction <add>, %mul3A_63, %reduce_sum3A_64 [0] : vector<1000x64xf32> to vector<64xf32>
      %broadcast_in_dim3A_66 = vector.shape_cast %reduce_sum3A_65 : vector<64xf32> to vector<1x64xf32>
      %add3A_67 = arith.addf %get3A_62, %broadcast_in_dim3A_66 : vector<1x64xf32>
      %swap3A_68 = arith.constant 0 : index
      %swap3A_69 = arith.constant 0 : index
      %swap3A_70 = vector.load %arg17[%swap3A_68, %swap3A_69] : memref<1x64xf32, #tpu.memory_space<vmem>>, vector<1x64xf32>
      tpu.vector_store %arg17[%swap3A_68, %swap3A_69], %add3A_67 {strides = array<i32>} : memref<1x64xf32, #tpu.memory_space<vmem>>, vector<1x64xf32>,
    } else {
    }
    %eq3A_9 = arith.constant 1 : i32
    %eq3A_10 = arith.cmpi eq, %arg0, %eq3A_9 : i32
    %eq3A_11 = arith.constant 0 : i32
    %eq3A_12 = arith.cmpi eq, %arg1, %eq3A_11 : i32
    %and3A_13 = arith.andi %eq3A_10, %eq3A_12 : i1
    %convert_element_type3A_14 = arith.extui %and3A_13 : i1 to i32
    %cond3A_15 = arith.constant 0 : i32
    %cond3A_16 = arith.cmpi ne, %convert_element_type3A_14, %cond3A_15 : i32
    scf.if %cond3A_16 {
      %get3A = arith.constant 0 : index
      %get3A_35 = arith.constant 0 : index
      %get3A_36 = vector.load %arg16[%get3A, %get3A_35] : memref<1x64xf32, #tpu.memory_space<vmem>>, vector<1x64xf32>
      %mul3A = arith.constant 9.99999974E-5 : f32
      %mul3A_37 = vector.broadcast %mul3A : f32 to vector<1x64xf32>
      %mul3A_38 = arith.mulf %get3A_36, %mul3A_37 : vector<1x64xf32>
      %get3A_39 = arith.constant 0 : index
      %get3A_40 = arith.constant 0 : index
      %get3A_41 = vector.load %arg17[%get3A_39, %get3A_40] : memref<1x64xf32, #tpu.memory_space<vmem>>, vector<1x64xf32>
      %mul3A_42 = arith.constant 9.99999974E-5 : f32
      %mul3A_43 = vector.broadcast %mul3A_42 : f32 to vector<1x64xf32>
      %mul3A_44 = arith.mulf %get3A_41, %mul3A_43 : vector<1x64xf32>
      %mul3A_45 = arith.mulf %mul3A_38, %mul3A_38 : vector<1x64xf32>
      %sub3A = arith.subf %mul3A_44, %mul3A_45 : vector<1x64xf32>
      %get3A_46 = arith.constant 0 : index
      %get3A_47 = arith.constant 0 : index
      %get3A_48 = vector.load %arg5[%get3A_46, %get3A_47] : memref<1x64xf32, #tpu.memory_space<vmem>>, vector<1x64xf32>
      %add3A = arith.constant 9.99999974E-6 : f32
      %add3A_49 = vector.broadcast %add3A : f32 to vector<1x64xf32>
      %add3A_50 = arith.addf %sub3A, %add3A_49 : vector<1x64xf32>
      %rsqrt3A = math.rsqrt %add3A_50 : vector<1x64xf32>
      %mul3A_51 = arith.mulf %get3A_48, %rsqrt3A : vector<1x64xf32>
      %swap3A = arith.constant 0 : index
      %swap3A_52 = arith.constant 0 : index
      %swap3A_53 = vector.load %arg22[%swap3A, %swap3A_52] : memref<2x64xf32, #tpu.memory_space<vmem>>, vector<1x64xf32>
      tpu.vector_store %arg22[%swap3A, %swap3A_52], %mul3A_51 {strides = array<i32>} : memref<2x64xf32, #tpu.memory_space<vmem>>, vector<1x64xf32>,
      %get3A_54 = arith.constant 0 : index
      %get3A_55 = arith.constant 0 : index
      %get3A_56 = vector.load %arg6[%get3A_54, %get3A_55] : memref<1x64xf32, #tpu.memory_space<vmem>>, vector<1x64xf32>
      %mul3A_57 = arith.mulf %mul3A_38, %mul3A_51 : vector<1x64xf32>
      %sub3A_58 = arith.subf %get3A_56, %mul3A_57 : vector<1x64xf32>
      %swap3A_59 = arith.constant 1 : index
      %swap3A_60 = arith.constant 0 : index
      %swap3A_61 = vector.load %arg22[%swap3A_59, %swap3A_60] : memref<2x64xf32, #tpu.memory_space<vmem>>, vector<1x64xf32>
      tpu.vector_store %arg22[%swap3A_59, %swap3A_60], %sub3A_58 {strides = array<i32>} : memref<2x64xf32, #tpu.memory_space<vmem>>, vector<1x64xf32>,
    } else {
    }
    %eq3A_17 = arith.constant 1 : i32
    %eq3A_18 = arith.cmpi eq, %arg0, %eq3A_17 : i32
    %convert_element_type3A_19 = arith.extui %eq3A_18 : i1 to i32
    %cond3A_20 = arith.constant 0 : i32
    %cond3A_21 = arith.cmpi ne, %convert_element_type3A_19, %cond3A_20 : i32
    scf.if %cond3A_21 {
      %mul3A = arith.constant 1000 : i32
      %mul3A_35 = arith.muli %arg1, %mul3A : i32
      %get3A = arith.index_cast %mul3A_35 : i32 to index
      %get3A_36 = arith.constant 0 : index
      %get3A_37 = vector.load %arg14[%get3A, %get3A_36] : memref<10000x64xf32, #tpu.memory_space<vmem>>, vector<1000x64xf32>
      %get3A_38 = arith.constant 0 : index
      %get3A_39 = arith.constant 0 : index
      %get3A_40 = vector.load %arg22[%get3A_38, %get3A_39] : memref<2x64xf32, #tpu.memory_space<vmem>>, vector<1x64xf32>
      %mul3A_41 = vector.broadcast %get3A_40 : vector<1x64xf32> to vector<1000x64xf32>
      %mul3A_42 = arith.mulf %get3A_37, %mul3A_41 : vector<1000x64xf32>
      %get3A_43 = arith.constant 1 : index
      %get3A_44 = arith.constant 0 : index
      %get3A_45 = vector.load %arg22[%get3A_43, %get3A_44] : memref<2x64xf32, #tpu.memory_space<vmem>>, vector<1x64xf32>
      %add3A = vector.broadcast %get3A_45 : vector<1x64xf32> to vector<1000x64xf32>
      %add3A_46 = arith.addf %mul3A_42, %add3A : vector<1000x64xf32>
      %max3A = arith.constant 0.000000e+00 : f32
      %max3A_47 = vector.broadcast %max3A : f32 to vector<1000x64xf32>
      %max3A_48 = arith.maximumf %add3A_46, %max3A_47 : vector<1000x64xf32>
      %mul3A_49 = arith.constant 1000 : i32
      %mul3A_50 = arith.muli %arg1, %mul3A_49 : i32
      %swap3A = arith.index_cast %mul3A_50 : i32 to index
      %swap3A_51 = arith.constant 0 : index
      %swap3A_52 = vector.load %arg15[%swap3A, %swap3A_51] : memref<10000x64xf32, #tpu.memory_space<vmem>>, vector<1000x64xf32>
      tpu.vector_store %arg15[%swap3A, %swap3A_51], %max3A_48 {strides = array<i32>} : memref<10000x64xf32, #tpu.memory_space<vmem>>, vector<1000x64xf32>,
      %get3A_53 = arith.constant 0 : index
      %get3A_54 = arith.constant 0 : index
      %get3A_55 = vector.load %arg18[%get3A_53, %get3A_54] : memref<1x64xf32, #tpu.memory_space<vmem>>, vector<1x64xf32>
      %reduce_sum3A = arith.constant dense<0.000000e+00> : vector<64xf32>
      %reduce_sum3A_56 = vector.multi_reduction <add>, %max3A_48, %reduce_sum3A [0] : vector<1000x64xf32> to vector<64xf32>
      %broadcast_in_dim3A = vector.shape_cast %reduce_sum3A_56 : vector<64xf32> to vector<1x64xf32>
      %add3A_57 = arith.addf %get3A_55, %broadcast_in_dim3A : vector<1x64xf32>
      %swap3A_58 = arith.constant 0 : index
      %swap3A_59 = arith.constant 0 : index
      %swap3A_60 = vector.load %arg18[%swap3A_58, %swap3A_59] : memref<1x64xf32, #tpu.memory_space<vmem>>, vector<1x64xf32>
      tpu.vector_store %arg18[%swap3A_58, %swap3A_59], %add3A_57 {strides = array<i32>} : memref<1x64xf32, #tpu.memory_space<vmem>>, vector<1x64xf32>,
      %get3A_61 = arith.constant 0 : index
      %get3A_62 = arith.constant 0 : index
      %get3A_63 = vector.load %arg19[%get3A_61, %get3A_62] : memref<64x64xf32, #tpu.memory_space<vmem>>, vector<64x64xf32>
      %dot_general3A = arith.constant dense<0.000000e+00> : vector<64x64xf32>
      %dot_general3A_64 = tpu.matmul %max3A_48, %max3A_48, %dot_general3A {dimension_numbers = #tpu.dot_dimension_numbers<[0], [0], [1], [1], [0, 1, 1, 1], [], []>, transpose_lhs_hint = false} : vector<1000x64xf32>, vector<1000x64xf32>, vector<64x64xf32> -> vector<64x64xf32>
      %add3A_65 = arith.addf %get3A_63, %dot_general3A_64 : vector<64x64xf32>
      %swap3A_66 = arith.constant 0 : index
      %swap3A_67 = arith.constant 0 : index
      %swap3A_68 = vector.load %arg19[%swap3A_66, %swap3A_67] : memref<64x64xf32, #tpu.memory_space<vmem>>, vector<64x64xf32>
      tpu.vector_store %arg19[%swap3A_66, %swap3A_67], %add3A_65 {strides = array<i32>} : memref<64x64xf32, #tpu.memory_space<vmem>>, vector<64x64xf32>,
      %iota3A = tpu.iota {dimensions = array<i32: 1>} : vector<1x64xi32>
      %get3A_69 = arith.constant 0 : index
      %get3A_70 = arith.constant 0 : index
      %get3A_71 = vector.load %arg4[%get3A_69, %get3A_70] : memref<1000x1xi32, #tpu.memory_space<vmem>>, vector<1000x1xi32>
      %eq3A_72 = vector.broadcast %get3A_71 : vector<1000x1xi32> to vector<1000x64xi32>
      %eq3A_73 = vector.broadcast %iota3A : vector<1x64xi32> to vector<1000x64xi32>
      %eq3A_74 = arith.cmpi eq, %eq3A_72, %eq3A_73 : vector<1000x64xi32>
      %convert_element_type3A_75 = arith.extui %eq3A_74 : vector<1000x64xi1> to vector<1000x64xi32>
      %convert_element_type3A_76 = arith.sitofp %convert_element_type3A_75 : vector<1000x64xi32> to vector<1000x64xf32>
      %get3A_77 = arith.constant 0 : index
      %get3A_78 = arith.constant 0 : index
      %get3A_79 = vector.load %arg20[%get3A_77, %get3A_78] : memref<64x64xf32, #tpu.memory_space<vmem>>, vector<64x64xf32>
      %dot_general3A_80 = arith.constant dense<0.000000e+00> : vector<64x64xf32>
      %dot_general3A_81 = tpu.matmul %convert_element_type3A_76, %max3A_48, %dot_general3A_80 {dimension_numbers = #tpu.dot_dimension_numbers<[0], [0], [1], [1], [0, 1, 1, 1], [], []>, transpose_lhs_hint = false} : vector<1000x64xf32>, vector<1000x64xf32>, vector<64x64xf32> -> vector<64x64xf32>
      %add3A_82 = arith.addf %get3A_79, %dot_general3A_81 : vector<64x64xf32>
      %swap3A_83 = arith.constant 0 : index
      %swap3A_84 = arith.constant 0 : index
      %swap3A_85 = vector.load %arg20[%swap3A_83, %swap3A_84] : memref<64x64xf32, #tpu.memory_space<vmem>>, vector<64x64xf32>
      tpu.vector_store %arg20[%swap3A_83, %swap3A_84], %add3A_82 {strides = array<i32>} : memref<64x64xf32, #tpu.memory_space<vmem>>, vector<64x64xf32>,
      %broadcast_in_dim3A_86 = arith.constant 1.000000e+00 : f32
      %broadcast_in_dim3A_87 = vector.broadcast %broadcast_in_dim3A_86 : f32 to vector<1000x1xf32>
      %get3A_88 = arith.constant 0 : index
      %get3A_89 = arith.constant 0 : index
      %get3A_90 = vector.load %arg21[%get3A_88, %get3A_89] : memref<64x1xf32, #tpu.memory_space<vmem>>, vector<64x1xf32>
      %dot_general3A_91 = arith.constant dense<0.000000e+00> : vector<64x1xf32>
      %dot_general3A_92 = tpu.matmul %convert_element_type3A_76, %broadcast_in_dim3A_87, %dot_general3A_91 {dimension_numbers = #tpu.dot_dimension_numbers<[0], [0], [1], [1], [0, 1, 1, 1], [], []>, transpose_lhs_hint = false} : vector<1000x64xf32>, vector<1000x1xf32>, vector<64x1xf32> -> vector<64x1xf32>
      %add3A_93 = arith.addf %get3A_90, %dot_general3A_92 : vector<64x1xf32>
      %swap3A_94 = arith.constant 0 : index
      %swap3A_95 = arith.constant 0 : index
      %swap3A_96 = vector.load %arg21[%swap3A_94, %swap3A_95] : memref<64x1xf32, #tpu.memory_space<vmem>>, vector<64x1xf32>
      tpu.vector_store %arg21[%swap3A_94, %swap3A_95], %add3A_93 {strides = array<i32>} : memref<64x1xf32, #tpu.memory_space<vmem>>, vector<64x1xf32>,
    } else {
    }
    %eq3A_22 = arith.constant 2 : i32
    %eq3A_23 = arith.cmpi eq, %arg0, %eq3A_22 : i32
    %eq3A_24 = arith.constant 0 : i32
    %eq3A_25 = arith.cmpi eq, %arg1, %eq3A_24 : i32
    %and3A_26 = arith.andi %eq3A_23, %eq3A_25 : i1
    %convert_element_type3A_27 = arith.extui %and3A_26 : i1 to i32
    %cond3A_28 = arith.constant 0 : i32
    %cond3A_29 = arith.cmpi ne, %convert_element_type3A_27, %cond3A_28 : i32
    scf.if %cond3A_29 {
      %get3A = arith.constant 0 : index
      %get3A_35 = arith.constant 0 : index
      %get3A_36 = vector.load %arg7[%get3A, %get3A_35] : memref<64x256xf32, #tpu.memory_space<vmem>>, vector<64x256xf32>
      %get3A_37 = arith.constant 0 : index
      %get3A_38 = arith.constant 0 : index
      %get3A_39 = vector.load %arg18[%get3A_37, %get3A_38] : memref<1x64xf32, #tpu.memory_space<vmem>>, vector<1x64xf32>
      %mul3A = arith.constant 9.99999974E-5 : f32
      %mul3A_40 = vector.broadcast %mul3A : f32 to vector<1x64xf32>
      %mul3A_41 = arith.mulf %get3A_39, %mul3A_40 : vector<1x64xf32>
      %dot_general3A = arith.constant dense<0.000000e+00> : vector<1x256xf32>
      %dot_general3A_42 = tpu.matmul %mul3A_41, %get3A_36, %dot_general3A {dimension_numbers = #tpu.dot_dimension_numbers<[1], [0], [0], [1], [0, 0, 1, 1], [], []>, transpose_lhs_hint = false} : vector<1x64xf32>, vector<64x256xf32>, vector<1x256xf32> -> vector<1x256xf32>
      %get3A_43 = arith.constant 0 : index
      %get3A_44 = arith.constant 0 : index
      %get3A_45 = vector.load %arg19[%get3A_43, %get3A_44] : memref<64x64xf32, #tpu.memory_space<vmem>>, vector<64x64xf32>
      %mul3A_46 = arith.constant 9.99999974E-5 : f32
      %mul3A_47 = vector.broadcast %mul3A_46 : f32 to vector<64x64xf32>
      %mul3A_48 = arith.mulf %get3A_45, %mul3A_47 : vector<64x64xf32>
      %dot_general3A_49 = arith.constant dense<0.000000e+00> : vector<64x64xf32>
      %dot_general3A_50 = tpu.matmul %mul3A_41, %mul3A_41, %dot_general3A_49 {dimension_numbers = #tpu.dot_dimension_numbers<[0], [0], [1], [1], [0, 1, 1, 1], [], []>, transpose_lhs_hint = false} : vector<1x64xf32>, vector<1x64xf32>, vector<64x64xf32> -> vector<64x64xf32>
      %sub3A = arith.subf %mul3A_48, %dot_general3A_50 : vector<64x64xf32>
      %dot_general3A_51 = arith.constant dense<0.000000e+00> : vector<64x256xf32>
      %dot_general3A_52 = tpu.matmul %sub3A, %get3A_36, %dot_general3A_51 {dimension_numbers = #tpu.dot_dimension_numbers<[1], [0], [0], [1], [0, 0, 1, 1], [], []>, transpose_lhs_hint = false} : vector<64x64xf32>, vector<64x256xf32>, vector<64x256xf32> -> vector<64x256xf32>
      %mul3A_53 = arith.mulf %get3A_36, %dot_general3A_52 : vector<64x256xf32>
      %reduce_sum3A = arith.constant dense<0.000000e+00> : vector<256xf32>
      %reduce_sum3A_54 = vector.multi_reduction <add>, %mul3A_53, %reduce_sum3A [0] : vector<64x256xf32> to vector<256xf32>
      %broadcast_in_dim3A = vector.shape_cast %reduce_sum3A_54 : vector<256xf32> to vector<1x256xf32>
      %get3A_55 = arith.constant 0 : index
      %get3A_56 = arith.constant 0 : index
      %get3A_57 = vector.load %arg8[%get3A_55, %get3A_56] : memref<1x256xf32, #tpu.memory_space<vmem>>, vector<1x256xf32>
      %add3A = arith.constant 9.99999974E-6 : f32
      %add3A_58 = vector.broadcast %add3A : f32 to vector<1x256xf32>
      %add3A_59 = arith.addf %broadcast_in_dim3A, %add3A_58 : vector<1x256xf32>
      %rsqrt3A = math.rsqrt %add3A_59 : vector<1x256xf32>
      %mul3A_60 = arith.mulf %get3A_57, %rsqrt3A : vector<1x256xf32>
      %swap3A = arith.constant 0 : index
      %swap3A_61 = arith.constant 0 : index
      %swap3A_62 = vector.load %arg23[%swap3A, %swap3A_61] : memref<2x256xf32, #tpu.memory_space<vmem>>, vector<1x256xf32>
      tpu.vector_store %arg23[%swap3A, %swap3A_61], %mul3A_60 {strides = array<i32>} : memref<2x256xf32, #tpu.memory_space<vmem>>, vector<1x256xf32>,
      %get3A_63 = arith.constant 0 : index
      %get3A_64 = arith.constant 0 : index
      %get3A_65 = vector.load %arg9[%get3A_63, %get3A_64] : memref<1x256xf32, #tpu.memory_space<vmem>>, vector<1x256xf32>
      %mul3A_66 = arith.mulf %dot_general3A_42, %mul3A_60 : vector<1x256xf32>
      %sub3A_67 = arith.subf %get3A_65, %mul3A_66 : vector<1x256xf32>
      %swap3A_68 = arith.constant 1 : index
      %swap3A_69 = arith.constant 0 : index
      %swap3A_70 = vector.load %arg23[%swap3A_68, %swap3A_69] : memref<2x256xf32, #tpu.memory_space<vmem>>, vector<1x256xf32>
      tpu.vector_store %arg23[%swap3A_68, %swap3A_69], %sub3A_67 {strides = array<i32>} : memref<2x256xf32, #tpu.memory_space<vmem>>, vector<1x256xf32>,
      %get3A_71 = arith.constant 0 : index
      %get3A_72 = arith.constant 0 : index
      %get3A_73 = vector.load %arg20[%get3A_71, %get3A_72] : memref<64x64xf32, #tpu.memory_space<vmem>>, vector<64x64xf32>
      %get3A_74 = arith.constant 0 : index
      %get3A_75 = arith.constant 0 : index
      %get3A_76 = vector.load %arg21[%get3A_74, %get3A_75] : memref<64x1xf32, #tpu.memory_space<vmem>>, vector<64x1xf32>
      %max3A = arith.constant 1.000000e+00 : f32
      %max3A_77 = vector.broadcast %max3A : f32 to vector<64x1xf32>
      %max3A_78 = arith.maximumf %get3A_76, %max3A_77 : vector<64x1xf32>
      %div3A = vector.broadcast %max3A_78 : vector<64x1xf32> to vector<64x64xf32>
      %div3A_79 = arith.divf %get3A_73, %div3A : vector<64x64xf32>
      %swap3A_80 = arith.constant 0 : index
      %swap3A_81 = arith.constant 0 : index
      %swap3A_82 = vector.load %arg13[%swap3A_80, %swap3A_81] : memref<64x64xf32, #tpu.memory_space<vmem>>, vector<64x64xf32>
      tpu.vector_store %arg13[%swap3A_80, %swap3A_81], %div3A_79 {strides = array<i32>} : memref<64x64xf32, #tpu.memory_space<vmem>>, vector<64x64xf32>,
    } else {
    }
    %eq3A_30 = arith.constant 2 : i32
    %eq3A_31 = arith.cmpi eq, %arg0, %eq3A_30 : i32
    %convert_element_type3A_32 = arith.extui %eq3A_31 : i1 to i32
    %cond3A_33 = arith.constant 0 : i32
    %cond3A_34 = arith.cmpi ne, %convert_element_type3A_32, %cond3A_33 : i32
    scf.if %cond3A_34 {
      %mul3A = arith.constant 1000 : i32
      %mul3A_35 = arith.muli %arg1, %mul3A : i32
      %get3A = arith.index_cast %mul3A_35 : i32 to index
      %get3A_36 = arith.constant 0 : index
      %get3A_37 = vector.load %arg15[%get3A, %get3A_36] : memref<10000x64xf32, #tpu.memory_space<vmem>>, vector<1000x64xf32>
      %get3A_38 = arith.constant 0 : index
      %get3A_39 = arith.constant 0 : index
      %get3A_40 = vector.load %arg7[%get3A_38, %get3A_39] : memref<64x256xf32, #tpu.memory_space<vmem>>, vector<64x256xf32>
      %dot_general3A = arith.constant dense<0.000000e+00> : vector<1000x256xf32>
      %dot_general3A_41 = tpu.matmul %get3A_37, %get3A_40, %dot_general3A {dimension_numbers = #tpu.dot_dimension_numbers<[1], [0], [0], [1], [0, 0, 1, 1], [], []>, transpose_lhs_hint = false} : vector<1000x64xf32>, vector<64x256xf32>, vector<1000x256xf32> -> vector<1000x256xf32>
      %get3A_42 = arith.constant 0 : index
      %get3A_43 = arith.constant 0 : index
      %get3A_44 = vector.load %arg23[%get3A_42, %get3A_43] : memref<2x256xf32, #tpu.memory_space<vmem>>, vector<1x256xf32>
      %mul3A_45 = vector.broadcast %get3A_44 : vector<1x256xf32> to vector<1000x256xf32>
      %mul3A_46 = arith.mulf %dot_general3A_41, %mul3A_45 : vector<1000x256xf32>
      %get3A_47 = arith.constant 1 : index
      %get3A_48 = arith.constant 0 : index
      %get3A_49 = vector.load %arg23[%get3A_47, %get3A_48] : memref<2x256xf32, #tpu.memory_space<vmem>>, vector<1x256xf32>
      %add3A = vector.broadcast %get3A_49 : vector<1x256xf32> to vector<1000x256xf32>
      %add3A_50 = arith.addf %mul3A_46, %add3A : vector<1000x256xf32>
      %max3A = arith.constant 0.000000e+00 : f32
      %max3A_51 = vector.broadcast %max3A : f32 to vector<1000x256xf32>
      %max3A_52 = arith.maximumf %add3A_50, %max3A_51 : vector<1000x256xf32>
      %get3A_53 = arith.constant 0 : index
      %get3A_54 = arith.constant 0 : index
      %get3A_55 = vector.load %arg10[%get3A_53, %get3A_54] : memref<256x128xf32, #tpu.memory_space<vmem>>, vector<256x128xf32>
      %dot_general3A_56 = arith.constant dense<0.000000e+00> : vector<1000x128xf32>
      %dot_general3A_57 = tpu.matmul %max3A_52, %get3A_55, %dot_general3A_56 {dimension_numbers = #tpu.dot_dimension_numbers<[1], [0], [0], [1], [0, 0, 1, 1], [], []>, transpose_lhs_hint = false} : vector<1000x256xf32>, vector<256x128xf32>, vector<1000x128xf32> -> vector<1000x128xf32>
      %get3A_58 = arith.constant 0 : index
      %get3A_59 = arith.constant 0 : index
      %get3A_60 = vector.load %arg11[%get3A_58, %get3A_59] : memref<1x128xf32, #tpu.memory_space<vmem>>, vector<1x128xf32>
      %add3A_61 = vector.broadcast %get3A_60 : vector<1x128xf32> to vector<1000x128xf32>
      %add3A_62 = arith.addf %dot_general3A_57, %add3A_61 : vector<1000x128xf32>
      %swap3A = arith.constant 0 : index
      %swap3A_63 = arith.constant 0 : index
      %swap3A_64 = vector.load %arg12[%swap3A, %swap3A_63] : memref<1000x128xf32, #tpu.memory_space<vmem>>, vector<1000x128xf32>
      tpu.vector_store %arg12[%swap3A, %swap3A_63], %add3A_62 {strides = array<i32>} : memref<1000x128xf32, #tpu.memory_space<vmem>>, vector<1000x128xf32>,
    } else {
    }
    return
  }
  func.func @transform_0(%arg0: i32, %arg1: i32) -> (i32, i32, i32) {
    %eq3A = arith.constant 0 : i32
    %eq3A_0 = arith.cmpi eq, %arg0, %eq3A : i32
    %jit3A = arith.constant 0 : i32
    %select_n3A = arith.select %eq3A_0, %arg1, %jit3A : i32
    %c0_i32 = arith.constant 0 : i32
    %c0_i32_1 = arith.constant 0 : i32
    %c0_i32_2 = arith.constant 0 : i32
    return %c0_i32, %select_n3A, %c0_i32_1 : i32, i32, i32
  }
  func.func @transform_1(%arg0: i32, %arg1: i32) -> (i32, i32) {
    %eq3A = arith.constant 0 : i32
    %eq3A_0 = arith.cmpi eq, %arg0, %eq3A : i32
    %jit3A = arith.constant 0 : i32
    %select_n3A = arith.select %eq3A_0, %arg1, %jit3A : i32
    %c0_i32 = arith.constant 0 : i32
    %c0_i32_1 = arith.constant 0 : i32
    return %select_n3A, %c0_i32 : i32, i32
  }
  func.func @transform_2(%arg0: i32, %arg1: i32) -> (i32, i32) {
    %eq3A = arith.constant 1 : i32
    %eq3A_0 = arith.cmpi eq, %arg0, %eq3A : i32
    %jit3A = arith.constant 0 : i32
    %select_n3A = arith.select %eq3A_0, %arg1, %jit3A : i32
    %c0_i32 = arith.constant 0 : i32
    %c0_i32_1 = arith.constant 0 : i32
    return %select_n3A, %c0_i32 : i32, i32
  }
  func.func @transform_3(%arg0: i32, %arg1: i32) -> (i32, i32) {
    %c0_i32 = arith.constant 0 : i32
    %c0_i32_0 = arith.constant 0 : i32
    %c0_i32_1 = arith.constant 0 : i32
    return %c0_i32, %c0_i32_0 : i32, i32
  }
  func.func @transform_4(%arg0: i32, %arg1: i32) -> (i32, i32) {
    %c0_i32 = arith.constant 0 : i32
    %c0_i32_0 = arith.constant 0 : i32
    %c0_i32_1 = arith.constant 0 : i32
    return %c0_i32, %c0_i32_0 : i32, i32
  }
  func.func @transform_5(%arg0: i32, %arg1: i32) -> (i32, i32) {
    %c0_i32 = arith.constant 0 : i32
    %c0_i32_0 = arith.constant 0 : i32
    %c0_i32_1 = arith.constant 0 : i32
    return %c0_i32, %c0_i32_0 : i32, i32
  }
  func.func @transform_6(%arg0: i32, %arg1: i32) -> (i32, i32) {
    %c0_i32 = arith.constant 0 : i32
    %c0_i32_0 = arith.constant 0 : i32
    %c0_i32_1 = arith.constant 0 : i32
    return %c0_i32, %c0_i32_0 : i32, i32
  }
  func.func @transform_7(%arg0: i32, %arg1: i32) -> (i32, i32) {
    %c0_i32 = arith.constant 0 : i32
    %c0_i32_0 = arith.constant 0 : i32
    %c0_i32_1 = arith.constant 0 : i32
    return %c0_i32, %c0_i32_0 : i32, i32
  }
  func.func @transform_8(%arg0: i32, %arg1: i32) -> (i32, i32) {
    %c0_i32 = arith.constant 0 : i32
    %c0_i32_0 = arith.constant 0 : i32
    %c0_i32_1 = arith.constant 0 : i32
    return %c0_i32, %c0_i32_0 : i32, i32
  }
  func.func @transform_9(%arg0: i32, %arg1: i32) -> (i32, i32) {
    %c0_i32 = arith.constant 0 : i32
    %c0_i32_0 = arith.constant 0 : i32
    %c0_i32_1 = arith.constant 0 : i32
    return %c0_i32, %c0_i32_0 : i32, i32
  }
  func.func @transform_10(%arg0: i32, %arg1: i32) -> (i32, i32) {
    %c0_i32 = arith.constant 0 : i32
    %c0_i32_0 = arith.constant 0 : i32
    return %arg1, %c0_i32 : i32, i32
  }
  func.func @transform_11(%arg0: i32, %arg1: i32) -> (i32, i32) {
    %c0_i32 = arith.constant 0 : i32
    %c0_i32_0 = arith.constant 0 : i32
    %c0_i32_1 = arith.constant 0 : i32
    return %c0_i32, %c0_i32_0 : i32, i32
  }
}

</mosaic_0001>

<sc_bundles>
// kernel: kernel.11.cloned.1.call-start
scs
__scs_entry_jumppad:
0x0: {  	(pc) =	sbr.rel $0x88, $3  }
0x1: {  	(tag) =	ssettag $0x0;
	lr =	simm.s32 $0x1  }
0x2: {  	[smem:$0x3F93] =	sst lr;
	_ =	strace $0xD0000000  }
0x3: {  	_ = 	snop  }
0x4: {  	_ = 	snop  }
0x5: {  	_ = 	snop  }
0x6: {  	_ = 	snop  }
0x7: {  	_ = 	snop  }
__scs_overlays_trampoline_lowered:
0x8: {  	[smem:$0x3FA2] =	sst s0  }
0x9: {  	[smem:$0x3FA3] =	sst s1  }
0xa: {  	[smem:$0x3FA4] =	sst s2  }
0xb: {  	[smem:$0x3FA5] =	sst s3  }
0xc: {  	[smem:$0x3FA6] =	sst s4  }
0xd: {  	[smem:$0x3FA7] =	sst s5  }
0xe: {  	[smem:$0x3FA8] =	sst s6  }
0xf: {  	[smem:$0x3FA9] =	sst s7  }
0x10: {  	[smem:$0x3FAA] =	sst s8  }
0x11: {  	[smem:$0x3FAB] =	sst s9;
	s0 =	simm.s32 @!p0 $0x0  }
0x12: {  	s1 =	sld [smem:$0x3F91];
	s0 =	simm.s32 @p0 $0x1  }
0x13: {  	[smem:$0x3FAC] =	sst s0;
	s0 =	simm.s32 @!p1 $0x0  }
0x14: {  	s2 =	sld [smem:$0x3F90];
	s0 =	simm.s32 @p1 $0x1  }
0x15: {  	[smem:$0x3FAD] =	sst s0;
	s0 =	simm.s32 @!p2 $0x0  }
0x16: {  	s3 =	sld [smem:$0x3FDB];
	s0 =	simm.s32 @p2 $0x1  }
0x17: {  	s4 =	simm.s32 $0x1BF5;
	[smem:$0x3FAF] =	sst s0  }
0x18: {  	s0 =	sld [smem:$0x3F92];
	_ =	swait.ge [sflag:s4], $0x0  }
0x19: {  	s7 =	sld [smem:$0x3F93]  }
0x1a: {  	s8 =	sadd.s32 $0xFFFFE003, lr  }
0x1b: {  	s9 =	sadd.s32 $0xFFFFFEF7, lr;
	s5 =	simm.s32 $0xFFFFFFFF;
	p2 =	slt.u32 s8, $0xFFFFF086  }
0x1c: {  	p1 =	slt.u32 s9, $0xF7A;
	s5 =	simm.s32 @!p2 $0x0  }
0x1d: {  	s5 =	simm.s32 @p1 $0x1;
	p0 =	seq.s32 s7, s2  }
0x1e: {  	s7 =	smul.u32 @!p0 $0xF7A, s2;
	p2 =	seq.s32 @!p0 s5, $0x0  }
0x1f: {  	s9 =	smul.u32 $0xF7A, s1;
	s8 =	simm.s32 @!p0 $0x1BF5;
	p2 =	por !p2, p0  }
0x20: {  	[sflag:s8] =	ssyncset.s32 @!p0 $0xFFFFF086;
	s6 =	sadd.s32 @!p0 s3, s7;
	s7 =	simm.s32 @!p0 $0x108  }
0x21: {  	s3 =	sadd.s32 s3, s9;
	s6 =	sadd.s32 @!p0 $0x88, s6;
	s7 =	simm.s32 @p2 $0x1082  }
0x22: {  	[simem:s7], [sflag:s8] =	dma.local @!p0 [hbm:s6], $0xF7A  }
0x23: {  	s9 =	sor.u32 $0xD0000000, s2;
	s6 =	simm.s32 $0x108;
	_ =	swait.ge @!p0 [sflag:s8], $0x0  }
0x24: {  	s3 =	sadd.s32 $0x88, s3;
	s6 =	simm.s32 @!p1 $0x1082;
	[sflag:s4] =	ssyncset.s32 $0xFFFFF086  }
0x25: {  	[simem:s6], [sflag:s4] =	dma.local [hbm:s3], $0xF7A  }
0x26: {  	[smem:$0x3F93] =	sst s1;
	(tag) =	ssettag s2;
	_ =	strace s9  }
0x27: {  	s1 =	sld [smem:$0x3FA3]  }
0x28: {  	s2 =	sld [smem:$0x3FA4]  }
0x29: {  	s4 =	sld [smem:$0x3FA6]  }
0x2a: {  	p0 =	seq.s32 s5, $0x0;
	s5 =	sld [smem:$0x3FA7]  }
0x2b: {  	s6 =	sld [smem:$0x3FA8]  }
0x2c: {  	s7 =	sld [smem:$0x3FA9]  }
0x2d: {  	s3 =	simm.s32 $0x108;
	s8 =	sld [smem:$0x3FAA]  }
0x2e: {  	s3 =	simm.s32 @!p0 $0x1082;
	s9 =	sld [smem:$0x3FAB]  }
0x2f: {  	lr =	sadd.s32 s0, s3;
	s0 =	sld [smem:$0x3FA2]  }
0x30: {  	s3 =	sld [smem:$0x3FA5]  }
0x31: {  	[smem:$0x3FAE] =	sst s10  }
0x32: {  	s10 =	sld [smem:$0x3FAC];
	_ =	sdelay $0x3  }
0x33: {  	p0 =	seq.s32 s10, $0x1;
	s10 =	sld [smem:$0x3FAE];
	_ =	sdelay $0x3  }
0x34: {  	[smem:$0x3FAE] =	sst s10  }
0x35: {  	s10 =	sld [smem:$0x3FAD];
	_ =	sdelay $0x3  }
0x36: {  	p1 =	seq.s32 s10, $0x1;
	s10 =	sld [smem:$0x3FAE];
	_ =	sdelay $0x3  }
0x37: {  	[smem:$0x3FAE] =	sst s10  }
0x38: {  	s10 =	sld [smem:$0x3FAF]  }
0x39: {  	_ = 	snop;
	(pc) =	sbr.ind lr, $3  }
0x3a: {  	_ = 	snop  }
0x3b: {  	_ = 	snop  }
0x3c: {  	p2 =	seq.s32 s10, $0x1;
	s10 =	sld [smem:$0x3FAE]  }
0x3d: {  	_ =	shalt  }
0x3e: {  	_ =	shalt  }
0x3f: {  	_ =	shalt  }
0x40: {  	_ =	shalt  }
0x41: {  	_ =	shalt  }
0x42: {  	_ =	shalt  }
0x43: {  	_ =	shalt  }
0x44: {  	_ =	shalt  }
0x45: {  	_ =	shalt  }
0x46: {  	_ =	shalt  }
0x47: {  	_ =	shalt  }
0x48: {  	_ =	shalt  }
0x49: {  	_ =	shalt  }
0x4a: {  	_ =	shalt  }
0x4b: {  	_ =	shalt  }
0x4c: {  	_ =	shalt  }
0x4d: {  	_ =	shalt  }
0x4e: {  	_ =	shalt  }
0x4f: {  	_ =	shalt  }
0x50: {  	_ =	shalt  }
0x51: {  	_ =	shalt  }
0x52: {  	_ =	shalt  }
0x53: {  	_ =	shalt  }
0x54: {  	_ =	shalt  }
0x55: {  	_ =	shalt  }
0x56: {  	_ =	shalt  }
0x57: {  	_ =	shalt  }
0x58: {  	_ =	shalt  }
0x59: {  	_ =	shalt  }
0x5a: {  	_ =	shalt  }
0x5b: {  	_ =	shalt  }
0x5c: {  	_ =	shalt  }
0x5d: {  	_ =	shalt  }
0x5e: {  	_ =	shalt  }
0x5f: {  	_ =	shalt  }
0x60: {  	_ =	shalt  }
0x61: {  	_ =	shalt  }
0x62: {  	_ =	shalt  }
0x63: {  	_ =	shalt  }
0x64: {  	_ =	shalt  }
0x65: {  	_ =	shalt  }
0x66: {  	_ =	shalt  }
0x67: {  	_ =	shalt  }
0x68: {  	_ =	shalt  }
0x69: {  	_ =	shalt  }
0x6a: {  	_ =	shalt  }
0x6b: {  	_ =	shalt  }
0x6c: {  	_ =	shalt  }
0x6d: {  	_ =	shalt  }
0x6e: {  	_ =	shalt  }
0x6f: {  	_ =	shalt  }
0x70: {  	_ =	shalt  }
0x71: {  	_ =	shalt  }
0x72: {  	_ =	shalt  }
0x73: {  	_ =	shalt  }
0x74: {  	_ =	shalt  }
0x75: {  	_ =	shalt  }
0x76: {  	_ =	shalt  }
0x77: {  	_ =	shalt  }
0x78: {  	_ =	shalt  }
0x79: {  	_ =	shalt  }
0x7a: {  	_ =	shalt  }
0x7b: {  	_ =	shalt  }
0x7c: {  	_ =	shalt  }
0x7d: {  	_ =	shalt  }
0x7e: {  	_ =	shalt  }
0x7f: {  	_ =	shalt  }
0x80: {  	_ =	shalt  }
0x81: {  	_ =	shalt  }
0x82: {  	_ =	shalt  }
0x83: {  	_ =	shalt  }
0x84: {  	_ =	shalt  }
0x85: {  	_ =	shalt  }
0x86: {  	_ =	shalt  }
0x87: {  	_ =	shalt  }
.Lfunc_end0:
.L_simem_size_0:
called_computation.1_lowered:
.L_overlay_start_0:
0x88: {  	s2 =	sld [smem:$0x3FD9]  }
0x89: {  	s3 =	sld [smem:$0x3FFE];
	_ =	sdelay $0x1  }
0x8a: {  	s1 =	srdreg.scid  }
0x8b: {  	s0 =	sand.u32 $0x1, s1  }
0x8c: {  	s14 =	sshll.u32 s0, $0xA;
	s2 =	sadd.s32 s3, s2  }
0x8d: {  	s2 =	sadd.s32 s2, s14  }
0x8e: {  	[smem:$0x3FBA] =	sst s2  }
0x8f: {  	_ = 	snop  }
0x90: {  	s2 =	sld [smem:$0x3FD0];
	_ =	sdelay $0x2  }
0x91: {  	s15 =	simm.s32 $0xA;
	s4 =	simm.s32 $0x10  }
0x92: {  	[smem:s4], [sflag:s15] =	dma.local [hbm:s2], $0x1  }
0x93: {  	_ =	swait.eq [sflag:s15], $0x1  }
0x94: {  	[sflag:s15] =	ssyncset.done $0x0  }
0x95: {  	[sflag:s15] =	ssyncadd.s32 $0xFFFFFFFF  }
0x96: {  	s16 =	sld [smem:$0x10];
	(tm) =	ssettm $0x1  }
0x97: {  	s17 =	sld [smem:$0x3FFB];
	_ =	sdelay $0x3  }
0x98: {  	_ =	strace s17  }
0x99: {  	s3 =	sld [smem:$0x3FFC];
	_ =	sdelay $0x3  }
0x9a: {  	_ =	strace s3  }
0x9b: {  	s3 =	sld [smem:$0x3FFD];
	_ =	sdelay $0x3  }
0x9c: {  	_ =	strace s3  }
0x9d: {  	_ =	strace $0x8FFFFFFF  }
0x9e: {  	s18 =	sld [smem:$0x3FDB];
	_ =	sdelay $0x1  }
0x9f: {  	s19 =	simm.s32 $_scs_section_size  }
0xa0: {  	s5 =	simm.s32 $_size__tile_overlayer_lowered;
	s6 =	simm.s32 $_tile_overlayer_lowered  }
0xa1: {  	s22 =	simm.s32 $0x1BFF;
	s21 =	sshll.u32 s6, $0x1;
	s3 =	sadd.s32 s19, s18  }
0xa2: {  	s7 =	simm.s32 $0x0;
	s20 =	sshll.u32 s5, $0x1;
	s5 =	sadd.s32 s21, s3  }
0xa3: {  	[timem:s7], [sflag:s22] =	dma.local [hbm:s5], s20  }
0xa4: {  	_ =	swait.ge [sflag:s22], s20  }
0xa5: {  	s4 =	ssub.s32 $0x0, s20;
	[sflag:s22] =	ssyncset.done $0x0  }
0xa6: {  	[sflag:s22] =	ssyncadd.s32 s4;
	_ =	sdelay $0x1  }
0xa7: {  	s23 =	simm.s32 $0x1B8B  }
0xa8: {  	_ =	swait.ge [sflag:s23], $0x1  }
0xa9: {  	[sflag:s23] =	ssyncset.done $0x0  }
0xaa: {  	s25 =	simm.s32 $0x1B8E;
	s24 =	sld [smem:$0x3FFE];
	[sflag:s23] =	ssyncadd.s32 $0xFFFFFFFF  }
0xab: {  	s26 =	simm.s32 $execute0_lowered;
	[smem:$0x3FD2] =	sst s25  }
0xac: {  	s5 =	sshll.u32 s26, $0x1;
	_ =	strace $0x80000049;
	[dreg:$0x1] =	wrdreg $0xFFFFFFFF  }
0xad: {  	s28 =	simm.s32 $_size_execute0_lowered;
	s3 =	sadd.s32 s3, s5;
	[dreg:$0x0] =	wrdreg $0x0  }
0xae: {  	s5 =	sshll.u32 s28, $0x1;
	[dreg:$0x2] =	wrdreg s3  }
0xaf: {  	[dreg:$0x3] =	wrdreg s5  }
0xb0: {  	[dreg:$0x4] =	wrdreg $0xC0  }
0xb1: {  	_ =	task [dreg:s7], $0x5FFFF  }
0xb2: {  	[dreg:$0x1] =	wrdreg $0xFFFFFFFF  }
0xb3: {  	[dreg:$0x0] =	wrdreg $0x60  }
0xb4: {  	[dreg:$0x2] =	wrdreg s24  }
0xb5: {  	[dreg:$0x3] =	wrdreg s16  }
0xb6: {  	[dreg:$0x4] =	wrdreg $0x0  }
0xb7: {  	[dreg:$0x5] =	wrdreg $0x9  }
0xb8: {  	_ =	task.clear_ibuf [dreg:s7], $0x6FFFF;
	_ =	strace $0x90000049  }
0xb9: {  	s29 =	simm.s32 $0x9;
	_ =	strace $0x8000004B  }
0xba: {  	_ =	swait.ge [sflag:s29], $0x1  }
0xbb: {  	[sflag:s29] =	ssyncadd.s32 $0xFFFFFFFF  }
0xbc: {  	_ =	strace $0x9000004B  }
0xbd: {  	_ =	sfence  }
0xbe: {  	s30 =	sld [smem:$0x0];
	_ =	sdelay $0x2  }
0xbf: {  	s31 =	sshll.u32 s1, $0xD;
	s1 =	sshrl.u32 s1, $0x2  }
0xc0: {  	s3 =	sand.u32 $0x4000, s31;
	s1 =	sadd.s32 s1, s30  }
0xc1: {  	s0 =	sor.u32 s3, s0;
	s1 =	sshll.u32 s1, $0x11  }
0xc2: {  	s0 =	sor.u32 s1, s0  }
0xc3: {  	s0 =	sadd.s32 $0x8F2B, s0  }
0xc4: {  	[sflag:s0] =	ssyncadd.remote.s32 $0x1  }
0xc5: {  	_ =	sfence.sel $0xFFFF  }
0xc6: {  	[dreg:$0x0] =	wrdreg $0xFFFFFFFF;
	(pc) =	sbr.abs _section_cstart, $3  }
0xc7: {  	[dreg:$0x1] =	wrdreg $0xFFFFFFFF  }
0xc8: {  	_ =	task.clear_ibuf [dreg:s7], $0x2FFFF;
	_ =	strace $0x9FFFFFFF  }
0xc9: {  	(tm) =	ssettm $0x7FFFFFFF  }
tec
execute0_lowered:
.L_overlay_start_1:
0x0: {  	(tag) =	ssettag $0x1  }
0x1: {  	s0 =	rddreg [dreg:$0x0]  }
0x2: {  	s1 =	rddreg [dreg:$0x1]  }
0x3: {  	s3 =	rddreg [dreg:$0x2];
	s4 =	simm.s32 $0x0;
	s2 =	srdreg.scid  }
0x4: {  	s12 =	stileid.u32;
	s28 =	simm.s32 $0x14180;
	s29 =	simm.s32 $0x18200  }
0x5: {  	s30 =	simm.s32 $0x1;
	s31 =	simm.s32 $0x2;
	[smem:$0x7FF] =	sst s4  }
0x6: {  	s2 =	sand.u32 $0x1, s2;
	s7 =	smul.u32 $0x2800, s12;
	s5 =	sadd.s32 $0xC600, s0  }
0x7: {  	s6 =	sadd.s32 $0x2800, s0;
	s9 =	sadd.s32 $0x16400, s0;
	s14 =	smul.u32 $0x50000, s12  }
0x8: {  	s13 =	sshll.u32 s12, $0x1;
	s17 =	sshll.u32 s12, $0x6;
	s19 =	smul.u32 $0x4E20, s12  }
0x9: {  	_ =	strace $0x8000004A;
	s8 =	smul.u32 $0x28000, s2;
	s15 =	ssub.s32 $0x2, s2  }
0xa: {  	[dreg:$0x4] =	wrdreg s9;
	s10 =	sshrl.u32 s15, $0x1;
	s16 =	sshrl.u32 s14, $0x2  }
0xb: {  	s7 =	sadd.s32 s7, s8;
	s8 =	sor.u32 s2, s13;
	s2 =	smul.u32 $0x2710, s2  }
0xc: {  	s9 =	sadd.s32 s16, s3;
	s0 =	sadd.s32 s7, s0;
	s11 =	smul.u32 $0x2710, s8  }
0xd: {  	s7 =	ssub.s32 s15, s10;
	s8 =	sor.u32 $0x1C03, s17;
	s0 =	sadd.s32 $0x18C00, s0  }
0xe: {  	s10 =	simm.s32 $0x0;
	s7 =	smax.u32 s7, $0x1;
	[dreg:$0x9] =	wrdreg s0  }
0xf: {  	s2 =	sadd.s32 s2, s19;
	s18 =	sshrl.u32 s11, $0x3;
	[dreg:$0xa] =	wrdreg s7  }
0x10: {  	s25 =	sadd.s32 $0x80, s2;
	s17 =	sadd.s32 $0x100, s2;
	s2 =	simm.s32 $0x1C280  }
0x11: {  	s7 =	simm.s32 $0x10;
	s20 =	sadd.s32 s5, s18;
	s21 =	sadd.s32 $0x4E0, s18  }
0x12: {  	s13 =	sadd.s32 s6, s18;
	s23 =	sadd.s32 $0x4D0, s18;
	[dreg:$0x5] =	wrdreg s20  }
0x13: {  	s26 =	sshrl.u32 s25, $0x3;
	s25 =	simm.s32 $0x14200;
	[dreg:$0x6] =	wrdreg s13  }
0x14: {  	s22 =	sadd.s32 s5, s21;
	s12 =	sadd.s32 s6, s21;
	s24 =	sadd.s32 s5, s23  }
0x15: {  	s0 =	sadd.s32 s6, s23;
	s18 =	sadd.s32 s26, s6;
	[dreg:$0x7] =	wrdreg s22  }
0x16: {  	s19 =	sadd.s32 s26, s5;
	s20 =	sshrl.u32 s9, $0x3;
	[dreg:$0x8] =	wrdreg s12  }
0x17: {  	s21 =	simm.s32 $0x3;
	s23 =	simm.s32 $0x14100;
	[dreg:$0xb] =	wrdreg s24  }
0x18: {  	s26 =	simm.s32 $0x14080;
	s9 =	simm.s32 $0x1C300;
	[dreg:$0xc] =	wrdreg s0  }
0x19: {  	s22 =	simm.s32 $0x14000;
	s24 =	simm.s32 $0x80;
	s0 =	simm.s32 $0x1C200  }
.LBB2_1:
0x1a: {  	s11 =	rddreg [dreg:$0x4]  }
0x1b: {  	[spmem:s20], [sflag:s8] =	dma.local [hbm:s11], $0x2800  }
0x1c: {  	_ =	swait.ge [sflag:s21], $0x2800  }
0x1d: {  	[sflag:s21] =	ssyncset.done $0x0  }
0x1e: {  	[sflag:s21] =	ssyncadd.s32 $0xFFFFD800  }
0x1f: {  	[bflag:$0x0] =	sbarrier.arrive $0xFFFF  }
0x20: {  	s12 =	rddreg [dreg:$0x5]  }
0x21: {  	[tilespmem:s22], [sflag:$0x3] =	stream.linear.gather [hbm4b:s12+s4], $0x80, $0x38;
	[tilespmem:$0x1CB00] =	vst v63  }
0x22: {  	_ =	swait.ge [sflag:s21], $0x80  }
0x23: {  	[sflag:s21] =	ssyncset.done $0x0  }
0x24: {  	s13 =	rddreg [dreg:$0x6];
	[sflag:s21] =	ssyncadd.s32 $0xFFFFFF80  }
0x25: {  	[tilespmem:s23], [sflag:$0x3] =	stream.linear.gather [hbm4b:s13+s4], $0x80, $0x38;
	[tilespmem:$0x1CB00] =	vst v63  }
0x26: {  	_ =	swait.ge [sflag:s21], $0x80  }
0x27: {  	[sflag:s21] =	ssyncset.done $0x0  }
0x28: {  	[sflag:s21] =	ssyncadd.s32 $0xFFFFFF80  }
0x29: {  	[tilespmem:s25], [sflag:$0x1] =	stream.indirect.gather [hbm4b:s1+s24], $0x80, s22, s24, $0xb8;
	[tilespmem:$0x1CB00] =	vst v63  }
0x2a: {  	s14 =	sadd.s32 $0x0, s19  }
0x2b: {  	[tilespmem:s26], [sflag:$0x3] =	stream.linear.gather [hbm4b:s14+s4], $0x80, $0x38;
	[tilespmem:$0x1CB00] =	vst v63  }
0x2c: {  	_ =	swait.ge [sflag:s21], $0x80  }
0x2d: {  	[sflag:s21] =	ssyncset.done $0x0  }
0x2e: {  	s15 =	sadd.s32 $0x0, s18;
	[sflag:s21] =	ssyncadd.s32 $0xFFFFFF80  }
0x2f: {  	[tilespmem:s28], [sflag:$0x3] =	stream.linear.gather [hbm4b:s15+s4], $0x80, $0x38;
	[tilespmem:$0x1CB00] =	vst v63  }
0x30: {  	_ =	swait.ge [sflag:s21], $0x80  }
0x31: {  	[sflag:s21] =	ssyncset.done $0x0  }
0x32: {  	[sflag:s21] =	ssyncadd.s32 $0xFFFFFF80  }
0x33: {  	[tilespmem:s29], [sflag:$0x2] =	stream.indirect.gather [hbm4b:s1+s24], $0x80, s26, s24, $0xb8;
	[tilespmem:$0x1CB00] =	vst v63  }
0x34: {  	_ =	swait.ge [sflag:s30], $0x4000  }
0x35: {  	[sflag:s30] =	ssyncset.done $0x0  }
0x36: {  	[sflag:s30] =	ssyncadd.s32 $0xFFFFC000  }
0x37: {  	[spmem:s3] =	stream.indirect.scatter.add.f32 [tilespmem:s25], [sflag:$0x3], $0x80, s23, s24, $0xb8;
	[tilespmem:$0x1CB00] =	vst v63  }
0x38: {  	_ =	swait.ge [sflag:s21], $0x4000  }
0x39: {  	s16 =	sshrl.u32 s17, $0x3;
	[sflag:s21] =	ssyncset.done $0x0  }
0x3a: {  	s12 =	sadd.s32 s5, s16;
	[sflag:s21] =	ssyncadd.s32 $0xFFFFC000  }
0x3b: {  	[tilespmem:s22], [sflag:$0x3] =	stream.linear.gather [hbm4b:s12+s4], $0x80, $0x38;
	[tilespmem:$0x1CB00] =	vst v63  }
0x3c: {  	_ =	swait.ge [sflag:s21], $0x80  }
0x3d: {  	[sflag:s21] =	ssyncset.done $0x0  }
0x3e: {  	s11 =	sadd.s32 s6, s16;
	[sflag:s21] =	ssyncadd.s32 $0xFFFFFF80  }
0x3f: {  	[tilespmem:s23], [sflag:$0x3] =	stream.linear.gather [hbm4b:s11+s4], $0x80, $0x38;
	[tilespmem:$0x1CB00] =	vst v63  }
0x40: {  	_ =	swait.ge [sflag:s21], $0x80  }
0x41: {  	[sflag:s21] =	ssyncset.done $0x0  }
0x42: {  	[sflag:s21] =	ssyncadd.s32 $0xFFFFFF80  }
0x43: {  	[tilespmem:s25], [sflag:$0x1] =	stream.indirect.gather [hbm4b:s1+s24], $0x80, s22, s24, $0xb8;
	[tilespmem:$0x1CB00] =	vst v63  }
0x44: {  	_ =	swait.ge [sflag:s31], $0x4000  }
0x45: {  	[sflag:s31] =	ssyncset.done $0x0  }
0x46: {  	[sflag:s31] =	ssyncadd.s32 $0xFFFFC000  }
0x47: {  	[spmem:s3] =	stream.indirect.scatter.add.f32 [tilespmem:s29], [sflag:$0x3], $0x80, s28, s24, $0xb8;
	[tilespmem:$0x1CB00] =	vst v63  }
0x48: {  	s13 =	simm.s32 $0x40;
	_ =	swait.ge [sflag:s21], $0x4000  }
0x49: {  	s12 =	simm.s32 $0x20;
	s11 =	sadd.s32 $0x100, s17;
	[sflag:s21] =	ssyncset.done $0x0  }
.LBB2_2:
0x4a: {  	s15 =	sadd.s32 s12, s19  }
0x4b: {  	[sflag:s21] =	ssyncadd.s32 $0xFFFFC000;
	s16 =	smov.u32 s13;
	s14 =	sadd.s32 $0x20, s13  }
0x4c: {  	[tilespmem:s26], [sflag:$0x3] =	stream.linear.gather [hbm4b:s15+s4], $0x80, $0x38;
	[tilespmem:$0x1CB00] =	vst v63  }
0x4d: {  	p0 =	sne.s32 s13, $0x4A0;
	_ =	swait.ge [sflag:s21], $0x80  }
0x4e: {  	[sflag:s21] =	ssyncset.done $0x0  }
0x4f: {  	s13 =	sadd.s32 s12, s18;
	s12 =	smov.u32 s16;
	[sflag:s21] =	ssyncadd.s32 $0xFFFFFF80  }
0x50: {  	[tilespmem:s28], [sflag:$0x3] =	stream.linear.gather [hbm4b:s13+s4], $0x80, $0x38;
	[tilespmem:$0x1CB00] =	vst v63  }
0x51: {  	_ =	swait.ge [sflag:s21], $0x80  }
0x52: {  	[sflag:s21] =	ssyncset.done $0x0  }
0x53: {  	[sflag:s21] =	ssyncadd.s32 $0xFFFFFF80  }
0x54: {  	[tilespmem:s29], [sflag:$0x2] =	stream.indirect.gather [hbm4b:s1+s24], $0x80, s26, s24, $0xb8;
	[tilespmem:$0x1CB00] =	vst v63  }
0x55: {  	_ =	swait.ge [sflag:s30], $0x4000  }
0x56: {  	[sflag:s30] =	ssyncset.done $0x0  }
0x57: {  	[sflag:s30] =	ssyncadd.s32 $0xFFFFC000  }
0x58: {  	[spmem:s3] =	stream.indirect.scatter.add.f32 [tilespmem:s25], [sflag:$0x3], $0x80, s23, s24, $0xb8;
	[tilespmem:$0x1CB00] =	vst v63  }
0x59: {  	_ =	swait.ge [sflag:s21], $0x4000  }
0x5a: {  	s13 =	sshrl.u32 s11, $0x3;
	[sflag:s21] =	ssyncset.done $0x0  }
0x5b: {  	s15 =	sadd.s32 s5, s13;
	[sflag:s21] =	ssyncadd.s32 $0xFFFFC000  }
0x5c: {  	[tilespmem:s22], [sflag:$0x3] =	stream.linear.gather [hbm4b:s15+s4], $0x80, $0x38;
	[tilespmem:$0x1CB00] =	vst v63  }
0x5d: {  	_ =	swait.ge [sflag:s21], $0x80  }
0x5e: {  	[sflag:s21] =	ssyncset.done $0x0  }
0x5f: {  	s13 =	sadd.s32 s6, s13;
	[sflag:s21] =	ssyncadd.s32 $0xFFFFFF80  }
0x60: {  	[tilespmem:s23], [sflag:$0x3] =	stream.linear.gather [hbm4b:s13+s4], $0x80, $0x38;
	[tilespmem:$0x1CB00] =	vst v63  }
0x61: {  	_ =	swait.ge [sflag:s21], $0x80  }
0x62: {  	[sflag:s21] =	ssyncset.done $0x0  }
0x63: {  	[sflag:s21] =	ssyncadd.s32 $0xFFFFFF80  }
0x64: {  	[tilespmem:s25], [sflag:$0x1] =	stream.indirect.gather [hbm4b:s1+s24], $0x80, s22, s24, $0xb8;
	[tilespmem:$0x1CB00] =	vst v63  }
0x65: {  	_ =	swait.ge [sflag:s31], $0x4000  }
.Ltmp0:
0x66: {  	[sflag:s31] =	ssyncset.done $0x0;
	(pc) =	sbr.rel @p0 .LBB2_2-.Ltmp0, $4  }
0x67: {  	[sflag:s31] =	ssyncadd.s32 $0xFFFFC000  }
0x68: {  	[spmem:s3] =	stream.indirect.scatter.add.f32 [tilespmem:s29], [sflag:$0x3], $0x80, s28, s24, $0xb8;
	[tilespmem:$0x1CB00] =	vst v63  }
0x69: {  	_ =	swait.ge [sflag:s21], $0x4000  }
0x6a: {  	s11 =	sadd.s32 $0x100, s11;
	s13 =	smov.u32 s14;
	[sflag:s21] =	ssyncset.done $0x0  }
0x6b: {  	s13 =	sadd.s32 s12, s19;
	[sflag:s21] =	ssyncadd.s32 $0xFFFFC000  }
0x6c: {  	[tilespmem:s26], [sflag:$0x3] =	stream.linear.gather [hbm4b:s13+s4], $0x80, $0x38;
	[tilespmem:$0x1CB00] =	vst v63  }
0x6d: {  	_ =	swait.ge [sflag:s21], $0x80  }
0x6e: {  	[sflag:s21] =	ssyncset.done $0x0  }
0x6f: {  	s14 =	sadd.s32 s12, s18;
	[sflag:s21] =	ssyncadd.s32 $0xFFFFFF80  }
0x70: {  	[tilespmem:s28], [sflag:$0x3] =	stream.linear.gather [hbm4b:s14+s4], $0x80, $0x38;
	[tilespmem:$0x1CB00] =	vst v63  }
0x71: {  	_ =	swait.ge [sflag:s21], $0x80  }
0x72: {  	[sflag:s21] =	ssyncset.done $0x0  }
0x73: {  	[sflag:s21] =	ssyncadd.s32 $0xFFFFFF80  }
0x74: {  	[tilespmem:s29], [sflag:$0x2] =	stream.indirect.gather [hbm4b:s1+s24], $0x80, s26, s24, $0xb8;
	[tilespmem:$0x1CB00] =	vst v63  }
0x75: {  	_ =	swait.ge [sflag:s30], $0x4000  }
0x76: {  	[sflag:s30] =	ssyncset.done $0x0  }
0x77: {  	[sflag:s30] =	ssyncadd.s32 $0xFFFFC000  }
0x78: {  	[spmem:s3] =	stream.indirect.scatter.add.f32 [tilespmem:s25], [sflag:$0x3], $0x80, s23, s24, $0xb8;
	[tilespmem:$0x1CB00] =	vst v63  }
0x79: {  	_ =	swait.ge [sflag:s21], $0x4000  }
0x7a: {  	s11 =	sshrl.u32 s11, $0x3;
	[sflag:s21] =	ssyncset.done $0x0  }
0x7b: {  	s15 =	sadd.s32 s5, s11;
	[sflag:s21] =	ssyncadd.s32 $0xFFFFC000  }
0x7c: {  	[tilespmem:s22], [sflag:$0x3] =	stream.linear.gather [hbm4b:s15+s4], $0x80, $0x38;
	[tilespmem:$0x1CB00] =	vst v63  }
0x7d: {  	_ =	swait.ge [sflag:s21], $0x80  }
0x7e: {  	[sflag:s21] =	ssyncset.done $0x0  }
0x7f: {  	s11 =	sadd.s32 s6, s11;
	[sflag:s21] =	ssyncadd.s32 $0xFFFFFF80  }
0x80: {  	[tilespmem:s23], [sflag:$0x3] =	stream.linear.gather [hbm4b:s11+s4], $0x80, $0x38;
	[tilespmem:$0x1CB00] =	vst v63  }
0x81: {  	_ =	swait.ge [sflag:s21], $0x80  }
0x82: {  	[sflag:s21] =	ssyncset.done $0x0  }
0x83: {  	[sflag:s21] =	ssyncadd.s32 $0xFFFFFF80  }
0x84: {  	[tilespmem:s25], [sflag:$0x1] =	stream.indirect.gather [hbm4b:s1+s24], $0x80, s22, s24, $0xb8;
	[tilespmem:$0x1CB00] =	vst v63  }
0x85: {  	_ =	swait.ge [sflag:s31], $0x4000  }
0x86: {  	[sflag:s31] =	ssyncset.done $0x0  }
0x87: {  	[sflag:s31] =	ssyncadd.s32 $0xFFFFC000  }
0x88: {  	[spmem:s3] =	stream.indirect.scatter.add.f32 [tilespmem:s29], [sflag:$0x3], $0x80, s28, s24, $0xb8;
	[tilespmem:$0x1CB00] =	vst v63  }
0x89: {  	_ =	swait.ge [sflag:s21], $0x4000  }
0x8a: {  	[sflag:s21] =	ssyncset.done $0x0  }
0x8b: {  	s16 =	rddreg [dreg:$0xb];
	[sflag:s21] =	ssyncadd.s32 $0xFFFFC000  }
0x8c: {  	[tilespmem:s26], [sflag:$0x3] =	stream.linear.gather [hbm4b:s16+s4], $0x80, $0x38;
	[tilespmem:$0x1CB00] =	vst v63  }
0x8d: {  	_ =	swait.ge [sflag:s21], $0x80  }
0x8e: {  	[sflag:s21] =	ssyncset.done $0x0  }
0x8f: {  	s12 =	rddreg [dreg:$0xc];
	[sflag:s21] =	ssyncadd.s32 $0xFFFFFF80  }
0x90: {  	[tilespmem:s28], [sflag:$0x3] =	stream.linear.gather [hbm4b:s12+s4], $0x80, $0x38;
	[tilespmem:$0x1CB00] =	vst v63  }
0x91: {  	_ =	swait.ge [sflag:s21], $0x80  }
0x92: {  	[sflag:s21] =	ssyncset.done $0x0  }
0x93: {  	[sflag:s21] =	ssyncadd.s32 $0xFFFFFF80  }
0x94: {  	[tilespmem:s29], [sflag:$0x2] =	stream.indirect.gather [hbm4b:s1+s24], $0x80, s26, s24, $0xb8;
	[tilespmem:$0x1CB00] =	vst v63  }
0x95: {  	_ =	swait.ge [sflag:s30], $0x4000  }
0x96: {  	[sflag:s30] =	ssyncset.done $0x0  }
0x97: {  	[sflag:s30] =	ssyncadd.s32 $0xFFFFC000  }
0x98: {  	[spmem:s3] =	stream.indirect.scatter.add.f32 [tilespmem:s25], [sflag:$0x3], $0x80, s23, s24, $0xb8;
	[tilespmem:$0x1CB00] =	vst v63  }
0x99: {  	_ =	swait.ge [sflag:s21], $0x4000  }
0x9a: {  	[sflag:s21] =	ssyncset.done $0x0  }
0x9b: {  	[sflag:s21] =	ssyncadd.s32 $0xFFFFC000  }
0x9c: {  	_ =	swait.ge [sflag:s31], $0x4000  }
0x9d: {  	[sflag:s31] =	ssyncset.done $0x0  }
0x9e: {  	[sflag:s31] =	ssyncadd.s32 $0xFFFFC000  }
0x9f: {  	[spmem:s3] =	stream.indirect.scatter.add.f32 [tilespmem:s29], [sflag:$0x3], $0x80, s28, s24, $0xb8;
	[tilespmem:$0x1CB00] =	vst v63  }
0xa0: {  	_ =	swait.ge [sflag:s21], $0x4000  }
0xa1: {  	[sflag:s21] =	ssyncset.done $0x0  }
0xa2: {  	s13 =	rddreg [dreg:$0x7];
	[sflag:s21] =	ssyncadd.s32 $0xFFFFC000  }
0xa3: {  	[tilespmem:s0], [sflag:$0x3] =	stream.linear.gather [hbm4b:s13+s4], $0x10, $0x38;
	[tilespmem:$0x1CB00] =	vst v63  }
0xa4: {  	_ =	swait.ge [sflag:s21], $0x10  }
0xa5: {  	[sflag:s21] =	ssyncset.done $0x0  }
0xa6: {  	s14 =	rddreg [dreg:$0x8];
	[sflag:s21] =	ssyncadd.s32 $0xFFFFFFF0  }
0xa7: {  	[tilespmem:s2], [sflag:$0x3] =	stream.linear.gather [hbm4b:s14+s4], $0x10, $0x38;
	[tilespmem:$0x1CB00] =	vst v63  }
0xa8: {  	_ =	swait.ge [sflag:s21], $0x10  }
0xa9: {  	[sflag:s21] =	ssyncset.done $0x0  }
0xaa: {  	[sflag:s21] =	ssyncadd.s32 $0xFFFFFFF0  }
0xab: {  	[tilespmem:s9], [sflag:$0x3] =	stream.indirect.gather [hbm4b:s1+s7], $0x80, s0, s7, $0xb8;
	[tilespmem:$0x1CB00] =	vst v63  }
0xac: {  	_ =	swait.ge [sflag:s21], $0x800  }
0xad: {  	[sflag:s21] =	ssyncset.done $0x0  }
0xae: {  	[sflag:s21] =	ssyncadd.s32 $0xFFFFF800  }
0xaf: {  	[spmem:s3] =	stream.indirect.scatter.add.f32 [tilespmem:s9], [sflag:$0x3], $0x80, s2, s7, $0xb8;
	[tilespmem:$0x1CB00] =	vst v63  }
0xb0: {  	_ =	swait.ge [sflag:s21], $0x800  }
0xb1: {  	[sflag:s21] =	ssyncset.done $0x0  }
0xb2: {  	[sflag:s21] =	ssyncadd.s32 $0xFFFFF800  }
0xb3: {  	[bflag:$0x0] =	sbarrier.arrive $0xFFFF  }
0xb4: {  	s15 =	rddreg [dreg:$0x9]  }
0xb5: {  	[hbm:s15], [sflag:s8] =	dma.local [spmem:s20], $0x2800  }
0xb6: {  	_ =	swait.ge [sflag:s21], $0x2800  }
0xb7: {  	s10 =	sadd.s32 $0x1, s10;
	s16 =	rddreg [dreg:$0xa]  }
0xb8: {  	p0 =	sne.s32 s10, s16  }
.Ltmp1:
0xb9: {  	_ = 	snop;
	(pc) =	sbr.rel @p0 .LBB2_1-.Ltmp1, $3  }
0xba: {  	_ =	sdelay $0x1  }
0xbb: {  	[sflag:s21] =	ssyncset.done $0x0  }
0xbc: {  	[sflag:s21] =	ssyncadd.s32 $0xFFFFD800  }
0xbd: {  	_ =	sfence.sel $0x180000  }
0xbe: {  	[bflag:$0x0] =	sbarrier.arrive $0xFFFF  }
0xbf: {  	_ =	strace $0x9000004A  }
0xc0: {  	s0 =	stileid.u32;
	[bflag:$0x2] =	sbarrier.arrive $0xFFFF  }
0xc1: {  	p0 =	sne.s32 s0, $0x0;
	s0 =	rddreg [dreg:$0x3]  }
0xc2: {  	s0 =	sadd.s32 @!p0 $0x100000, s0  }
0xc3: {  	[sflag:s0] =	ssyncadd.tile.s32 @!p0 $0x1;
	_ =	shalt  }
.Lfunc_end2:
_tile_overlayer_lowered:
.L_overlay_start_2:
0xc4: {  	(tag) =	ssettag $0x2  }
0xc5: {  	s0 =	rddreg [dreg:$0x0];
	s2 =	stileid.u32  }
0xc6: {  	s1 =	rddreg [dreg:$0x1];
	p0 =	sne.s32 s2, $0x0  }
0xc7: {  	s3 =	rddreg [dreg:$0x2];
	[bflag:$0x3] =	sbarrier.arrive $0xFFFF;
	s2 =	simm.s32 @!p0 $0x1C03  }
0xc8: {  	[timem:s3], [sflag:s2] =	dma.local @!p0 [hbm:s0], s1  }
0xc9: {  	s0 =	simm.s32 @!p0 $0x3  }
0xca: {  	_ =	swait.ge @!p0 [sflag:s0], s1  }
0xcb: {  	s1 =	ssub.s32 @!p0 $0x0, s1;
	[sflag:s0] =	ssyncset.done @!p0 $0x0  }
0xcc: {  	[sflag:s0] =	ssyncadd.s32 @!p0 s1  }
0xcd: {  	[bflag:$0x3] =	sbarrier.arrive $0xFFFF  }
0xce: {  	_ =	shalt  }

// kernel: kernel.14.cloned.1.call-start
scs
__scs_entry_jumppad:
0x0: {  	(pc) =	sbr.rel $0x88, $3  }
0x1: {  	(tag) =	ssettag $0x0;
	lr =	simm.s32 $0x1  }
0x2: {  	[smem:$0x3F93] =	sst lr;
	_ =	strace $0xD0000000  }
0x3: {  	_ = 	snop  }
0x4: {  	_ = 	snop  }
0x5: {  	_ = 	snop  }
0x6: {  	_ = 	snop  }
0x7: {  	_ = 	snop  }
__scs_overlays_trampoline_lowered:
0x8: {  	[smem:$0x3FA2] =	sst s0  }
0x9: {  	[smem:$0x3FA3] =	sst s1  }
0xa: {  	[smem:$0x3FA4] =	sst s2  }
0xb: {  	[smem:$0x3FA5] =	sst s3  }
0xc: {  	[smem:$0x3FA6] =	sst s4  }
0xd: {  	[smem:$0x3FA7] =	sst s5  }
0xe: {  	[smem:$0x3FA8] =	sst s6  }
0xf: {  	[smem:$0x3FA9] =	sst s7  }
0x10: {  	[smem:$0x3FAA] =	sst s8  }
0x11: {  	[smem:$0x3FAB] =	sst s9;
	s0 =	simm.s32 @!p0 $0x0  }
0x12: {  	s1 =	sld [smem:$0x3F91];
	s0 =	simm.s32 @p0 $0x1  }
0x13: {  	[smem:$0x3FAC] =	sst s0;
	s0 =	simm.s32 @!p1 $0x0  }
0x14: {  	s2 =	sld [smem:$0x3F90];
	s0 =	simm.s32 @p1 $0x1  }
0x15: {  	[smem:$0x3FAD] =	sst s0;
	s0 =	simm.s32 @!p2 $0x0  }
0x16: {  	s3 =	sld [smem:$0x3FDB];
	s0 =	simm.s32 @p2 $0x1  }
0x17: {  	s4 =	simm.s32 $0x1BF5;
	[smem:$0x3FAF] =	sst s0  }
0x18: {  	s0 =	sld [smem:$0x3F92];
	_ =	swait.ge [sflag:s4], $0x0  }
0x19: {  	s7 =	sld [smem:$0x3F93]  }
0x1a: {  	s8 =	sadd.s32 $0xFFFFE003, lr  }
0x1b: {  	s9 =	sadd.s32 $0xFFFFFEF7, lr;
	s5 =	simm.s32 $0xFFFFFFFF;
	p2 =	slt.u32 s8, $0xFFFFF086  }
0x1c: {  	p1 =	slt.u32 s9, $0xF7A;
	s5 =	simm.s32 @!p2 $0x0  }
0x1d: {  	s5 =	simm.s32 @p1 $0x1;
	p0 =	seq.s32 s7, s2  }
0x1e: {  	s7 =	smul.u32 @!p0 $0xF7A, s2;
	p2 =	seq.s32 @!p0 s5, $0x0  }
0x1f: {  	s9 =	smul.u32 $0xF7A, s1;
	s8 =	simm.s32 @!p0 $0x1BF5;
	p2 =	por !p2, p0  }
0x20: {  	[sflag:s8] =	ssyncset.s32 @!p0 $0xFFFFF086;
	s6 =	sadd.s32 @!p0 s3, s7;
	s7 =	simm.s32 @!p0 $0x108  }
0x21: {  	s3 =	sadd.s32 s3, s9;
	s6 =	sadd.s32 @!p0 $0x88, s6;
	s7 =	simm.s32 @p2 $0x1082  }
0x22: {  	[simem:s7], [sflag:s8] =	dma.local @!p0 [hbm:s6], $0xF7A  }
0x23: {  	s9 =	sor.u32 $0xD0000000, s2;
	s6 =	simm.s32 $0x108;
	_ =	swait.ge @!p0 [sflag:s8], $0x0  }
0x24: {  	s3 =	sadd.s32 $0x88, s3;
	s6 =	simm.s32 @!p1 $0x1082;
	[sflag:s4] =	ssyncset.s32 $0xFFFFF086  }
0x25: {  	[simem:s6], [sflag:s4] =	dma.local [hbm:s3], $0xF7A  }
0x26: {  	[smem:$0x3F93] =	sst s1;
	(tag) =	ssettag s2;
	_ =	strace s9  }
0x27: {  	s1 =	sld [smem:$0x3FA3]  }
0x28: {  	s2 =	sld [smem:$0x3FA4]  }
0x29: {  	s4 =	sld [smem:$0x3FA6]  }
0x2a: {  	p0 =	seq.s32 s5, $0x0;
	s5 =	sld [smem:$0x3FA7]  }
0x2b: {  	s6 =	sld [smem:$0x3FA8]  }
0x2c: {  	s7 =	sld [smem:$0x3FA9]  }
0x2d: {  	s3 =	simm.s32 $0x108;
	s8 =	sld [smem:$0x3FAA]  }
0x2e: {  	s3 =	simm.s32 @!p0 $0x1082;
	s9 =	sld [smem:$0x3FAB]  }
0x2f: {  	lr =	sadd.s32 s0, s3;
	s0 =	sld [smem:$0x3FA2]  }
0x30: {  	s3 =	sld [smem:$0x3FA5]  }
0x31: {  	[smem:$0x3FAE] =	sst s10  }
0x32: {  	s10 =	sld [smem:$0x3FAC];
	_ =	sdelay $0x3  }
0x33: {  	p0 =	seq.s32 s10, $0x1;
	s10 =	sld [smem:$0x3FAE];
	_ =	sdelay $0x3  }
0x34: {  	[smem:$0x3FAE] =	sst s10  }
0x35: {  	s10 =	sld [smem:$0x3FAD];
	_ =	sdelay $0x3  }
0x36: {  	p1 =	seq.s32 s10, $0x1;
	s10 =	sld [smem:$0x3FAE];
	_ =	sdelay $0x3  }
0x37: {  	[smem:$0x3FAE] =	sst s10  }
0x38: {  	s10 =	sld [smem:$0x3FAF]  }
0x39: {  	_ = 	snop;
	(pc) =	sbr.ind lr, $3  }
0x3a: {  	_ = 	snop  }
0x3b: {  	_ = 	snop  }
0x3c: {  	p2 =	seq.s32 s10, $0x1;
	s10 =	sld [smem:$0x3FAE]  }
0x3d: {  	_ =	shalt  }
0x3e: {  	_ =	shalt  }
0x3f: {  	_ =	shalt  }
0x40: {  	_ =	shalt  }
0x41: {  	_ =	shalt  }
0x42: {  	_ =	shalt  }
0x43: {  	_ =	shalt  }
0x44: {  	_ =	shalt  }
0x45: {  	_ =	shalt  }
0x46: {  	_ =	shalt  }
0x47: {  	_ =	shalt  }
0x48: {  	_ =	shalt  }
0x49: {  	_ =	shalt  }
0x4a: {  	_ =	shalt  }
0x4b: {  	_ =	shalt  }
0x4c: {  	_ =	shalt  }
0x4d: {  	_ =	shalt  }
0x4e: {  	_ =	shalt  }
0x4f: {  	_ =	shalt  }
0x50: {  	_ =	shalt  }
0x51: {  	_ =	shalt  }
0x52: {  	_ =	shalt  }
0x53: {  	_ =	shalt  }
0x54: {  	_ =	shalt  }
0x55: {  	_ =	shalt  }
0x56: {  	_ =	shalt  }
0x57: {  	_ =	shalt  }
0x58: {  	_ =	shalt  }
0x59: {  	_ =	shalt  }
0x5a: {  	_ =	shalt  }
0x5b: {  	_ =	shalt  }
0x5c: {  	_ =	shalt  }
0x5d: {  	_ =	shalt  }
0x5e: {  	_ =	shalt  }
0x5f: {  	_ =	shalt  }
0x60: {  	_ =	shalt  }
0x61: {  	_ =	shalt  }
0x62: {  	_ =	shalt  }
0x63: {  	_ =	shalt  }
0x64: {  	_ =	shalt  }
0x65: {  	_ =	shalt  }
0x66: {  	_ =	shalt  }
0x67: {  	_ =	shalt  }
0x68: {  	_ =	shalt  }
0x69: {  	_ =	shalt  }
0x6a: {  	_ =	shalt  }
0x6b: {  	_ =	shalt  }
0x6c: {  	_ =	shalt  }
0x6d: {  	_ =	shalt  }
0x6e: {  	_ =	shalt  }
0x6f: {  	_ =	shalt  }
0x70: {  	_ =	shalt  }
0x71: {  	_ =	shalt  }
0x72: {  	_ =	shalt  }
0x73: {  	_ =	shalt  }
0x74: {  	_ =	shalt  }
0x75: {  	_ =	shalt  }
0x76: {  	_ =	shalt  }
0x77: {  	_ =	shalt  }
0x78: {  	_ =	shalt  }
0x79: {  	_ =	shalt  }
0x7a: {  	_ =	shalt  }
0x7b: {  	_ =	shalt  }
0x7c: {  	_ =	shalt  }
0x7d: {  	_ =	shalt  }
0x7e: {  	_ =	shalt  }
0x7f: {  	_ =	shalt  }
0x80: {  	_ =	shalt  }
0x81: {  	_ =	shalt  }
0x82: {  	_ =	shalt  }
0x83: {  	_ =	shalt  }
0x84: {  	_ =	shalt  }
0x85: {  	_ =	shalt  }
0x86: {  	_ =	shalt  }
0x87: {  	_ =	shalt  }
.Lfunc_end0:
.L_simem_size_0:
called_computation.2_lowered:
.L_overlay_start_0:
0x88: {  	s2 =	sld [smem:$0x3FD9]  }
0x89: {  	s3 =	sld [smem:$0x3FFE];
	_ =	sdelay $0x1  }
0x8a: {  	s1 =	srdreg.scid  }
0x8b: {  	s0 =	sand.u32 $0x1, s1  }
0x8c: {  	s14 =	sshll.u32 s0, $0xA;
	s2 =	sadd.s32 s3, s2  }
0x8d: {  	s2 =	sadd.s32 s2, s14  }
0x8e: {  	[smem:$0x3FBA] =	sst s2  }
0x8f: {  	_ = 	snop  }
0x90: {  	s2 =	sld [smem:$0x3FD0];
	_ =	sdelay $0x2  }
0x91: {  	s15 =	simm.s32 $0xA;
	s4 =	simm.s32 $0x10  }
0x92: {  	[smem:s4], [sflag:s15] =	dma.local [hbm:s2], $0x1  }
0x93: {  	_ =	swait.eq [sflag:s15], $0x1  }
0x94: {  	[sflag:s15] =	ssyncset.done $0x0  }
0x95: {  	[sflag:s15] =	ssyncadd.s32 $0xFFFFFFFF  }
0x96: {  	s16 =	sld [smem:$0x10];
	(tm) =	ssettm $0x1  }
0x97: {  	s17 =	sld [smem:$0x3FFB];
	_ =	sdelay $0x3  }
0x98: {  	_ =	strace s17  }
0x99: {  	s3 =	sld [smem:$0x3FFC];
	_ =	sdelay $0x3  }
0x9a: {  	_ =	strace s3  }
0x9b: {  	s3 =	sld [smem:$0x3FFD];
	_ =	sdelay $0x3  }
0x9c: {  	_ =	strace s3  }
0x9d: {  	_ =	strace $0x8FFFFFFF  }
0x9e: {  	s18 =	sld [smem:$0x3FDB];
	_ =	sdelay $0x1  }
0x9f: {  	s19 =	simm.s32 $_scs_section_size  }
0xa0: {  	s5 =	simm.s32 $_size__tile_overlayer_lowered;
	s6 =	simm.s32 $_tile_overlayer_lowered  }
0xa1: {  	s22 =	simm.s32 $0x1BFF;
	s21 =	sshll.u32 s6, $0x1;
	s3 =	sadd.s32 s19, s18  }
0xa2: {  	s7 =	simm.s32 $0x0;
	s20 =	sshll.u32 s5, $0x1;
	s5 =	sadd.s32 s21, s3  }
0xa3: {  	[timem:s7], [sflag:s22] =	dma.local [hbm:s5], s20  }
0xa4: {  	_ =	swait.ge [sflag:s22], s20  }
0xa5: {  	s4 =	ssub.s32 $0x0, s20;
	[sflag:s22] =	ssyncset.done $0x0  }
0xa6: {  	[sflag:s22] =	ssyncadd.s32 s4;
	_ =	sdelay $0x1  }
0xa7: {  	s23 =	simm.s32 $0x1B8B  }
0xa8: {  	_ =	swait.ge [sflag:s23], $0x1  }
0xa9: {  	[sflag:s23] =	ssyncset.done $0x0  }
0xaa: {  	s25 =	simm.s32 $0x1B8E;
	s24 =	sld [smem:$0x3FFE];
	[sflag:s23] =	ssyncadd.s32 $0xFFFFFFFF  }
0xab: {  	s26 =	simm.s32 $execute0_lowered;
	[smem:$0x3FD2] =	sst s25  }
0xac: {  	s5 =	sshll.u32 s26, $0x1;
	_ =	strace $0x8000004C;
	[dreg:$0x1] =	wrdreg $0xFFFFFFFF  }
0xad: {  	s28 =	simm.s32 $_size_execute0_lowered;
	s3 =	sadd.s32 s3, s5;
	[dreg:$0x0] =	wrdreg $0x0  }
0xae: {  	s5 =	sshll.u32 s28, $0x1;
	[dreg:$0x2] =	wrdreg s3  }
0xaf: {  	[dreg:$0x3] =	wrdreg s5  }
0xb0: {  	[dreg:$0x4] =	wrdreg $0xC0  }
0xb1: {  	_ =	task [dreg:s7], $0x5FFFF  }
0xb2: {  	[dreg:$0x1] =	wrdreg $0xFFFFFFFF  }
0xb3: {  	[dreg:$0x0] =	wrdreg $0x60  }
0xb4: {  	[dreg:$0x2] =	wrdreg s24  }
0xb5: {  	[dreg:$0x3] =	wrdreg s16  }
0xb6: {  	[dreg:$0x4] =	wrdreg $0x0  }
0xb7: {  	[dreg:$0x5] =	wrdreg $0x9  }
0xb8: {  	_ =	task.clear_ibuf [dreg:s7], $0x6FFFF;
	_ =	strace $0x9000004C  }
0xb9: {  	s29 =	simm.s32 $0x9;
	_ =	strace $0x8000004E  }
0xba: {  	_ =	swait.ge [sflag:s29], $0x1  }
0xbb: {  	[sflag:s29] =	ssyncadd.s32 $0xFFFFFFFF  }
0xbc: {  	_ =	strace $0x9000004E  }
0xbd: {  	_ =	sfence  }
0xbe: {  	s30 =	sld [smem:$0x0];
	_ =	sdelay $0x2  }
0xbf: {  	s31 =	sshll.u32 s1, $0xD;
	s1 =	sshrl.u32 s1, $0x2  }
0xc0: {  	s3 =	sand.u32 $0x4000, s31;
	s1 =	sadd.s32 s1, s30  }
0xc1: {  	s0 =	sor.u32 s3, s0;
	s1 =	sshll.u32 s1, $0x11  }
0xc2: {  	s0 =	sor.u32 s1, s0  }
0xc3: {  	s0 =	sadd.s32 $0x8F2B, s0  }
0xc4: {  	[sflag:s0] =	ssyncadd.remote.s32 $0x1  }
0xc5: {  	_ =	sfence.sel $0xFFFF  }
0xc6: {  	[dreg:$0x0] =	wrdreg $0xFFFFFFFF;
	(pc) =	sbr.abs _section_cstart, $3  }
0xc7: {  	[dreg:$0x1] =	wrdreg $0xFFFFFFFF  }
0xc8: {  	_ =	task.clear_ibuf [dreg:s7], $0x2FFFF;
	_ =	strace $0x9FFFFFFF  }
0xc9: {  	(tm) =	ssettm $0x7FFFFFFF  }
tec
execute0_lowered:
.L_overlay_start_1:
0x0: {  	(tag) =	ssettag $0x1  }
0x1: {  	s0 =	rddreg [dreg:$0x0]  }
0x2: {  	s1 =	rddreg [dreg:$0x1]  }
0x3: {  	s3 =	rddreg [dreg:$0x2]  }
0x4: {  	s4 =	simm.s32 $0x0;
	s2 =	srdreg.scid;
	s11 =	stileid.u32  }
0x5: {  	s28 =	simm.s32 $0x1;
	s29 =	simm.s32 $0x2;
	s30 =	simm.s32 $0x12400  }
0x6: {  	s31 =	simm.s32 $0x12410;
	[smem:$0x7FF] =	sst s4;
	s2 =	sand.u32 $0x1, s2  }
0x7: {  	s7 =	smul.u32 $0x1400, s11;
	s5 =	sadd.s32 $0xC600, s0;
	s6 =	sadd.s32 $0x2800, s0  }
0x8: {  	s9 =	sadd.s32 $0x16400, s0;
	s18 =	sshll.u32 s11, $0x1;
	s19 =	smul.u32 $0x28000, s11  }
0x9: {  	s21 =	smul.u32 $0x4E20, s11;
	s11 =	sshll.u32 s11, $0x6;
	_ =	strace $0x8000004D  }
0xa: {  	s8 =	smul.u32 $0x14000, s2;
	[dreg:$0x4] =	wrdreg s9;
	s20 =	ssub.s32 $0x2, s2  }
0xb: {  	s10 =	sshrl.u32 s20, $0x1;
	s9 =	sshrl.u32 s19, $0x2;
	s19 =	simm.s32 $0x3  }
0xc: {  	s7 =	sadd.s32 s7, s8;
	s8 =	sor.u32 s2, s18;
	s2 =	smul.u32 $0x2710, s2  }
0xd: {  	s9 =	sadd.s32 s9, s3;
	s0 =	sadd.s32 s7, s0;
	s8 =	smul.u32 $0x2710, s8  }
0xe: {  	s7 =	ssub.s32 s20, s10;
	s18 =	sshrl.u32 s9, $0x3;
	s20 =	simm.s32 $0xA000  }
0xf: {  	s2 =	sadd.s32 s2, s21;
	s0 =	sadd.s32 $0x17800, s0;
	s7 =	smax.u32 s7, $0x1  }
0x10: {  	s21 =	simm.s32 $0xA200;
	s12 =	sshrl.u32 s8, $0x3;
	[dreg:$0x9] =	wrdreg s0  }
0x11: {  	s8 =	sor.u32 $0x1C03, s11;
	s26 =	sadd.s32 $0x100, s2;
	[dreg:$0xa] =	wrdreg s7  }
0x12: {  	s15 =	sadd.s32 $0x200, s2;
	s2 =	simm.s32 $0x12420;
	s7 =	simm.s32 $0x0  }
0x13: {  	s22 =	sadd.s32 s5, s12;
	s23 =	sadd.s32 $0x4E0, s12;
	s12 =	sadd.s32 s6, s12  }
0x14: {  	s0 =	sshrl.u32 s26, $0x3;
	s26 =	simm.s32 $0xE400;
	[dreg:$0x5] =	wrdreg s22  }
0x15: {  	[dreg:$0x6] =	wrdreg s12;
	s24 =	sadd.s32 s5, s23;
	s25 =	sadd.s32 s6, s23  }
0x16: {  	s16 =	sadd.s32 s0, s6;
	s17 =	sadd.s32 s0, s5;
	s22 =	simm.s32 $0x100  }
0x17: {  	s23 =	simm.s32 $0xA400;
	s0 =	simm.s32 $0x10;
	[dreg:$0x7] =	wrdreg s24  }
0x18: {  	[dreg:$0x8] =	wrdreg s25;
	s24 =	simm.s32 $0xA100;
	s25 =	simm.s32 $0xA300  }
.LBB2_1:
0x19: {  	s9 =	rddreg [dreg:$0x4]  }
0x1a: {  	[spmem:s18], [sflag:s8] =	dma.local [hbm:s9], $0x1400  }
0x1b: {  	_ =	swait.ge [sflag:s19], $0x1400  }
0x1c: {  	[sflag:s19] =	ssyncset.done $0x0  }
0x1d: {  	[sflag:s19] =	ssyncadd.s32 $0xFFFFEC00  }
0x1e: {  	[bflag:$0x0] =	sbarrier.arrive $0xFFFF  }
0x1f: {  	s10 =	rddreg [dreg:$0x5]  }
0x20: {  	[tilespmem:s20], [sflag:$0x3] =	stream.linear.gather [hbm4b:s10+s4], $0x100, $0x38;
	[tilespmem:$0x12820] =	vst v63  }
0x21: {  	_ =	swait.ge [sflag:s19], $0x100  }
0x22: {  	[sflag:s19] =	ssyncset.done $0x0  }
0x23: {  	s11 =	rddreg [dreg:$0x6];
	[sflag:s19] =	ssyncadd.s32 $0xFFFFFF00  }
0x24: {  	[tilespmem:s21], [sflag:$0x3] =	stream.linear.gather [hbm4b:s11+s4], $0x100, $0x38;
	[tilespmem:$0x12820] =	vst v63  }
0x25: {  	_ =	swait.ge [sflag:s19], $0x100  }
0x26: {  	[sflag:s19] =	ssyncset.done $0x0  }
0x27: {  	[sflag:s19] =	ssyncadd.s32 $0xFFFFFF00  }
0x28: {  	[tilespmem:s23], [sflag:$0x1] =	stream.indirect.gather [hbm4b:s1+s22], $0x40, s20, s22, $0xb8;
	[tilespmem:$0x12820] =	vst v63  }
0x29: {  	s12 =	sadd.s32 $0x0, s17  }
0x2a: {  	[tilespmem:s24], [sflag:$0x3] =	stream.linear.gather [hbm4b:s12+s4], $0x100, $0x38;
	[tilespmem:$0x12820] =	vst v63  }
0x2b: {  	_ =	swait.ge [sflag:s19], $0x100  }
0x2c: {  	[sflag:s19] =	ssyncset.done $0x0  }
0x2d: {  	s13 =	sadd.s32 $0x0, s16;
	[sflag:s19] =	ssyncadd.s32 $0xFFFFFF00  }
0x2e: {  	[tilespmem:s25], [sflag:$0x3] =	stream.linear.gather [hbm4b:s13+s4], $0x100, $0x38;
	[tilespmem:$0x12820] =	vst v63  }
0x2f: {  	_ =	swait.ge [sflag:s19], $0x100  }
0x30: {  	[sflag:s19] =	ssyncset.done $0x0  }
0x31: {  	[sflag:s19] =	ssyncadd.s32 $0xFFFFFF00  }
0x32: {  	[tilespmem:s26], [sflag:$0x2] =	stream.indirect.gather [hbm4b:s1+s22], $0x40, s24, s22, $0xb8;
	[tilespmem:$0x12820] =	vst v63  }
0x33: {  	_ =	swait.ge [sflag:s28], $0x4000  }
0x34: {  	[sflag:s28] =	ssyncset.done $0x0  }
0x35: {  	[sflag:s28] =	ssyncadd.s32 $0xFFFFC000  }
0x36: {  	[spmem:s3] =	stream.indirect.scatter.add.f32 [tilespmem:s23], [sflag:$0x3], $0x40, s21, s22, $0xb8;
	[tilespmem:$0x12820] =	vst v63  }
0x37: {  	_ =	swait.ge [sflag:s19], $0x4000  }
0x38: {  	s14 =	sshrl.u32 s15, $0x3;
	[sflag:s19] =	ssyncset.done $0x0  }
0x39: {  	s10 =	sadd.s32 s5, s14;
	[sflag:s19] =	ssyncadd.s32 $0xFFFFC000  }
0x3a: {  	[tilespmem:s20], [sflag:$0x3] =	stream.linear.gather [hbm4b:s10+s4], $0x100, $0x38;
	[tilespmem:$0x12820] =	vst v63  }
0x3b: {  	_ =	swait.ge [sflag:s19], $0x100  }
0x3c: {  	[sflag:s19] =	ssyncset.done $0x0  }
0x3d: {  	s9 =	sadd.s32 s6, s14;
	[sflag:s19] =	ssyncadd.s32 $0xFFFFFF00  }
0x3e: {  	[tilespmem:s21], [sflag:$0x3] =	stream.linear.gather [hbm4b:s9+s4], $0x100, $0x38;
	[tilespmem:$0x12820] =	vst v63  }
0x3f: {  	_ =	swait.ge [sflag:s19], $0x100  }
0x40: {  	[sflag:s19] =	ssyncset.done $0x0  }
0x41: {  	[sflag:s19] =	ssyncadd.s32 $0xFFFFFF00  }
0x42: {  	[tilespmem:s23], [sflag:$0x1] =	stream.indirect.gather [hbm4b:s1+s22], $0x40, s20, s22, $0xb8;
	[tilespmem:$0x12820] =	vst v63  }
0x43: {  	_ =	swait.ge [sflag:s29], $0x4000  }
0x44: {  	[sflag:s29] =	ssyncset.done $0x0  }
0x45: {  	[sflag:s29] =	ssyncadd.s32 $0xFFFFC000  }
0x46: {  	[spmem:s3] =	stream.indirect.scatter.add.f32 [tilespmem:s26], [sflag:$0x3], $0x40, s25, s22, $0xb8;
	[tilespmem:$0x12820] =	vst v63  }
0x47: {  	s11 =	simm.s32 $0x80;
	_ =	swait.ge [sflag:s19], $0x4000  }
0x48: {  	s10 =	simm.s32 $0x40;
	s9 =	sadd.s32 $0x200, s15;
	[sflag:s19] =	ssyncset.done $0x0  }
.LBB2_2:
0x49: {  	s13 =	sadd.s32 s10, s17  }
0x4a: {  	[sflag:s19] =	ssyncadd.s32 $0xFFFFC000;
	s14 =	smov.u32 s11;
	s12 =	sadd.s32 $0x40, s11  }
0x4b: {  	[tilespmem:s24], [sflag:$0x3] =	stream.linear.gather [hbm4b:s13+s4], $0x100, $0x38;
	[tilespmem:$0x12820] =	vst v63  }
0x4c: {  	p0 =	sne.s32 s11, $0x480;
	_ =	swait.ge [sflag:s19], $0x100  }
0x4d: {  	[sflag:s19] =	ssyncset.done $0x0  }
0x4e: {  	s11 =	sadd.s32 s10, s16;
	s10 =	smov.u32 s14;
	[sflag:s19] =	ssyncadd.s32 $0xFFFFFF00  }
0x4f: {  	[tilespmem:s25], [sflag:$0x3] =	stream.linear.gather [hbm4b:s11+s4], $0x100, $0x38;
	[tilespmem:$0x12820] =	vst v63  }
0x50: {  	_ =	swait.ge [sflag:s19], $0x100  }
0x51: {  	[sflag:s19] =	ssyncset.done $0x0  }
0x52: {  	[sflag:s19] =	ssyncadd.s32 $0xFFFFFF00  }
0x53: {  	[tilespmem:s26], [sflag:$0x2] =	stream.indirect.gather [hbm4b:s1+s22], $0x40, s24, s22, $0xb8;
	[tilespmem:$0x12820] =	vst v63  }
0x54: {  	_ =	swait.ge [sflag:s28], $0x4000  }
0x55: {  	[sflag:s28] =	ssyncset.done $0x0  }
0x56: {  	[sflag:s28] =	ssyncadd.s32 $0xFFFFC000  }
0x57: {  	[spmem:s3] =	stream.indirect.scatter.add.f32 [tilespmem:s23], [sflag:$0x3], $0x40, s21, s22, $0xb8;
	[tilespmem:$0x12820] =	vst v63  }
0x58: {  	_ =	swait.ge [sflag:s19], $0x4000  }
0x59: {  	s11 =	sshrl.u32 s9, $0x3;
	[sflag:s19] =	ssyncset.done $0x0  }
0x5a: {  	s13 =	sadd.s32 s5, s11;
	[sflag:s19] =	ssyncadd.s32 $0xFFFFC000  }
0x5b: {  	[tilespmem:s20], [sflag:$0x3] =	stream.linear.gather [hbm4b:s13+s4], $0x100, $0x38;
	[tilespmem:$0x12820] =	vst v63  }
0x5c: {  	_ =	swait.ge [sflag:s19], $0x100  }
0x5d: {  	[sflag:s19] =	ssyncset.done $0x0  }
0x5e: {  	s11 =	sadd.s32 s6, s11;
	[sflag:s19] =	ssyncadd.s32 $0xFFFFFF00  }
0x5f: {  	[tilespmem:s21], [sflag:$0x3] =	stream.linear.gather [hbm4b:s11+s4], $0x100, $0x38;
	[tilespmem:$0x12820] =	vst v63  }
0x60: {  	_ =	swait.ge [sflag:s19], $0x100  }
0x61: {  	[sflag:s19] =	ssyncset.done $0x0  }
0x62: {  	[sflag:s19] =	ssyncadd.s32 $0xFFFFFF00  }
0x63: {  	[tilespmem:s23], [sflag:$0x1] =	stream.indirect.gather [hbm4b:s1+s22], $0x40, s20, s22, $0xb8;
	[tilespmem:$0x12820] =	vst v63  }
0x64: {  	_ =	swait.ge [sflag:s29], $0x4000  }
.Ltmp0:
0x65: {  	[sflag:s29] =	ssyncset.done $0x0;
	(pc) =	sbr.rel @p0 .LBB2_2-.Ltmp0, $4  }
0x66: {  	[sflag:s29] =	ssyncadd.s32 $0xFFFFC000  }
0x67: {  	[spmem:s3] =	stream.indirect.scatter.add.f32 [tilespmem:s26], [sflag:$0x3], $0x40, s25, s22, $0xb8;
	[tilespmem:$0x12820] =	vst v63  }
0x68: {  	_ =	swait.ge [sflag:s19], $0x4000  }
0x69: {  	s9 =	sadd.s32 $0x200, s9;
	s11 =	smov.u32 s12;
	[sflag:s19] =	ssyncset.done $0x0  }
0x6a: {  	s11 =	sadd.s32 s10, s17;
	[sflag:s19] =	ssyncadd.s32 $0xFFFFC000  }
0x6b: {  	[tilespmem:s24], [sflag:$0x3] =	stream.linear.gather [hbm4b:s11+s4], $0x100, $0x38;
	[tilespmem:$0x12820] =	vst v63  }
0x6c: {  	_ =	swait.ge [sflag:s19], $0x100  }
0x6d: {  	[sflag:s19] =	ssyncset.done $0x0  }
0x6e: {  	s13 =	sadd.s32 s10, s16;
	[sflag:s19] =	ssyncadd.s32 $0xFFFFFF00  }
0x6f: {  	[tilespmem:s25], [sflag:$0x3] =	stream.linear.gather [hbm4b:s13+s4], $0x100, $0x38;
	[tilespmem:$0x12820] =	vst v63  }
0x70: {  	_ =	swait.ge [sflag:s19], $0x100  }
0x71: {  	[sflag:s19] =	ssyncset.done $0x0  }
0x72: {  	[sflag:s19] =	ssyncadd.s32 $0xFFFFFF00  }
0x73: {  	[tilespmem:s26], [sflag:$0x2] =	stream.indirect.gather [hbm4b:s1+s22], $0x40, s24, s22, $0xb8;
	[tilespmem:$0x12820] =	vst v63  }
0x74: {  	_ =	swait.ge [sflag:s28], $0x4000  }
0x75: {  	[sflag:s28] =	ssyncset.done $0x0  }
0x76: {  	[sflag:s28] =	ssyncadd.s32 $0xFFFFC000  }
0x77: {  	[spmem:s3] =	stream.indirect.scatter.add.f32 [tilespmem:s23], [sflag:$0x3], $0x40, s21, s22, $0xb8;
	[tilespmem:$0x12820] =	vst v63  }
0x78: {  	_ =	swait.ge [sflag:s19], $0x4000  }
0x79: {  	s9 =	sshrl.u32 s9, $0x3;
	[sflag:s19] =	ssyncset.done $0x0  }
0x7a: {  	s14 =	sadd.s32 s5, s9;
	[sflag:s19] =	ssyncadd.s32 $0xFFFFC000  }
0x7b: {  	[tilespmem:s20], [sflag:$0x3] =	stream.linear.gather [hbm4b:s14+s4], $0x100, $0x38;
	[tilespmem:$0x12820] =	vst v63  }
0x7c: {  	_ =	swait.ge [sflag:s19], $0x100  }
0x7d: {  	[sflag:s19] =	ssyncset.done $0x0  }
0x7e: {  	s9 =	sadd.s32 s6, s9;
	[sflag:s19] =	ssyncadd.s32 $0xFFFFFF00  }
0x7f: {  	[tilespmem:s21], [sflag:$0x3] =	stream.linear.gather [hbm4b:s9+s4], $0x100, $0x38;
	[tilespmem:$0x12820] =	vst v63  }
0x80: {  	_ =	swait.ge [sflag:s19], $0x100  }
0x81: {  	[sflag:s19] =	ssyncset.done $0x0  }
0x82: {  	[sflag:s19] =	ssyncadd.s32 $0xFFFFFF00  }
0x83: {  	[tilespmem:s23], [sflag:$0x1] =	stream.indirect.gather [hbm4b:s1+s22], $0x40, s20, s22, $0xb8;
	[tilespmem:$0x12820] =	vst v63  }
0x84: {  	_ =	swait.ge [sflag:s29], $0x4000  }
0x85: {  	[sflag:s29] =	ssyncset.done $0x0  }
0x86: {  	[sflag:s29] =	ssyncadd.s32 $0xFFFFC000  }
0x87: {  	[spmem:s3] =	stream.indirect.scatter.add.f32 [tilespmem:s26], [sflag:$0x3], $0x40, s25, s22, $0xb8;
	[tilespmem:$0x12820] =	vst v63  }
0x88: {  	_ =	swait.ge [sflag:s19], $0x4000  }
0x89: {  	[sflag:s19] =	ssyncset.done $0x0  }
0x8a: {  	[sflag:s19] =	ssyncadd.s32 $0xFFFFC000  }
0x8b: {  	_ =	swait.ge [sflag:s28], $0x4000  }
0x8c: {  	[sflag:s28] =	ssyncset.done $0x0  }
0x8d: {  	[sflag:s28] =	ssyncadd.s32 $0xFFFFC000  }
0x8e: {  	[spmem:s3] =	stream.indirect.scatter.add.f32 [tilespmem:s23], [sflag:$0x3], $0x40, s21, s22, $0xb8;
	[tilespmem:$0x12820] =	vst v63  }
0x8f: {  	_ =	swait.ge [sflag:s19], $0x4000  }
0x90: {  	[sflag:s19] =	ssyncset.done $0x0  }
0x91: {  	s11 =	rddreg [dreg:$0x7];
	[sflag:s19] =	ssyncadd.s32 $0xFFFFC000  }
0x92: {  	[tilespmem:s30], [sflag:$0x3] =	stream.linear.gather [hbm4b:s11+s4], $0x10, $0x38;
	[tilespmem:$0x12820] =	vst v63  }
0x93: {  	_ =	swait.ge [sflag:s19], $0x10  }
0x94: {  	[sflag:s19] =	ssyncset.done $0x0  }
0x95: {  	s12 =	rddreg [dreg:$0x8];
	[sflag:s19] =	ssyncadd.s32 $0xFFFFFFF0  }
0x96: {  	[tilespmem:s31], [sflag:$0x3] =	stream.linear.gather [hbm4b:s12+s4], $0x10, $0x38;
	[tilespmem:$0x12820] =	vst v63  }
0x97: {  	_ =	swait.ge [sflag:s19], $0x10  }
0x98: {  	[sflag:s19] =	ssyncset.done $0x0  }
0x99: {  	[sflag:s19] =	ssyncadd.s32 $0xFFFFFFF0  }
0x9a: {  	[tilespmem:s2], [sflag:$0x3] =	stream.indirect.gather [hbm4b:s1+s0], $0x40, s30, s0, $0xb8;
	[tilespmem:$0x12820] =	vst v63  }
0x9b: {  	_ =	swait.ge [sflag:s19], $0x400  }
0x9c: {  	[sflag:s19] =	ssyncset.done $0x0  }
0x9d: {  	[sflag:s19] =	ssyncadd.s32 $0xFFFFFC00  }
0x9e: {  	[spmem:s3] =	stream.indirect.scatter.add.f32 [tilespmem:s2], [sflag:$0x3], $0x40, s31, s0, $0xb8;
	[tilespmem:$0x12820] =	vst v63  }
0x9f: {  	_ =	swait.ge [sflag:s19], $0x400  }
0xa0: {  	[sflag:s19] =	ssyncset.done $0x0  }
0xa1: {  	[sflag:s19] =	ssyncadd.s32 $0xFFFFFC00  }
0xa2: {  	[bflag:$0x0] =	sbarrier.arrive $0xFFFF  }
0xa3: {  	s13 =	rddreg [dreg:$0x9]  }
0xa4: {  	[hbm:s13], [sflag:s8] =	dma.local [spmem:s18], $0x1400  }
0xa5: {  	_ =	swait.ge [sflag:s19], $0x1400  }
0xa6: {  	s7 =	sadd.s32 $0x1, s7;
	s14 =	rddreg [dreg:$0xa]  }
0xa7: {  	p0 =	sne.s32 s7, s14  }
.Ltmp1:
0xa8: {  	_ = 	snop;
	(pc) =	sbr.rel @p0 .LBB2_1-.Ltmp1, $3  }
0xa9: {  	_ =	sdelay $0x1  }
0xaa: {  	[sflag:s19] =	ssyncset.done $0x0  }
0xab: {  	[sflag:s19] =	ssyncadd.s32 $0xFFFFEC00  }
0xac: {  	_ =	sfence.sel $0x180000  }
0xad: {  	[bflag:$0x0] =	sbarrier.arrive $0xFFFF  }
0xae: {  	_ =	strace $0x9000004D  }
0xaf: {  	s0 =	stileid.u32;
	[bflag:$0x2] =	sbarrier.arrive $0xFFFF  }
0xb0: {  	p0 =	sne.s32 s0, $0x0;
	s0 =	rddreg [dreg:$0x3]  }
0xb1: {  	s0 =	sadd.s32 @!p0 $0x100000, s0  }
0xb2: {  	[sflag:s0] =	ssyncadd.tile.s32 @!p0 $0x1;
	_ =	shalt  }
.Lfunc_end2:
_tile_overlayer_lowered:
.L_overlay_start_2:
0xb3: {  	(tag) =	ssettag $0x2  }
0xb4: {  	s0 =	rddreg [dreg:$0x0];
	s2 =	stileid.u32  }
0xb5: {  	s1 =	rddreg [dreg:$0x1];
	p0 =	sne.s32 s2, $0x0  }
0xb6: {  	s3 =	rddreg [dreg:$0x2];
	[bflag:$0x3] =	sbarrier.arrive $0xFFFF;
	s2 =	simm.s32 @!p0 $0x1C03  }
0xb7: {  	[timem:s3], [sflag:s2] =	dma.local @!p0 [hbm:s0], s1  }
0xb8: {  	s0 =	simm.s32 @!p0 $0x3  }
0xb9: {  	_ =	swait.ge @!p0 [sflag:s0], s1  }
0xba: {  	s1 =	ssub.s32 @!p0 $0x0, s1;
	[sflag:s0] =	ssyncset.done @!p0 $0x0  }
0xbb: {  	[sflag:s0] =	ssyncadd.s32 @!p0 s1  }
0xbc: {  	[bflag:$0x3] =	sbarrier.arrive $0xFFFF  }
0xbd: {  	_ =	shalt  }

// kernel: kernel.8.cloned.1.call-start
scs
__scs_entry_jumppad:
0x0: {  	(pc) =	sbr.rel $0x88, $3  }
0x1: {  	(tag) =	ssettag $0x0;
	lr =	simm.s32 $0x1  }
0x2: {  	[smem:$0x3F93] =	sst lr;
	_ =	strace $0xD0000000  }
0x3: {  	_ = 	snop  }
0x4: {  	_ = 	snop  }
0x5: {  	_ = 	snop  }
0x6: {  	_ = 	snop  }
0x7: {  	_ = 	snop  }
__scs_overlays_trampoline_lowered:
0x8: {  	[smem:$0x3FA2] =	sst s0  }
0x9: {  	[smem:$0x3FA3] =	sst s1  }
0xa: {  	[smem:$0x3FA4] =	sst s2  }
0xb: {  	[smem:$0x3FA5] =	sst s3  }
0xc: {  	[smem:$0x3FA6] =	sst s4  }
0xd: {  	[smem:$0x3FA7] =	sst s5  }
0xe: {  	[smem:$0x3FA8] =	sst s6  }
0xf: {  	[smem:$0x3FA9] =	sst s7  }
0x10: {  	[smem:$0x3FAA] =	sst s8  }
0x11: {  	[smem:$0x3FAB] =	sst s9;
	s0 =	simm.s32 @!p0 $0x0  }
0x12: {  	s1 =	sld [smem:$0x3F91];
	s0 =	simm.s32 @p0 $0x1  }
0x13: {  	[smem:$0x3FAC] =	sst s0;
	s0 =	simm.s32 @!p1 $0x0  }
0x14: {  	s2 =	sld [smem:$0x3F90];
	s0 =	simm.s32 @p1 $0x1  }
0x15: {  	[smem:$0x3FAD] =	sst s0;
	s0 =	simm.s32 @!p2 $0x0  }
0x16: {  	s3 =	sld [smem:$0x3FDB];
	s0 =	simm.s32 @p2 $0x1  }
0x17: {  	s4 =	simm.s32 $0x1BF5;
	[smem:$0x3FAF] =	sst s0  }
0x18: {  	s0 =	sld [smem:$0x3F92];
	_ =	swait.ge [sflag:s4], $0x0  }
0x19: {  	s7 =	sld [smem:$0x3F93]  }
0x1a: {  	s8 =	sadd.s32 $0xFFFFE003, lr  }
0x1b: {  	s9 =	sadd.s32 $0xFFFFFEF7, lr;
	s5 =	simm.s32 $0xFFFFFFFF;
	p2 =	slt.u32 s8, $0xFFFFF086  }
0x1c: {  	p1 =	slt.u32 s9, $0xF7A;
	s5 =	simm.s32 @!p2 $0x0  }
0x1d: {  	s5 =	simm.s32 @p1 $0x1;
	p0 =	seq.s32 s7, s2  }
0x1e: {  	s7 =	smul.u32 @!p0 $0xF7A, s2;
	p2 =	seq.s32 @!p0 s5, $0x0  }
0x1f: {  	s9 =	smul.u32 $0xF7A, s1;
	s8 =	simm.s32 @!p0 $0x1BF5;
	p2 =	por !p2, p0  }
0x20: {  	[sflag:s8] =	ssyncset.s32 @!p0 $0xFFFFF086;
	s6 =	sadd.s32 @!p0 s3, s7;
	s7 =	simm.s32 @!p0 $0x108  }
0x21: {  	s3 =	sadd.s32 s3, s9;
	s6 =	sadd.s32 @!p0 $0x88, s6;
	s7 =	simm.s32 @p2 $0x1082  }
0x22: {  	[simem:s7], [sflag:s8] =	dma.local @!p0 [hbm:s6], $0xF7A  }
0x23: {  	s9 =	sor.u32 $0xD0000000, s2;
	s6 =	simm.s32 $0x108;
	_ =	swait.ge @!p0 [sflag:s8], $0x0  }
0x24: {  	s3 =	sadd.s32 $0x88, s3;
	s6 =	simm.s32 @!p1 $0x1082;
	[sflag:s4] =	ssyncset.s32 $0xFFFFF086  }
0x25: {  	[simem:s6], [sflag:s4] =	dma.local [hbm:s3], $0xF7A  }
0x26: {  	[smem:$0x3F93] =	sst s1;
	(tag) =	ssettag s2;
	_ =	strace s9  }
0x27: {  	s1 =	sld [smem:$0x3FA3]  }
0x28: {  	s2 =	sld [smem:$0x3FA4]  }
0x29: {  	s4 =	sld [smem:$0x3FA6]  }
0x2a: {  	p0 =	seq.s32 s5, $0x0;
	s5 =	sld [smem:$0x3FA7]  }
0x2b: {  	s6 =	sld [smem:$0x3FA8]  }
0x2c: {  	s7 =	sld [smem:$0x3FA9]  }
0x2d: {  	s3 =	simm.s32 $0x108;
	s8 =	sld [smem:$0x3FAA]  }
0x2e: {  	s3 =	simm.s32 @!p0 $0x1082;
	s9 =	sld [smem:$0x3FAB]  }
0x2f: {  	lr =	sadd.s32 s0, s3;
	s0 =	sld [smem:$0x3FA2]  }
0x30: {  	s3 =	sld [smem:$0x3FA5]  }
0x31: {  	[smem:$0x3FAE] =	sst s10  }
0x32: {  	s10 =	sld [smem:$0x3FAC];
	_ =	sdelay $0x3  }
0x33: {  	p0 =	seq.s32 s10, $0x1;
	s10 =	sld [smem:$0x3FAE];
	_ =	sdelay $0x3  }
0x34: {  	[smem:$0x3FAE] =	sst s10  }
0x35: {  	s10 =	sld [smem:$0x3FAD];
	_ =	sdelay $0x3  }
0x36: {  	p1 =	seq.s32 s10, $0x1;
	s10 =	sld [smem:$0x3FAE];
	_ =	sdelay $0x3  }
0x37: {  	[smem:$0x3FAE] =	sst s10  }
0x38: {  	s10 =	sld [smem:$0x3FAF]  }
0x39: {  	_ = 	snop;
	(pc) =	sbr.ind lr, $3  }
0x3a: {  	_ = 	snop  }
0x3b: {  	_ = 	snop  }
0x3c: {  	p2 =	seq.s32 s10, $0x1;
	s10 =	sld [smem:$0x3FAE]  }
0x3d: {  	_ =	shalt  }
0x3e: {  	_ =	shalt  }
0x3f: {  	_ =	shalt  }
0x40: {  	_ =	shalt  }
0x41: {  	_ =	shalt  }
0x42: {  	_ =	shalt  }
0x43: {  	_ =	shalt  }
0x44: {  	_ =	shalt  }
0x45: {  	_ =	shalt  }
0x46: {  	_ =	shalt  }
0x47: {  	_ =	shalt  }
0x48: {  	_ =	shalt  }
0x49: {  	_ =	shalt  }
0x4a: {  	_ =	shalt  }
0x4b: {  	_ =	shalt  }
0x4c: {  	_ =	shalt  }
0x4d: {  	_ =	shalt  }
0x4e: {  	_ =	shalt  }
0x4f: {  	_ =	shalt  }
0x50: {  	_ =	shalt  }
0x51: {  	_ =	shalt  }
0x52: {  	_ =	shalt  }
0x53: {  	_ =	shalt  }
0x54: {  	_ =	shalt  }
0x55: {  	_ =	shalt  }
0x56: {  	_ =	shalt  }
0x57: {  	_ =	shalt  }
0x58: {  	_ =	shalt  }
0x59: {  	_ =	shalt  }
0x5a: {  	_ =	shalt  }
0x5b: {  	_ =	shalt  }
0x5c: {  	_ =	shalt  }
0x5d: {  	_ =	shalt  }
0x5e: {  	_ =	shalt  }
0x5f: {  	_ =	shalt  }
0x60: {  	_ =	shalt  }
0x61: {  	_ =	shalt  }
0x62: {  	_ =	shalt  }
0x63: {  	_ =	shalt  }
0x64: {  	_ =	shalt  }
0x65: {  	_ =	shalt  }
0x66: {  	_ =	shalt  }
0x67: {  	_ =	shalt  }
0x68: {  	_ =	shalt  }
0x69: {  	_ =	shalt  }
0x6a: {  	_ =	shalt  }
0x6b: {  	_ =	shalt  }
0x6c: {  	_ =	shalt  }
0x6d: {  	_ =	shalt  }
0x6e: {  	_ =	shalt  }
0x6f: {  	_ =	shalt  }
0x70: {  	_ =	shalt  }
0x71: {  	_ =	shalt  }
0x72: {  	_ =	shalt  }
0x73: {  	_ =	shalt  }
0x74: {  	_ =	shalt  }
0x75: {  	_ =	shalt  }
0x76: {  	_ =	shalt  }
0x77: {  	_ =	shalt  }
0x78: {  	_ =	shalt  }
0x79: {  	_ =	shalt  }
0x7a: {  	_ =	shalt  }
0x7b: {  	_ =	shalt  }
0x7c: {  	_ =	shalt  }
0x7d: {  	_ =	shalt  }
0x7e: {  	_ =	shalt  }
0x7f: {  	_ =	shalt  }
0x80: {  	_ =	shalt  }
0x81: {  	_ =	shalt  }
0x82: {  	_ =	shalt  }
0x83: {  	_ =	shalt  }
0x84: {  	_ =	shalt  }
0x85: {  	_ =	shalt  }
0x86: {  	_ =	shalt  }
0x87: {  	_ =	shalt  }
.Lfunc_end0:
.L_simem_size_0:
called_computation_lowered:
.L_overlay_start_0:
0x88: {  	s2 =	sld [smem:$0x3FD9]  }
0x89: {  	s3 =	sld [smem:$0x3FFE];
	_ =	sdelay $0x1  }
0x8a: {  	s1 =	srdreg.scid  }
0x8b: {  	s0 =	sand.u32 $0x1, s1  }
0x8c: {  	s14 =	sshll.u32 s0, $0xA;
	s2 =	sadd.s32 s3, s2  }
0x8d: {  	s2 =	sadd.s32 s2, s14  }
0x8e: {  	[smem:$0x3FBA] =	sst s2  }
0x8f: {  	_ = 	snop  }
0x90: {  	s2 =	sld [smem:$0x3FD0];
	_ =	sdelay $0x2  }
0x91: {  	s15 =	simm.s32 $0xA;
	s4 =	simm.s32 $0x10  }
0x92: {  	[smem:s4], [sflag:s15] =	dma.local [hbm:s2], $0x1  }
0x93: {  	_ =	swait.eq [sflag:s15], $0x1  }
0x94: {  	[sflag:s15] =	ssyncset.done $0x0  }
0x95: {  	s16 =	sld [smem:$0x10];
	[sflag:s15] =	ssyncadd.s32 $0xFFFFFFFF  }
0x96: {  	s17 =	sld [smem:$0x11];
	(tm) =	ssettm $0x1  }
0x97: {  	s18 =	sld [smem:$0x3FFB];
	_ =	sdelay $0x3  }
0x98: {  	_ =	strace s18  }
0x99: {  	s4 =	sld [smem:$0x3FFC];
	_ =	sdelay $0x3  }
0x9a: {  	_ =	strace s4  }
0x9b: {  	s4 =	sld [smem:$0x3FFD];
	_ =	sdelay $0x3  }
0x9c: {  	_ =	strace s4  }
0x9d: {  	_ =	strace $0x8FFFFFFF  }
0x9e: {  	s19 =	sld [smem:$0x3FDB];
	_ =	sdelay $0x1  }
0x9f: {  	s5 =	simm.s32 $_scs_section_size  }
0xa0: {  	s6 =	simm.s32 $_size__tile_overlayer_lowered;
	s7 =	simm.s32 $_tile_overlayer_lowered  }
0xa1: {  	s22 =	simm.s32 $0x1BFF;
	s21 =	sshll.u32 s7, $0x1;
	s4 =	sadd.s32 s5, s19  }
0xa2: {  	s8 =	simm.s32 $0x0;
	s20 =	sshll.u32 s6, $0x1;
	s6 =	sadd.s32 s21, s4  }
0xa3: {  	[timem:s8], [sflag:s22] =	dma.local [hbm:s6], s20  }
0xa4: {  	_ =	swait.ge [sflag:s22], s20  }
0xa5: {  	s5 =	ssub.s32 $0x0, s20;
	[sflag:s22] =	ssyncset.done $0x0  }
0xa6: {  	[sflag:s22] =	ssyncadd.s32 s5;
	_ =	sdelay $0x1  }
0xa7: {  	s23 =	simm.s32 $0x1B8B  }
0xa8: {  	_ =	swait.ge [sflag:s23], $0x1  }
0xa9: {  	[sflag:s23] =	ssyncset.done $0x0  }
0xaa: {  	s25 =	simm.s32 $0x1B8E;
	s24 =	sld [smem:$0x3FFE];
	[sflag:s23] =	ssyncadd.s32 $0xFFFFFFFF  }
0xab: {  	s26 =	simm.s32 $execute0_lowered;
	[smem:$0x3FD2] =	sst s25  }
0xac: {  	s6 =	sshll.u32 s26, $0x1;
	_ =	strace $0x80000046;
	[dreg:$0x1] =	wrdreg $0xFFFFFFFF  }
0xad: {  	s28 =	simm.s32 $_size_execute0_lowered;
	s4 =	sadd.s32 s4, s6;
	[dreg:$0x0] =	wrdreg $0x0  }
0xae: {  	s6 =	sshll.u32 s28, $0x1;
	[dreg:$0x2] =	wrdreg s4  }
0xaf: {  	[dreg:$0x3] =	wrdreg s6  }
0xb0: {  	[dreg:$0x4] =	wrdreg $0xC0  }
0xb1: {  	_ =	task [dreg:s8], $0x5FFFF  }
0xb2: {  	[dreg:$0x1] =	wrdreg $0xFFFFFFFF  }
0xb3: {  	[dreg:$0x0] =	wrdreg $0x60  }
0xb4: {  	[dreg:$0x2] =	wrdreg s24  }
0xb5: {  	[dreg:$0x3] =	wrdreg s17  }
0xb6: {  	[dreg:$0x4] =	wrdreg s16  }
0xb7: {  	[dreg:$0x5] =	wrdreg $0x0  }
0xb8: {  	[dreg:$0x6] =	wrdreg $0x9  }
0xb9: {  	_ =	task.clear_ibuf [dreg:s8], $0x7FFFF;
	_ =	strace $0x90000046  }
0xba: {  	s29 =	simm.s32 $0x9;
	_ =	strace $0x80000048  }
0xbb: {  	_ =	swait.ge [sflag:s29], $0x1  }
0xbc: {  	[sflag:s29] =	ssyncadd.s32 $0xFFFFFFFF  }
0xbd: {  	_ =	strace $0x90000048  }
0xbe: {  	_ =	sfence  }
0xbf: {  	s30 =	sld [smem:$0x0];
	_ =	sdelay $0x2  }
0xc0: {  	s31 =	sshll.u32 s1, $0xD;
	s1 =	sshrl.u32 s1, $0x2  }
0xc1: {  	s3 =	sand.u32 $0x4000, s31;
	s1 =	sadd.s32 s1, s30  }
0xc2: {  	s0 =	sor.u32 s3, s0;
	s1 =	sshll.u32 s1, $0x11  }
0xc3: {  	s0 =	sor.u32 s1, s0  }
0xc4: {  	s0 =	sadd.s32 $0x8F2B, s0  }
0xc5: {  	[sflag:s0] =	ssyncadd.remote.s32 $0x1  }
0xc6: {  	_ =	sfence.sel $0xFFFF  }
0xc7: {  	[dreg:$0x0] =	wrdreg $0xFFFFFFFF;
	(pc) =	sbr.abs _section_cstart, $3  }
0xc8: {  	[dreg:$0x1] =	wrdreg $0xFFFFFFFF  }
0xc9: {  	_ =	task.clear_ibuf [dreg:s8], $0x2FFFF;
	_ =	strace $0x9FFFFFFF  }
0xca: {  	(tm) =	ssettm $0x7FFFFFFF  }
0xcb: {  	_ =	shalt  }
tec
execute0_lowered:
.L_overlay_start_1:
0x0: {  	(tag) =	ssettag $0x1  }
0x1: {  	s6 =	rddreg [dreg:$0x0]  }
0x2: {  	s1 =	rddreg [dreg:$0x1]  }
0x3: {  	s10 =	rddreg [dreg:$0x2];
	s2 =	srdreg.scid  }
0x4: {  	s0 =	stileid.u32;
	s3 =	rddreg [dreg:$0x3]  }
0x5: {  	s4 =	simm.s32 $0x0;
	s17 =	simm.s32 $0x1500;
	s18 =	simm.s32 $0x1910  }
0x6: {  	s19 =	simm.s32 $0x1400;
	s20 =	simm.s32 $0x1480;
	s21 =	simm.s32 $0x1  }
0x7: {  	s22 =	simm.s32 $0x80;
	s23 =	simm.s32 $0x2;
	s11 =	smul.u32 $0x280, s0  }
0x8: {  	s24 =	simm.s32 $0x1900;
	s25 =	simm.s32 $0x10;
	s13 =	smul.u32 $0x5000, s0  }
0x9: {  	s26 =	simm.s32 $0x0;
	s9 =	sand.u32 $0x1, s2;
	s14 =	smul.u32 $0x4E20, s0  }
0xa: {  	s5 =	sshll.u32 s0, $0x1;
	[smem:$0x7FF] =	sst s4;
	s15 =	smul.u32 $0x2710, s9  }
0xb: {  	s30 =	sshll.u32 s0, $0x6;
	s5 =	sor.u32 s9, s5;
	s31 =	smul.u32 $0x2800, s9  }
0xc: {  	_ =	strace $0x80000047;
	s7 =	ssub.s32 $0x2, s9;
	s8 =	smul.u32 $0x2710, s5  }
0xd: {  	s5 =	sadd.s32 $0x2800, s6;
	s12 =	sshrl.u32 s7, $0x1;
	s6 =	sadd.s32 $0x16400, s6  }
0xe: {  	s29 =	sshrl.u32 s13, $0x2;
	s10 =	sadd.s32 s10, s11;
	s12 =	ssub.s32 s7, s12  }
0xf: {  	s16 =	sadd.s32 s29, s3;
	s7 =	sor.u32 $0x1C03, s30;
	s14 =	sadd.s32 s15, s14  }
0x10: {  	s10 =	sadd.s32 s31, s10;
	s8 =	sshrl.u32 s8, $0x3;
	s15 =	sadd.s32 $0x80, s14  }
0x11: {  	s11 =	smax.u32 s12, $0x1;
	s13 =	sadd.s32 $0x100, s14;
	s8 =	sadd.s32 s5, s8  }
0x12: {  	s15 =	sshrl.u32 s15, $0x3;
	s9 =	sadd.s32 $0x4E0, s8;
	s12 =	sadd.s32 $0x4D0, s8  }
0x13: {  	s14 =	sadd.s32 s15, s5;
	s15 =	sshrl.u32 s16, $0x3;
	s16 =	simm.s32 $0x3  }
.LBB2_1:
0x14: {  	[spmem:s15], [sflag:s7] =	dma.local [hbm:s1], $0x280  }
0x15: {  	_ =	swait.ge [sflag:s16], $0x280  }
0x16: {  	[sflag:s16] =	ssyncset.done $0x0  }
0x17: {  	[sflag:s16] =	ssyncadd.s32 $0xFFFFFD80  }
0x18: {  	[tilespmem:s17], [sflag:$0x3] =	stream.linear.gather [hbm4b:s6+s4], $0x400, $0x38;
	[tilespmem:$0x1990] =	vst v63  }
0x19: {  	_ =	swait.ge [sflag:s16], $0x400  }
0x1a: {  	[sflag:s16] =	ssyncset.done $0x0  }
0x1b: {  	[sflag:s16] =	ssyncadd.s32 $0xFFFFFC00  }
0x1c: {  	[tilespmem:s18], [sflag:$0x3] =	stream.linear.gather [hbm4b:s6+s4], $0x80, $0x38;
	[tilespmem:$0x1990] =	vst v63  }
0x1d: {  	_ =	swait.ge [sflag:s16], $0x80  }
0x1e: {  	[sflag:s16] =	ssyncset.done $0x0  }
0x1f: {  	[sflag:s16] =	ssyncadd.s32 $0xFFFFFF80  }
0x20: {  	[bflag:$0x0] =	sbarrier.arrive $0xFFFF  }
0x21: {  	[tilespmem:s19], [sflag:$0x1] =	stream.linear.gather [hbm4b:s8+s4], $0x80, $0x38;
	[tilespmem:$0x1990] =	vst v63  }
0x22: {  	s28 =	sadd.s32 $0x0, s14  }
0x23: {  	[tilespmem:s20], [sflag:$0x2] =	stream.linear.gather [hbm4b:s28+s4], $0x80, $0x38;
	[tilespmem:$0x1990] =	vst v63  }
0x24: {  	_ =	swait.ge [sflag:s21], $0x80  }
0x25: {  	[sflag:s21] =	ssyncset.done $0x0  }
0x26: {  	[sflag:s21] =	ssyncadd.s32 $0xFFFFFF80  }
0x27: {  	[spmem:s3] =	stream.indirect.scatter.add.f32 [tilespmem:s17], [sflag:$0x3], $0x8, s19, s22, $0xb8;
	[tilespmem:$0x1990] =	vst v63  }
0x28: {  	_ =	swait.ge [sflag:s16], $0x400  }
0x29: {  	s28 =	sshrl.u32 s13, $0x3;
	[sflag:s16] =	ssyncset.done $0x0  }
0x2a: {  	s28 =	sadd.s32 s5, s28;
	[sflag:s16] =	ssyncadd.s32 $0xFFFFFC00  }
0x2b: {  	[tilespmem:s19], [sflag:$0x1] =	stream.linear.gather [hbm4b:s28+s4], $0x80, $0x38;
	[tilespmem:$0x1990] =	vst v63  }
0x2c: {  	_ =	swait.ge [sflag:s23], $0x80  }
0x2d: {  	[sflag:s23] =	ssyncset.done $0x0  }
0x2e: {  	[sflag:s23] =	ssyncadd.s32 $0xFFFFFF80  }
0x2f: {  	[spmem:s3] =	stream.indirect.scatter.add.f32 [tilespmem:s17], [sflag:$0x3], $0x8, s20, s22, $0xb8;
	[tilespmem:$0x1990] =	vst v63  }
0x30: {  	s29 =	simm.s32 $0x20;
	_ =	swait.ge [sflag:s16], $0x400  }
0x31: {  	s30 =	simm.s32 $0x40;
	s28 =	sadd.s32 $0x100, s13;
	[sflag:s16] =	ssyncset.done $0x0  }
.LBB2_2:
0x32: {  	s31 =	sadd.s32 s29, s14  }
0x33: {  	[sflag:s16] =	ssyncadd.s32 $0xFFFFFC00;
	s29 =	smov.u32 s30;
	s2 =	sadd.s32 $0x20, s30  }
0x34: {  	[tilespmem:s20], [sflag:$0x2] =	stream.linear.gather [hbm4b:s31+s4], $0x80, $0x38;
	[tilespmem:$0x1990] =	vst v63  }
0x35: {  	p0 =	sne.s32 s30, $0x4A0;
	_ =	swait.ge [sflag:s21], $0x80  }
0x36: {  	[sflag:s21] =	ssyncset.done $0x0  }
0x37: {  	[sflag:s21] =	ssyncadd.s32 $0xFFFFFF80  }
0x38: {  	[spmem:s3] =	stream.indirect.scatter.add.f32 [tilespmem:s17], [sflag:$0x3], $0x8, s19, s22, $0xb8;
	[tilespmem:$0x1990] =	vst v63  }
0x39: {  	_ =	swait.ge [sflag:s16], $0x400  }
0x3a: {  	s30 =	sshrl.u32 s28, $0x3;
	[sflag:s16] =	ssyncset.done $0x0  }
0x3b: {  	s30 =	sadd.s32 s5, s30;
	[sflag:s16] =	ssyncadd.s32 $0xFFFFFC00  }
0x3c: {  	[tilespmem:s19], [sflag:$0x1] =	stream.linear.gather [hbm4b:s30+s4], $0x80, $0x38;
	[tilespmem:$0x1990] =	vst v63  }
0x3d: {  	_ =	swait.ge [sflag:s23], $0x80  }
.Ltmp0:
0x3e: {  	[sflag:s23] =	ssyncset.done $0x0;
	(pc) =	sbr.rel @p0 .LBB2_2-.Ltmp0, $4  }
0x3f: {  	[sflag:s23] =	ssyncadd.s32 $0xFFFFFF80  }
0x40: {  	[spmem:s3] =	stream.indirect.scatter.add.f32 [tilespmem:s17], [sflag:$0x3], $0x8, s20, s22, $0xb8;
	[tilespmem:$0x1990] =	vst v63  }
0x41: {  	_ =	swait.ge [sflag:s16], $0x400  }
0x42: {  	s28 =	sadd.s32 $0x100, s28;
	s30 =	smov.u32 s2;
	[sflag:s16] =	ssyncset.done $0x0  }
0x43: {  	s2 =	sadd.s32 s29, s14;
	[sflag:s16] =	ssyncadd.s32 $0xFFFFFC00  }
0x44: {  	[tilespmem:s20], [sflag:$0x2] =	stream.linear.gather [hbm4b:s2+s4], $0x80, $0x38;
	[tilespmem:$0x1990] =	vst v63  }
0x45: {  	_ =	swait.ge [sflag:s21], $0x80  }
0x46: {  	[sflag:s21] =	ssyncset.done $0x0  }
0x47: {  	[sflag:s21] =	ssyncadd.s32 $0xFFFFFF80  }
0x48: {  	[spmem:s3] =	stream.indirect.scatter.add.f32 [tilespmem:s17], [sflag:$0x3], $0x8, s19, s22, $0xb8;
	[tilespmem:$0x1990] =	vst v63  }
0x49: {  	_ =	swait.ge [sflag:s16], $0x400  }
0x4a: {  	s31 =	sshrl.u32 s28, $0x3;
	[sflag:s16] =	ssyncset.done $0x0  }
0x4b: {  	s2 =	sadd.s32 s5, s31;
	[sflag:s16] =	ssyncadd.s32 $0xFFFFFC00  }
0x4c: {  	[tilespmem:s19], [sflag:$0x1] =	stream.linear.gather [hbm4b:s2+s4], $0x80, $0x38;
	[tilespmem:$0x1990] =	vst v63  }
0x4d: {  	_ =	swait.ge [sflag:s23], $0x80  }
0x4e: {  	[sflag:s23] =	ssyncset.done $0x0  }
0x4f: {  	[sflag:s23] =	ssyncadd.s32 $0xFFFFFF80  }
0x50: {  	[spmem:s3] =	stream.indirect.scatter.add.f32 [tilespmem:s17], [sflag:$0x3], $0x8, s20, s22, $0xb8;
	[tilespmem:$0x1990] =	vst v63  }
0x51: {  	_ =	swait.ge [sflag:s16], $0x400  }
0x52: {  	[sflag:s16] =	ssyncset.done $0x0  }
0x53: {  	[sflag:s16] =	ssyncadd.s32 $0xFFFFFC00  }
0x54: {  	[tilespmem:s20], [sflag:$0x2] =	stream.linear.gather [hbm4b:s12+s4], $0x80, $0x38;
	[tilespmem:$0x1990] =	vst v63  }
0x55: {  	_ =	swait.ge [sflag:s21], $0x80  }
0x56: {  	[sflag:s21] =	ssyncset.done $0x0  }
0x57: {  	[sflag:s21] =	ssyncadd.s32 $0xFFFFFF80  }
0x58: {  	[spmem:s3] =	stream.indirect.scatter.add.f32 [tilespmem:s17], [sflag:$0x3], $0x8, s19, s22, $0xb8;
	[tilespmem:$0x1990] =	vst v63  }
0x59: {  	_ =	swait.ge [sflag:s16], $0x400  }
0x5a: {  	[sflag:s16] =	ssyncset.done $0x0  }
0x5b: {  	[sflag:s16] =	ssyncadd.s32 $0xFFFFFC00  }
0x5c: {  	_ =	swait.ge [sflag:s23], $0x80  }
0x5d: {  	[sflag:s23] =	ssyncset.done $0x0  }
0x5e: {  	[sflag:s23] =	ssyncadd.s32 $0xFFFFFF80  }
0x5f: {  	[spmem:s3] =	stream.indirect.scatter.add.f32 [tilespmem:s17], [sflag:$0x3], $0x8, s20, s22, $0xb8;
	[tilespmem:$0x1990] =	vst v63  }
0x60: {  	_ =	swait.ge [sflag:s16], $0x400  }
0x61: {  	[sflag:s16] =	ssyncset.done $0x0  }
0x62: {  	[sflag:s16] =	ssyncadd.s32 $0xFFFFFC00  }
0x63: {  	[tilespmem:s24], [sflag:$0x3] =	stream.linear.gather [hbm4b:s9+s4], $0x10, $0x38;
	[tilespmem:$0x1990] =	vst v63  }
0x64: {  	_ =	swait.ge [sflag:s16], $0x10  }
0x65: {  	[sflag:s16] =	ssyncset.done $0x0  }
0x66: {  	[sflag:s16] =	ssyncadd.s32 $0xFFFFFFF0  }
0x67: {  	[spmem:s3] =	stream.indirect.scatter.add.f32 [tilespmem:s18], [sflag:$0x3], $0x8, s24, s25, $0xb8;
	[tilespmem:$0x1990] =	vst v63  }
0x68: {  	_ =	swait.ge [sflag:s16], $0x80  }
0x69: {  	s26 =	sadd.s32 $0x1, s26;
	[sflag:s16] =	ssyncset.done $0x0  }
0x6a: {  	p0 =	sne.s32 s26, s11;
	[sflag:s16] =	ssyncadd.s32 $0xFFFFFF80  }
.Ltmp1:
0x6b: {  	[bflag:$0x0] =	sbarrier.arrive $0xFFFF;
	(pc) =	sbr.rel @p0 .LBB2_1-.Ltmp1, $4  }
0x6c: {  	[hbm:s10], [sflag:s7] =	dma.local [spmem:s15], $0x280  }
0x6d: {  	_ =	swait.ge [sflag:s16], $0x280  }
0x6e: {  	[sflag:s16] =	ssyncset.done $0x0  }
0x6f: {  	[sflag:s16] =	ssyncadd.s32 $0xFFFFFD80  }
0x70: {  	_ =	sfence.sel $0x180000  }
0x71: {  	[bflag:$0x0] =	sbarrier.arrive $0xFFFF  }
0x72: {  	_ =	strace $0x90000047  }
0x73: {  	[bflag:$0x2] =	sbarrier.arrive $0xFFFF  }
0x74: {  	p0 =	sne.s32 s0, $0x0;
	s0 =	rddreg [dreg:$0x4]  }
0x75: {  	s0 =	sadd.s32 @!p0 $0x100000, s0  }
0x76: {  	[sflag:s0] =	ssyncadd.tile.s32 @!p0 $0x1;
	_ =	shalt  }
.Lfunc_end2:
_tile_overlayer_lowered:
.L_overlay_start_2:
0x77: {  	(tag) =	ssettag $0x2  }
0x78: {  	s0 =	rddreg [dreg:$0x0];
	s2 =	stileid.u32  }
0x79: {  	s1 =	rddreg [dreg:$0x1];
	p0 =	sne.s32 s2, $0x0  }
0x7a: {  	s3 =	rddreg [dreg:$0x2];
	[bflag:$0x3] =	sbarrier.arrive $0xFFFF;
	s2 =	simm.s32 @!p0 $0x1C03  }
0x7b: {  	[timem:s3], [sflag:s2] =	dma.local @!p0 [hbm:s0], s1  }
0x7c: {  	s0 =	simm.s32 @!p0 $0x3  }
0x7d: {  	_ =	swait.ge @!p0 [sflag:s0], s1  }
0x7e: {  	s1 =	ssub.s32 @!p0 $0x0, s1;
	[sflag:s0] =	ssyncset.done @!p0 $0x0  }
0x7f: {  	[sflag:s0] =	ssyncadd.s32 @!p0 s1  }
0x80: {  	[bflag:$0x3] =	sbarrier.arrive $0xFFFF  }
0x81: {  	_ =	shalt  }

</sc_bundles>
